<compile_context>
chip_gen: v7x
topology: tpu7x:2x2x1
jax: 0.10.2.dev20260603
libtpu: 0.0.44.dev20260713+nightly
codegen_flags: <defaults>
</compile_context>

<pallas_src>
import functools

import jax
import jax.numpy as jnp
from jax import lax
from jax.experimental import pallas as pl
from jax.experimental.pallas import tpu as pltpu
from jax.experimental.pallas import tpu_sc as plsc

N = 10000
D_IN = 256
H = 64
L = 4
E = 160000
MT = 2

NSUB = 16
CHUNK = 128
NCH = 80
EPT = NCH * CHUNK
EPAD = NSUB * EPT
NPAD = 10240
RPT = NPAD // NSUB

_HIGH = lax.Precision.HIGHEST


def _matT(x, w):
    return lax.dot_general(
        x, w,
        dimension_numbers=(((x.ndim - 1,), (1,)), ((), ())),
        preferred_element_type=jnp.float32,
        precision=_HIGH,
    )



@functools.cache
def _make_agg_sc():
    mesh = plsc.VectorSubcoreMesh(core_axis_name="c", subcore_axis_name="s")
    return pl.kernel(
        _agg_sc_body,
        out_type=jax.ShapeDtypeStruct((MT, NPAD, H), jnp.float32),
        mesh=mesh,
        scratch_types=[
            pltpu.VMEM((NCH, CHUNK), jnp.int32),
            pltpu.VMEM((NCH, CHUNK), jnp.int32),
            pltpu.VMEM((CHUNK, H), jnp.float32),
            pltpu.VMEM((CHUNK, H), jnp.float32),
            pltpu.VMEM_SHARED((NPAD, H), jnp.float32),
            pltpu.SemaphoreType.DMA,
            pltpu.SemaphoreType.DMA,
        ],
        compiler_params=pltpu.CompilerParams(use_tc_tiling_on_sc=False),
    )


def _agg_sc_body(p_hbm, src_hbm, dst_hbm, zeros_hbm, out_hbm,
                 srcv, dstv, rows0, rows1, acc, sem0, sem1):
    c = lax.axis_index("c")
    s = lax.axis_index("s")
    row0 = s * RPT
    pltpu.sync_copy(zeros_hbm.at[pl.ds(row0, RPT)], acc.at[pl.ds(row0, RPT)])
    pltpu.sync_copy(src_hbm.at[c, s], srcv)
    pltpu.sync_copy(dst_hbm.at[c, s], dstv)
    plsc.subcore_barrier()

    def _fire(j, buf, sem):
        pltpu.make_async_copy(p_hbm.at[srcv.at[j]], buf, sem).start()

    def _drain(j, buf, sem):
        pltpu.make_async_copy(p_hbm.at[srcv.at[j]], buf, sem).wait()

    _fire(0, rows0, sem0)

    def body(j2, carry):
        j = 2 * j2
        _fire(j + 1, rows1, sem1)
        _drain(j, rows0, sem0)
        pltpu.sync_copy(rows0, acc.at[dstv.at[j]], add=True)

        @pl.when(j2 != NCH // 2 - 1)
        def _():
            _fire(j + 2, rows0, sem0)

        _drain(j + 1, rows1, sem1)
        pltpu.sync_copy(rows1, acc.at[dstv.at[j + 1]], add=True)
        return carry

    lax.fori_loop(0, NCH // 2, body, 0)
    plsc.subcore_barrier()
    pltpu.sync_copy(acc.at[pl.ds(row0, RPT)], out_hbm.at[c, pl.ds(row0, RPT)])


@functools.cache
def _make_cnt_sc():
    mesh = plsc.VectorSubcoreMesh(core_axis_name="c", subcore_axis_name="s")
    return pl.kernel(
        _cnt_sc_body,
        out_type=jax.ShapeDtypeStruct((MT, NPAD, 16), jnp.float32),
        mesh=mesh,
        scratch_types=[
            pltpu.VMEM((NCH, CHUNK), jnp.int32),
            pltpu.VMEM((CHUNK, 16), jnp.float32),
            pltpu.VMEM_SHARED((NPAD, 16), jnp.float32),
        ],
        compiler_params=pltpu.CompilerParams(use_tc_tiling_on_sc=False),
    )


def _cnt_sc_body(dst_hbm, zeros_hbm, ones_hbm, out_hbm, dstv, onesv, acc):
    c = lax.axis_index("c")
    s = lax.axis_index("s")
    row0 = s * RPT
    pltpu.sync_copy(zeros_hbm.at[pl.ds(row0, RPT)], acc.at[pl.ds(row0, RPT)])
    pltpu.sync_copy(dst_hbm.at[c, s], dstv)
    pltpu.sync_copy(ones_hbm, onesv)
    plsc.subcore_barrier()

    def body(j, carry):
        pltpu.sync_copy(onesv, acc.at[dstv.at[j]], add=True)
        return carry

    lax.fori_loop(0, NCH, body, 0)
    plsc.subcore_barrier()
    pltpu.sync_copy(acc.at[pl.ds(row0, RPT)], out_hbm.at[c, pl.ds(row0, RPT)])



def _fold_body(wd0_ref, ws0_ref, wu0_ref, wdr_ref, wsr_ref, wur_ref,
               bd_ref, bs_ref, bu_ref,
               wa0_ref, wb0_ref, war_ref, wbr_ref, c_ref):
    for m in range(MT):
        u1 = wu0_ref[m, :, :H]
        u2 = wu0_ref[m, :, H:]
        wa0_ref[m] = jnp.dot(u1, wd0_ref[m], precision=_HIGH,
                             preferred_element_type=jnp.float32)
        wb0_ref[m] = jnp.dot(u2, ws0_ref[m], precision=_HIGH,
                             preferred_element_type=jnp.float32)
    for k in range((L - 1) * MT):
        u1 = wur_ref[k, :, :H]
        u2 = wur_ref[k, :, H:]
        war_ref[k] = jnp.dot(u1, wdr_ref[k], precision=_HIGH,
                             preferred_element_type=jnp.float32)
        wbr_ref[k] = jnp.dot(u2, wsr_ref[k], precision=_HIGH,
                             preferred_element_type=jnp.float32)
    for l in range(L):
        for m in range(MT):
            idx = l * MT + m
            if l == 0:
                u1 = wu0_ref[m, :, :H]
                u2 = wu0_ref[m, :, H:]
            else:
                u1 = wur_ref[(l - 1) * MT + m, :, :H]
                u2 = wur_ref[(l - 1) * MT + m, :, H:]
            c_ref[idx:idx + 1] = (_matT(bd_ref[idx:idx + 1], u1)
                                  + _matT(bs_ref[idx:idx + 1], u2)
                                  + bu_ref[idx:idx + 1])


def _fold_call(wd0, ws0, wu0, wdr, wsr, wur, bd, bs, bu):
    return pl.pallas_call(
        _fold_body,
        out_shape=[
            jax.ShapeDtypeStruct((MT, H, D_IN), jnp.float32),
            jax.ShapeDtypeStruct((MT, H, D_IN), jnp.float32),
            jax.ShapeDtypeStruct(((L - 1) * MT, H, H), jnp.float32),
            jax.ShapeDtypeStruct(((L - 1) * MT, H, H), jnp.float32),
            jax.ShapeDtypeStruct((L * MT, H), jnp.float32),
        ],
    )(wd0, ws0, wu0, wdr, wsr, wur, bd, bs, bu)


BN = 1000
NB = N // BN

_full = lambda shape: pl.BlockSpec(shape, lambda i: (0,) * len(shape))
_rows2 = pl.BlockSpec((BN, D_IN), lambda i: (i, 0))
_blk3 = lambda h: pl.BlockSpec((MT, BN, h), lambda i: (0, i, 0))


def _proj0_body(x_ref, wa_ref, wb_ref, pa_ref, pb_ref):
    x = x_ref[:, :]
    for m in range(MT):
        pa_ref[m] = _matT(x, wa_ref[m])
        pb_ref[m] = _matT(x, wb_ref[m])


def _proj0_call(x, wa0, wb0):
    return pl.pallas_call(
        _proj0_body,
        grid=(NB,),
        in_specs=[_rows2, _full((MT, H, D_IN)), _full((MT, H, D_IN))],
        out_specs=[_blk3(H), _blk3(H)],
        out_shape=[
            jax.ShapeDtypeStruct((MT, N, H), jnp.float32),
            jax.ShapeDtypeStruct((MT, N, H), jnp.float32),
        ],
    )(x, wa0, wb0)


def _emb_body(pa_ref, agg_ref, cnt_ref, wa1_ref, ba1_ref, wa2_ref, cv_ref,
              emb_ref, s_ref, ssum_ref, q_ref):
    i = pl.program_id(0)

    @pl.when(i == 0)
    def _():
        s_ref[:, :] = jnp.zeros_like(s_ref)
        ssum_ref[:, :] = jnp.zeros_like(ssum_ref)
        q_ref[:, :] = jnp.zeros_like(q_ref)

    es = []
    for m in range(MT):
        inv = 1.0 / jnp.maximum(cnt_ref[m, :, 0:1], 1.0)
        e = pa_ref[m] + agg_ref[m] * inv + cv_ref[m:m + 1]
        emb_ref[m] = e
        y = jnp.tanh(_matT(e, wa1_ref[:, :]) + ba1_ref[0:1])
        s_ref[m:m + 1] += jnp.sum(y * wa2_ref[0:1], axis=0, keepdims=True)
        ssum_ref[m:m + 1] += jnp.sum(e, axis=0, keepdims=True)
        es.append(e)
    q_ref[0:1] += jnp.sum(es[0] * es[0], axis=0, keepdims=True)
    q_ref[1:2] += jnp.sum(es[0] * es[1], axis=0, keepdims=True)
    q_ref[2:3] += jnp.sum(es[1] * es[1], axis=0, keepdims=True)


def _emb_call(pa, agg, cnt, wa1, ba1, wa2, cv):
    return pl.pallas_call(
        _emb_body,
        grid=(NB,),
        in_specs=[_blk3(H), _blk3(H), _blk3(16), _full((H, H)),
                  _full((1, H)), _full((1, H)), _full((MT, H))],
        out_specs=[_blk3(H), _full((MT, H)), _full((MT, H)), _full((3, H))],
        out_shape=[
            jax.ShapeDtypeStruct((MT, N, H), jnp.float32),
            jax.ShapeDtypeStruct((MT, H), jnp.float32),
            jax.ShapeDtypeStruct((MT, H), jnp.float32),
            jax.ShapeDtypeStruct((3, H), jnp.float32),
        ],
    )(pa, agg, cnt, wa1, ba1, wa2, cv)


def _bn_leaky(emb_ref, s_ref, ssum_ref, q_ref, gb_ref):
    ones = jnp.ones((H, H), jnp.float32)
    s = jnp.dot(s_ref[:, :], ones, precision=_HIGH,
                preferred_element_type=jnp.float32) * (1.0 / N)
    mx = jnp.max(s, axis=0, keepdims=True)
    ex = jnp.exp(s - mx)
    a = ex / jnp.sum(ex, axis=0, keepdims=True)
    a0 = a[0:1]
    a1 = a[1:2]
    mu = (a0 * ssum_ref[0:1] + a1 * ssum_ref[1:2]) * (1.0 / N)
    q = (a0 * a0 * q_ref[0:1] + 2.0 * a0 * a1 * q_ref[1:2]
         + a1 * a1 * q_ref[2:3]) * (1.0 / N)
    var = q - mu * mu
    rstd = lax.rsqrt(var + 1.0)
    hw = a0 * emb_ref[0] + a1 * emb_ref[1]
    hn = (hw - mu) * rstd * gb_ref[0:1] + gb_ref[1:2]
    return jnp.where(hn >= 0, hn, 0.01 * hn)


def _normproj_body(emb_ref, s_ref, ssum_ref, q_ref, gb_ref, wa_ref, wb_ref,
                   pa_ref, pb_ref):
    h = _bn_leaky(emb_ref, s_ref, ssum_ref, q_ref, gb_ref)
    for m in range(MT):
        pa_ref[m] = _matT(h, wa_ref[m])
        pb_ref[m] = _matT(h, wb_ref[m])


def _normproj_call(emb, s, ssum, q, gb, wa, wb):
    return pl.pallas_call(
        _normproj_body,
        grid=(NB,),
        in_specs=[_blk3(H), _full((MT, H)), _full((MT, H)), _full((3, H)),
                  _full((2, H)), _full((MT, H, H)), _full((MT, H, H))],
        out_specs=[_blk3(H), _blk3(H)],
        out_shape=[
            jax.ShapeDtypeStruct((MT, N, H), jnp.float32),
            jax.ShapeDtypeStruct((MT, N, H), jnp.float32),
        ],
    )(emb, s, ssum, q, gb, wa, wb)


def _normfc_body(emb_ref, s_ref, ssum_ref, q_ref, gb_ref, wf_ref, bf_ref,
                 out_ref):
    h = _bn_leaky(emb_ref, s_ref, ssum_ref, q_ref, gb_ref)
    out128 = _matT(h, wf_ref[:, :])
    out_ref[:, :] = out128[:, 0:1] + bf_ref[0, 0]


def _normfc_call(emb, s, ssum, q, gb, wf, bf):
    return pl.pallas_call(
        _normfc_body,
        grid=(NB,),
        in_specs=[_blk3(H), _full((MT, H)), _full((MT, H)), _full((3, H)),
                  _full((2, H)), _full((128, H)),
                  pl.BlockSpec(memory_space=pltpu.SMEM)],
        out_specs=pl.BlockSpec((BN, 1), lambda i: (i, 0)),
        out_shape=jax.ShapeDtypeStruct((N, 1), jnp.float32),
    )(emb, s, ssum, q, gb, wf, bf)



def _agg_call(p_flat, srcg, dstg, zeros64):
    return _make_agg_sc()(p_flat, srcg, dstg, zeros64)


def _cnt_call(dstg, zeros16, ones16):
    return _make_cnt_sc()(dstg, zeros16, ones16)


def _edge_arrays(edge_index_0, edge_index_1):
    srcs, dsts = [], []
    for m, ei in enumerate((edge_index_0, edge_index_1)):
        src = ei[0] + m * N
        dst = ei[1]
        pad = EPAD - E
        src = jnp.concatenate([src, jnp.zeros((pad,), jnp.int32)])
        dst = jnp.concatenate([dst, jnp.full((pad,), N, jnp.int32)])
        srcs.append(src.reshape(NSUB, NCH, CHUNK))
        dsts.append(dst.reshape(NSUB, NCH, CHUNK))
    return jnp.stack(srcs), jnp.stack(dsts)


def kernel(x, edge_index_0, edge_index_1, params):
    layers = params["layers"]

    wd0 = jnp.stack([layers[0]["convs"][m]["lin_dst"]["W"] for m in range(MT)])
    ws0 = jnp.stack([layers[0]["convs"][m]["lin_src"]["W"] for m in range(MT)])
    wu0 = jnp.stack([layers[0]["convs"][m]["lin_update"]["W"] for m in range(MT)])
    wdr = jnp.stack([layers[l]["convs"][m]["lin_dst"]["W"]
                     for l in range(1, L) for m in range(MT)])
    wsr = jnp.stack([layers[l]["convs"][m]["lin_src"]["W"]
                     for l in range(1, L) for m in range(MT)])
    wur = jnp.stack([layers[l]["convs"][m]["lin_update"]["W"]
                     for l in range(1, L) for m in range(MT)])
    bd = jnp.stack([layers[l]["convs"][m]["lin_dst"]["b"]
                    for l in range(L) for m in range(MT)])
    bs = jnp.stack([layers[l]["convs"][m]["lin_src"]["b"]
                    for l in range(L) for m in range(MT)])
    bu = jnp.stack([layers[l]["convs"][m]["lin_update"]["b"]
                    for l in range(L) for m in range(MT)])

    wa0, wb0, war, wbr, cvec = _fold_call(wd0, ws0, wu0, wdr, wsr, wur,
                                          bd, bs, bu)
    war = war.reshape(L - 1, MT, H, H)
    wbr = wbr.reshape(L - 1, MT, H, H)
    cvec = cvec.reshape(L, MT, H)

    srcg, dstg = _edge_arrays(edge_index_0, edge_index_1)
    zeros64 = jnp.zeros((NPAD, H), jnp.float32)
    zeros16 = jnp.zeros((NPAD, 16), jnp.float32)
    ones16 = jnp.ones((CHUNK, 16), jnp.float32)

    cnt = _cnt_call(dstg, zeros16, ones16)
    pa, pb = _proj0_call(x, wa0, wb0)

    for i in range(L):
        agg = _agg_call(pb.reshape(MT * N, H), srcg, dstg, zeros64)
        lp = layers[i]
        emb, s, ssum, q = _emb_call(
            pa, agg, cnt,
            lp["attn1"]["W"], lp["attn1"]["b"].reshape(1, -1),
            lp["attn2"]["W"], cvec[i])
        gb = jnp.stack([lp["bn_gamma"], lp["bn_beta"]])
        if i < L - 1:
            pa, pb = _normproj_call(emb, s, ssum, q, gb, war[i], wbr[i])
        else:
            wf_pad = jnp.pad(params["fc"]["W"], ((0, 127), (0, 0)))
            out = _normfc_call(emb, s, ssum, q, gb, wf_pad,
                               params["fc"]["b"].reshape(1, 1))
    return out

# --- scband reference (transcript-rebuilt; emitter-appended) ---
"""Pipeline reference for scband-hetero-gnn-33019708571913 (READ-ONLY COPY).

The authoritative reference and input builder live on the scoring server;
editing this copy changes nothing except your own understanding.
"""

import jax, jax.numpy as jnp
import numpy as np

N = 10000
D_IN = 256
H = 64
ATTN = 64
L = 4
E = 160000
MT = 2

def _lin(key, din, dout, bias=True):
    k1, k2 = jax.random.split(key)
    lim = 1.0 / np.sqrt(din)
    p = {"W": jax.random.uniform(k1, (dout, din), jnp.float32, -lim, lim)}
    if bias:
        p["b"] = jax.random.uniform(k2, (dout,), jnp.float32, -lim, lim)
    return p

def _make_params(key):
    layers = []
    for i in range(L):
        din = D_IN if i == 0 else H
        convs = []
        for m in range(MT):
            key, k1, k2, k3 = jax.random.split(key, 4)
            convs.append({"lin_src": _lin(k1, din, H), "lin_dst": _lin(k2, din, H), "lin_update": _lin(k3, 2 * H, H)})
        key, ka, kb = jax.random.split(key, 3)
        layers.append({"convs": convs, "attn1": _lin(ka, H, ATTN), "attn2": _lin(kb, ATTN, 1, bias=False), "bn_gamma": jnp.ones((H,), jnp.float32), "bn_beta": jnp.zeros((H,), jnp.float32)})
    key, kf = jax.random.split(key)
    return {"layers": layers, "fc": _lin(kf, H, 1)}

def setup_inputs(seed: int = 0):
    key = jax.random.key(seed)
    kx, k0, k1, kp = jax.random.split(key, 4)
    x = jax.random.normal(kx, (N, D_IN), dtype=jnp.float32)
    edge_index_0 = jax.random.randint(k0, (2, E), 0, N, dtype=jnp.int32)
    edge_index_1 = jax.random.randint(k1, (2, E), 0, N, dtype=jnp.int32)
    params = _make_params(kp)
    return {"x": x, "edge_index_0": edge_index_0, "edge_index_1": edge_index_1, "params": params}

def _apply_lin(p, x):
    y = x @ p["W"].T
    if "b" in p:
        y = y + p["b"]
    return y

def _forward(x, params, eis):
    h = x
    for i in range(L):
        lp = params["layers"][i]
        embs = []
        for m in range(MT):
            cp = lp["convs"][m]
            src = eis[m][0]
            dst = eis[m][1]
            # message_and_aggregate: sparse matmul with reduce='mean'
            agg = jax.ops.segment_sum(h[src], dst, num_segments=N)
            cnt = jax.ops.segment_sum(jnp.ones((src.shape[0],), jnp.float32), dst, num_segments=N)
            agg = agg / jnp.clip(cnt, 1.0, None)[:, None]
            # update: lin_dst(x_dst), lin_src(aggr), cat, lin_update
            dst_out = _apply_lin(cp["lin_dst"], h)
            src_out = _apply_lin(cp["lin_src"], agg)
            embs.append(_apply_lin(cp["lin_update"], jnp.concatenate([dst_out, src_out], axis=-1)))
        # attn aggregation across message types
        xs = jnp.stack(embs, axis=0)  # [MT, N, H]
        s = _apply_lin(lp["attn2"], jnp.tanh(_apply_lin(lp["attn1"], xs)))[..., 0]  # [MT, N]
        s = jnp.mean(s, axis=-1)  # [MT]
        alpha = jax.lax.stop_gradient(jax.nn.softmax(s, axis=0))
        h = jnp.sum(alpha[:, None, None] * xs, axis=0)
        # BatchNorm1d(hidden, eps=1.0) in training mode
        mu = jnp.mean(h, axis=0)
        var = jnp.var(h, axis=0)
        h = (h - mu) / jnp.sqrt(var + 1.0) * lp["bn_gamma"] + lp["bn_beta"]
        # LeakyReLU (default negative_slope=0.01)
        h = jnp.where(h >= 0, h, 0.01 * h)
    return _apply_lin(params["fc"], h)

def reference(x, edge_index_0, edge_index_1, params):
    return _forward(x, params, [edge_index_0, edge_index_1])

if __name__ == "__main__":
    import jax
    _d = setup_inputs()
    print(jax.jit(kernel)(*tuple(_d.values())))

</pallas_src>

<mosaic_0001>
#map = affine_map<(d0, d1) -> (0, 0)>
#map1 = affine_map<(d0, d1) -> (0, 0, 0, 0)>
#map2 = affine_map<(d0, d1) -> (0, 0, 0)>
module attributes {stable_mosaic.version = 14 : i64} {
  func.func @_agg_sc_body(%arg0: i32, %arg1: i32, %arg2: memref<20000x64xf32, #tpu.memory_space<hbm>>, %arg3: memref<2x16x80x128xi32, #tpu.memory_space<hbm>>, %arg4: memref<2x16x80x128xi32, #tpu.memory_space<hbm>>, %arg5: memref<10240x64xf32, #tpu.memory_space<hbm>>, %arg6: memref<2x10240x64xf32, #tpu.memory_space<hbm>>, %arg7: memref<80x128xi32, #tpu.memory_space<vmem>>, %arg8: memref<80x128xi32, #tpu.memory_space<vmem>>, %arg9: memref<128x64xf32, #tpu.memory_space<vmem>>, %arg10: memref<128x64xf32, #tpu.memory_space<vmem>>, %arg11: memref<10240x64xf32, #tpu.memory_space<vmem_shared>>, %arg12: memref<!tpu.dma_semaphore, #tpu.memory_space<semaphore_mem>>, %arg13: memref<!tpu.dma_semaphore, #tpu.memory_space<semaphore_mem>>) attributes {dimension_semantics = [#tpu.dimension_semantics<core_parallel>, #tpu.dimension_semantics<subcore_parallel>], iteration_bounds = array<i64: 2, 16>, scalar_prefetch = 0 : i64, scratch_operands = 7 : i64, tpu.core_type = #tpu.core_type<sc_vector_subcore>, window_params = [{transform_indices = #map}, {transform_indices = #map1}, {transform_indices = #map1}, {transform_indices = #map}, {transform_indices = #map2}]} {
    %mul3A = arith.constant 640 : i32
    %mul3A_0 = arith.muli %arg1, %mul3A : i32
    "tpu.region"() ({
      %run_scoped3A = tpu.sem_alloc : memref<!tpu.dma_semaphore, #tpu.memory_space<semaphore_mem>>
      %dma_start3A_13 = arith.constant 0 : i32
      %dma_start3A_14 = tpu.memref_slice %arg11[%mul3A_0, %dma_start3A_13] : memref<10240x64xf32, #tpu.memory_space<vmem_shared>> -> memref<640x64xf32, #tpu.memory_space<vmem_shared>>
      %dma_start3A_15 = arith.constant 0 : i32
      %dma_start3A_16 = tpu.memref_slice %arg5[%mul3A_0, %dma_start3A_15] : memref<10240x64xf32, #tpu.memory_space<hbm>> -> memref<640x64xf32, #tpu.memory_space<hbm>>
      tpu.enqueue_dma source(%dma_start3A_16 : memref<640x64xf32, #tpu.memory_space<hbm>>) target(%dma_start3A_14 : memref<640x64xf32, #tpu.memory_space<vmem_shared>>) target_semaphore(%run_scoped3A : memref<!tpu.dma_semaphore, #tpu.memory_space<semaphore_mem>>)
      %dma_wait3A = arith.constant 0 : i32
      %dma_wait3A_17 = tpu.memref_slice %arg11[%mul3A_0, %dma_wait3A] : memref<10240x64xf32, #tpu.memory_space<vmem_shared>> -> memref<640x64xf32, #tpu.memory_space<vmem_shared>>
      %dma_wait3A_18 = arith.constant 0 : i32
      %dma_wait3A_19 = tpu.memref_slice %arg5[%mul3A_0, %dma_wait3A_18] : memref<10240x64xf32, #tpu.memory_space<hbm>> -> memref<640x64xf32, #tpu.memory_space<hbm>>
      tpu.wait_dma2 semaphore(%run_scoped3A : memref<!tpu.dma_semaphore, #tpu.memory_space<semaphore_mem>>) src(%dma_wait3A_19 : memref<640x64xf32, #tpu.memory_space<hbm>>) dst(%dma_wait3A_17 : memref<640x64xf32, #tpu.memory_space<vmem_shared>>)
      tpu.yield
    }) : () -> ()
    "tpu.region"() ({
      %run_scoped3A = tpu.sem_alloc : memref<!tpu.dma_semaphore, #tpu.memory_space<semaphore_mem>>
      %dma_start3A_13 = arith.constant 0 : i32
      %dma_start3A_14 = arith.constant 0 : i32
      %dma_start3A_15 = tpu.memref_slice %arg3[%arg0, %arg1, %dma_start3A_13, %dma_start3A_14] : memref<2x16x80x128xi32, #tpu.memory_space<hbm>> -> memref<1x1x80x128xi32, #tpu.memory_space<hbm>>
      %dma_start3A_16 = tpu.memref_squeeze %dma_start3A_15 : memref<1x1x80x128xi32, #tpu.memory_space<hbm>> -> memref<80x128xi32, #tpu.memory_space<hbm>>
      %dma_start3A_17 = arith.constant 0 : i32
      %dma_start3A_18 = arith.constant 0 : i32
      %dma_start3A_19 = tpu.memref_slice %arg3[%arg0, %arg1, %dma_start3A_17, %dma_start3A_18] : memref<2x16x80x128xi32, #tpu.memory_space<hbm>> -> memref<1x1x80x128xi32, #tpu.memory_space<hbm>>
      %dma_start3A_20 = tpu.memref_squeeze %dma_start3A_19 : memref<1x1x80x128xi32, #tpu.memory_space<hbm>> -> memref<80x128xi32, #tpu.memory_space<hbm>>
      tpu.enqueue_dma source(%dma_start3A_20 : memref<80x128xi32, #tpu.memory_space<hbm>>) target(%arg7 : memref<80x128xi32, #tpu.memory_space<vmem>>) target_semaphore(%run_scoped3A : memref<!tpu.dma_semaphore, #tpu.memory_space<semaphore_mem>>)
      %dma_wait3A = arith.constant 0 : i32
      %dma_wait3A_21 = arith.constant 0 : i32
      %dma_wait3A_22 = tpu.memref_slice %arg3[%arg0, %arg1, %dma_wait3A, %dma_wait3A_21] : memref<2x16x80x128xi32, #tpu.memory_space<hbm>> -> memref<1x1x80x128xi32, #tpu.memory_space<hbm>>
      %dma_wait3A_23 = tpu.memref_squeeze %dma_wait3A_22 : memref<1x1x80x128xi32, #tpu.memory_space<hbm>> -> memref<80x128xi32, #tpu.memory_space<hbm>>
      %dma_wait3A_24 = arith.constant 0 : i32
      %dma_wait3A_25 = arith.constant 0 : i32
      %dma_wait3A_26 = tpu.memref_slice %arg3[%arg0, %arg1, %dma_wait3A_24, %dma_wait3A_25] : memref<2x16x80x128xi32, #tpu.memory_space<hbm>> -> memref<1x1x80x128xi32, #tpu.memory_space<hbm>>
      %dma_wait3A_27 = tpu.memref_squeeze %dma_wait3A_26 : memref<1x1x80x128xi32, #tpu.memory_space<hbm>> -> memref<80x128xi32, #tpu.memory_space<hbm>>
      tpu.wait_dma2 semaphore(%run_scoped3A : memref<!tpu.dma_semaphore, #tpu.memory_space<semaphore_mem>>) src(%dma_wait3A_27 : memref<80x128xi32, #tpu.memory_space<hbm>>) dst(%arg7 : memref<80x128xi32, #tpu.memory_space<vmem>>)
      tpu.yield
    }) : () -> ()
    "tpu.region"() ({
      %run_scoped3A = tpu.sem_alloc : memref<!tpu.dma_semaphore, #tpu.memory_space<semaphore_mem>>
      %dma_start3A_13 = arith.constant 0 : i32
      %dma_start3A_14 = arith.constant 0 : i32
      %dma_start3A_15 = tpu.memref_slice %arg4[%arg0, %arg1, %dma_start3A_13, %dma_start3A_14] : memref<2x16x80x128xi32, #tpu.memory_space<hbm>> -> memref<1x1x80x128xi32, #tpu.memory_space<hbm>>
      %dma_start3A_16 = tpu.memref_squeeze %dma_start3A_15 : memref<1x1x80x128xi32, #tpu.memory_space<hbm>> -> memref<80x128xi32, #tpu.memory_space<hbm>>
      %dma_start3A_17 = arith.constant 0 : i32
      %dma_start3A_18 = arith.constant 0 : i32
      %dma_start3A_19 = tpu.memref_slice %arg4[%arg0, %arg1, %dma_start3A_17, %dma_start3A_18] : memref<2x16x80x128xi32, #tpu.memory_space<hbm>> -> memref<1x1x80x128xi32, #tpu.memory_space<hbm>>
      %dma_start3A_20 = tpu.memref_squeeze %dma_start3A_19 : memref<1x1x80x128xi32, #tpu.memory_space<hbm>> -> memref<80x128xi32, #tpu.memory_space<hbm>>
      tpu.enqueue_dma source(%dma_start3A_20 : memref<80x128xi32, #tpu.memory_space<hbm>>) target(%arg8 : memref<80x128xi32, #tpu.memory_space<vmem>>) target_semaphore(%run_scoped3A : memref<!tpu.dma_semaphore, #tpu.memory_space<semaphore_mem>>)
      %dma_wait3A = arith.constant 0 : i32
      %dma_wait3A_21 = arith.constant 0 : i32
      %dma_wait3A_22 = tpu.memref_slice %arg4[%arg0, %arg1, %dma_wait3A, %dma_wait3A_21] : memref<2x16x80x128xi32, #tpu.memory_space<hbm>> -> memref<1x1x80x128xi32, #tpu.memory_space<hbm>>
      %dma_wait3A_23 = tpu.memref_squeeze %dma_wait3A_22 : memref<1x1x80x128xi32, #tpu.memory_space<hbm>> -> memref<80x128xi32, #tpu.memory_space<hbm>>
      %dma_wait3A_24 = arith.constant 0 : i32
      %dma_wait3A_25 = arith.constant 0 : i32
      %dma_wait3A_26 = tpu.memref_slice %arg4[%arg0, %arg1, %dma_wait3A_24, %dma_wait3A_25] : memref<2x16x80x128xi32, #tpu.memory_space<hbm>> -> memref<1x1x80x128xi32, #tpu.memory_space<hbm>>
      %dma_wait3A_27 = tpu.memref_squeeze %dma_wait3A_26 : memref<1x1x80x128xi32, #tpu.memory_space<hbm>> -> memref<80x128xi32, #tpu.memory_space<hbm>>
      tpu.wait_dma2 semaphore(%run_scoped3A : memref<!tpu.dma_semaphore, #tpu.memory_space<semaphore_mem>>) src(%dma_wait3A_27 : memref<80x128xi32, #tpu.memory_space<hbm>>) dst(%arg8 : memref<80x128xi32, #tpu.memory_space<vmem>>)
      tpu.yield
    }) : () -> ()
    %barrier3A = arith.constant 0 : index
    tpu.barrier barrier_id(%barrier3A)
    %dma_start3A = arith.constant 0 : i32
    %dma_start3A_1 = arith.constant 0 : i32
    %dma_start3A_2 = tpu.memref_slice %arg7[%dma_start3A, %dma_start3A_1] : memref<80x128xi32, #tpu.memory_space<vmem>> -> memref<1x128xi32, #tpu.memory_space<vmem>>
    %dma_start3A_3 = tpu.memref_squeeze %dma_start3A_2 : memref<1x128xi32, #tpu.memory_space<vmem>> -> memref<128xi32, #tpu.memory_space<vmem>>
    %dma_start3A_4 = arith.constant 0 : i32
    %dma_start3A_5 = arith.constant 0 : i32
    %dma_start3A_6 = tpu.memref_slice %arg2[%dma_start3A_4, %dma_start3A_5] : memref<20000x64xf32, #tpu.memory_space<hbm>> -> memref<20000x64xf32, #tpu.memory_space<hbm>>
    tpu.enqueue_indirect_dma source(%dma_start3A_6 : memref<20000x64xf32, #tpu.memory_space<hbm>>) target(%arg9 : memref<128x64xf32, #tpu.memory_space<vmem>>) offsets(%dma_start3A_3 : memref<128xi32, #tpu.memory_space<vmem>>) semaphore(%arg12 : memref<!tpu.dma_semaphore, #tpu.memory_space<semaphore_mem>>)
    %scan3A = arith.constant 0 : i32
    %scan3A_7 = arith.constant 0 : i32
    %scan3A_8 = arith.constant 40 : i32
    %scan3A_9 = arith.addi %scan3A_7, %scan3A_8 : i32
    %scan3A_10 = arith.constant 1 : i32
    scf.for %scan3A_13 = %scan3A_7 to %scan3A_9 step %scan3A_10  : i32 {
      %mul3A_14 = arith.constant 2 : i32
      %mul3A_15 = arith.muli %mul3A_14, %scan3A_13 : i32
      %add3A = arith.constant 1 : i32
      %add3A_16 = arith.addi %mul3A_15, %add3A : i32
      %dma_start3A_17 = arith.constant 0 : i32
      %dma_start3A_18 = tpu.memref_slice %arg7[%add3A_16, %dma_start3A_17] : memref<80x128xi32, #tpu.memory_space<vmem>> -> memref<1x128xi32, #tpu.memory_space<vmem>>
      %dma_start3A_19 = tpu.memref_squeeze %dma_start3A_18 : memref<1x128xi32, #tpu.memory_space<vmem>> -> memref<128xi32, #tpu.memory_space<vmem>>
      %dma_start3A_20 = arith.constant 0 : i32
      %dma_start3A_21 = arith.constant 0 : i32
      %dma_start3A_22 = tpu.memref_slice %arg2[%dma_start3A_20, %dma_start3A_21] : memref<20000x64xf32, #tpu.memory_space<hbm>> -> memref<20000x64xf32, #tpu.memory_space<hbm>>
      tpu.enqueue_indirect_dma source(%dma_start3A_22 : memref<20000x64xf32, #tpu.memory_space<hbm>>) target(%arg10 : memref<128x64xf32, #tpu.memory_space<vmem>>) offsets(%dma_start3A_19 : memref<128xi32, #tpu.memory_space<vmem>>) semaphore(%arg13 : memref<!tpu.dma_semaphore, #tpu.memory_space<semaphore_mem>>)
      %dma_wait3A = arith.constant 0 : i32
      %dma_wait3A_23 = tpu.memref_slice %arg7[%mul3A_15, %dma_wait3A] : memref<80x128xi32, #tpu.memory_space<vmem>> -> memref<1x128xi32, #tpu.memory_space<vmem>>
      %dma_wait3A_24 = tpu.memref_squeeze %dma_wait3A_23 : memref<1x128xi32, #tpu.memory_space<vmem>> -> memref<128xi32, #tpu.memory_space<vmem>>
      %dma_wait3A_25 = arith.constant 0 : i32
      %dma_wait3A_26 = arith.constant 0 : i32
      %dma_wait3A_27 = tpu.memref_slice %arg2[%dma_wait3A_25, %dma_wait3A_26] : memref<20000x64xf32, #tpu.memory_space<hbm>> -> memref<20000x64xf32, #tpu.memory_space<hbm>>
      tpu.wait_indirect_dma semaphore(%arg12 : memref<!tpu.dma_semaphore, #tpu.memory_space<semaphore_mem>>) src(%dma_wait3A_27 : memref<20000x64xf32, #tpu.memory_space<hbm>>) dst(%arg9 : memref<128x64xf32, #tpu.memory_space<vmem>>)
      "tpu.region"() ({
        %run_scoped3A = tpu.sem_alloc : memref<!tpu.dma_semaphore, #tpu.memory_space<semaphore_mem>>
        %dma_start3A_40 = arith.constant 0 : i32
        %dma_start3A_41 = tpu.memref_slice %arg8[%mul3A_15, %dma_start3A_40] : memref<80x128xi32, #tpu.memory_space<vmem>> -> memref<1x128xi32, #tpu.memory_space<vmem>>
        %dma_start3A_42 = tpu.memref_squeeze %dma_start3A_41 : memref<1x128xi32, #tpu.memory_space<vmem>> -> memref<128xi32, #tpu.memory_space<vmem>>
        %dma_start3A_43 = arith.constant 0 : i32
        %dma_start3A_44 = arith.constant 0 : i32
        %dma_start3A_45 = tpu.memref_slice %arg11[%dma_start3A_43, %dma_start3A_44] : memref<10240x64xf32, #tpu.memory_space<vmem_shared>> -> memref<10240x64xf32, #tpu.memory_space<vmem_shared>>
        tpu.enqueue_indirect_dma source(%arg9 : memref<128x64xf32, #tpu.memory_space<vmem>>) target(%dma_start3A_45 : memref<10240x64xf32, #tpu.memory_space<vmem_shared>>) offsets(%dma_start3A_42 : memref<128xi32, #tpu.memory_space<vmem>>) semaphore(%run_scoped3A : memref<!tpu.dma_semaphore, #tpu.memory_space<semaphore_mem>>) {add = true}
        %dma_wait3A_46 = arith.constant 0 : i32
        %dma_wait3A_47 = tpu.memref_slice %arg8[%mul3A_15, %dma_wait3A_46] : memref<80x128xi32, #tpu.memory_space<vmem>> -> memref<1x128xi32, #tpu.memory_space<vmem>>
        %dma_wait3A_48 = tpu.memref_squeeze %dma_wait3A_47 : memref<1x128xi32, #tpu.memory_space<vmem>> -> memref<128xi32, #tpu.memory_space<vmem>>
        %dma_wait3A_49 = arith.constant 0 : i32
        %dma_wait3A_50 = arith.constant 0 : i32
        %dma_wait3A_51 = tpu.memref_slice %arg11[%dma_wait3A_49, %dma_wait3A_50] : memref<10240x64xf32, #tpu.memory_space<vmem_shared>> -> memref<10240x64xf32, #tpu.memory_space<vmem_shared>>
        tpu.wait_indirect_dma semaphore(%run_scoped3A : memref<!tpu.dma_semaphore, #tpu.memory_space<semaphore_mem>>) src(%arg9 : memref<128x64xf32, #tpu.memory_space<vmem>>) dst(%dma_wait3A_51 : memref<10240x64xf32, #tpu.memory_space<vmem_shared>>)
        tpu.yield
      }) : () -> ()
      %ne3A = arith.constant 39 : i32
      %ne3A_28 = arith.cmpi ne, %scan3A_13, %ne3A : i32
      %convert_element_type3A = arith.extui %ne3A_28 : i1 to i32
      %cond3A = arith.constant 0 : i32
      %cond3A_29 = arith.cmpi ne, %convert_element_type3A, %cond3A : i32
      scf.if %cond3A_29 {
        %add3A_40 = arith.constant 2 : i32
        %add3A_41 = arith.addi %mul3A_15, %add3A_40 : i32
        %dma_start3A_42 = arith.constant 0 : i32
        %dma_start3A_43 = tpu.memref_slice %arg7[%add3A_41, %dma_start3A_42] : memref<80x128xi32, #tpu.memory_space<vmem>> -> memref<1x128xi32, #tpu.memory_space<vmem>>
        %dma_start3A_44 = tpu.memref_squeeze %dma_start3A_43 : memref<1x128xi32, #tpu.memory_space<vmem>> -> memref<128xi32, #tpu.memory_space<vmem>>
        %dma_start3A_45 = arith.constant 0 : i32
        %dma_start3A_46 = arith.constant 0 : i32
        %dma_start3A_47 = tpu.memref_slice %arg2[%dma_start3A_45, %dma_start3A_46] : memref<20000x64xf32, #tpu.memory_space<hbm>> -> memref<20000x64xf32, #tpu.memory_space<hbm>>
        tpu.enqueue_indirect_dma source(%dma_start3A_47 : memref<20000x64xf32, #tpu.memory_space<hbm>>) target(%arg9 : memref<128x64xf32, #tpu.memory_space<vmem>>) offsets(%dma_start3A_44 : memref<128xi32, #tpu.memory_space<vmem>>) semaphore(%arg12 : memref<!tpu.dma_semaphore, #tpu.memory_space<semaphore_mem>>)
      } else {
      }
      %add3A_30 = arith.constant 1 : i32
      %add3A_31 = arith.addi %mul3A_15, %add3A_30 : i32
      %dma_wait3A_32 = arith.constant 0 : i32
      %dma_wait3A_33 = tpu.memref_slice %arg7[%add3A_31, %dma_wait3A_32] : memref<80x128xi32, #tpu.memory_space<vmem>> -> memref<1x128xi32, #tpu.memory_space<vmem>>
      %dma_wait3A_34 = tpu.memref_squeeze %dma_wait3A_33 : memref<1x128xi32, #tpu.memory_space<vmem>> -> memref<128xi32, #tpu.memory_space<vmem>>
      %dma_wait3A_35 = arith.constant 0 : i32
      %dma_wait3A_36 = arith.constant 0 : i32
      %dma_wait3A_37 = tpu.memref_slice %arg2[%dma_wait3A_35, %dma_wait3A_36] : memref<20000x64xf32, #tpu.memory_space<hbm>> -> memref<20000x64xf32, #tpu.memory_space<hbm>>
      tpu.wait_indirect_dma semaphore(%arg13 : memref<!tpu.dma_semaphore, #tpu.memory_space<semaphore_mem>>) src(%dma_wait3A_37 : memref<20000x64xf32, #tpu.memory_space<hbm>>) dst(%arg10 : memref<128x64xf32, #tpu.memory_space<vmem>>)
      %add3A_38 = arith.constant 1 : i32
      %add3A_39 = arith.addi %mul3A_15, %add3A_38 : i32
      "tpu.region"() ({
        %run_scoped3A = tpu.sem_alloc : memref<!tpu.dma_semaphore, #tpu.memory_space<semaphore_mem>>
        %dma_start3A_40 = arith.constant 0 : i32
        %dma_start3A_41 = tpu.memref_slice %arg8[%add3A_39, %dma_start3A_40] : memref<80x128xi32, #tpu.memory_space<vmem>> -> memref<1x128xi32, #tpu.memory_space<vmem>>
        %dma_start3A_42 = tpu.memref_squeeze %dma_start3A_41 : memref<1x128xi32, #tpu.memory_space<vmem>> -> memref<128xi32, #tpu.memory_space<vmem>>
        %dma_start3A_43 = arith.constant 0 : i32
        %dma_start3A_44 = arith.constant 0 : i32
        %dma_start3A_45 = tpu.memref_slice %arg11[%dma_start3A_43, %dma_start3A_44] : memref<10240x64xf32, #tpu.memory_space<vmem_shared>> -> memref<10240x64xf32, #tpu.memory_space<vmem_shared>>
        tpu.enqueue_indirect_dma source(%arg10 : memref<128x64xf32, #tpu.memory_space<vmem>>) target(%dma_start3A_45 : memref<10240x64xf32, #tpu.memory_space<vmem_shared>>) offsets(%dma_start3A_42 : memref<128xi32, #tpu.memory_space<vmem>>) semaphore(%run_scoped3A : memref<!tpu.dma_semaphore, #tpu.memory_space<semaphore_mem>>) {add = true}
        %dma_wait3A_46 = arith.constant 0 : i32
        %dma_wait3A_47 = tpu.memref_slice %arg8[%add3A_39, %dma_wait3A_46] : memref<80x128xi32, #tpu.memory_space<vmem>> -> memref<1x128xi32, #tpu.memory_space<vmem>>
        %dma_wait3A_48 = tpu.memref_squeeze %dma_wait3A_47 : memref<1x128xi32, #tpu.memory_space<vmem>> -> memref<128xi32, #tpu.memory_space<vmem>>
        %dma_wait3A_49 = arith.constant 0 : i32
        %dma_wait3A_50 = arith.constant 0 : i32
        %dma_wait3A_51 = tpu.memref_slice %arg11[%dma_wait3A_49, %dma_wait3A_50] : memref<10240x64xf32, #tpu.memory_space<vmem_shared>> -> memref<10240x64xf32, #tpu.memory_space<vmem_shared>>
        tpu.wait_indirect_dma semaphore(%run_scoped3A : memref<!tpu.dma_semaphore, #tpu.memory_space<semaphore_mem>>) src(%arg10 : memref<128x64xf32, #tpu.memory_space<vmem>>) dst(%dma_wait3A_51 : memref<10240x64xf32, #tpu.memory_space<vmem_shared>>)
        tpu.yield
      }) : () -> ()
    }
    %scan3A_11 = arith.constant 40 : i32
    %barrier3A_12 = arith.constant 0 : index
    tpu.barrier barrier_id(%barrier3A_12)
    "tpu.region"() ({
      %run_scoped3A = tpu.sem_alloc : memref<!tpu.dma_semaphore, #tpu.memory_space<semaphore_mem>>
      %dma_start3A_13 = arith.constant 0 : i32
      %dma_start3A_14 = tpu.memref_slice %arg6[%arg0, %mul3A_0, %dma_start3A_13] : memref<2x10240x64xf32, #tpu.memory_space<hbm>> -> memref<1x640x64xf32, #tpu.memory_space<hbm>>
      %dma_start3A_15 = tpu.memref_squeeze %dma_start3A_14 : memref<1x640x64xf32, #tpu.memory_space<hbm>> -> memref<640x64xf32, #tpu.memory_space<hbm>>
      %dma_start3A_16 = arith.constant 0 : i32
      %dma_start3A_17 = tpu.memref_slice %arg11[%mul3A_0, %dma_start3A_16] : memref<10240x64xf32, #tpu.memory_space<vmem_shared>> -> memref<640x64xf32, #tpu.memory_space<vmem_shared>>
      tpu.enqueue_dma source(%dma_start3A_17 : memref<640x64xf32, #tpu.memory_space<vmem_shared>>) target(%dma_start3A_15 : memref<640x64xf32, #tpu.memory_space<hbm>>) target_semaphore(%run_scoped3A : memref<!tpu.dma_semaphore, #tpu.memory_space<semaphore_mem>>)
      %dma_wait3A = arith.constant 0 : i32
      %dma_wait3A_18 = tpu.memref_slice %arg6[%arg0, %mul3A_0, %dma_wait3A] : memref<2x10240x64xf32, #tpu.memory_space<hbm>> -> memref<1x640x64xf32, #tpu.memory_space<hbm>>
      %dma_wait3A_19 = tpu.memref_squeeze %dma_wait3A_18 : memref<1x640x64xf32, #tpu.memory_space<hbm>> -> memref<640x64xf32, #tpu.memory_space<hbm>>
      %dma_wait3A_20 = arith.constant 0 : i32
      %dma_wait3A_21 = tpu.memref_slice %arg11[%mul3A_0, %dma_wait3A_20] : memref<10240x64xf32, #tpu.memory_space<vmem_shared>> -> memref<640x64xf32, #tpu.memory_space<vmem_shared>>
      tpu.wait_dma2 semaphore(%run_scoped3A : memref<!tpu.dma_semaphore, #tpu.memory_space<semaphore_mem>>) src(%dma_wait3A_21 : memref<640x64xf32, #tpu.memory_space<vmem_shared>>) dst(%dma_wait3A_19 : memref<640x64xf32, #tpu.memory_space<hbm>>)
      tpu.yield
    }) : () -> ()
    return
  }
}

#map = affine_map<(d0, d1) -> (0, 0, 0, 0)>
#map1 = affine_map<(d0, d1) -> (0, 0)>
#map2 = affine_map<(d0, d1) -> (0, 0, 0)>
module attributes {stable_mosaic.version = 14 : i64} {
  func.func @_cnt_sc_body(%arg0: i32, %arg1: i32, %arg2: memref<2x16x80x128xi32, #tpu.memory_space<hbm>>, %arg3: memref<10240x16xf32, #tpu.memory_space<hbm>>, %arg4: memref<128x16xf32, #tpu.memory_space<hbm>>, %arg5: memref<2x10240x16xf32, #tpu.memory_space<hbm>>, %arg6: memref<80x128xi32, #tpu.memory_space<vmem>>, %arg7: memref<128x16xf32, #tpu.memory_space<vmem>>, %arg8: memref<10240x16xf32, #tpu.memory_space<vmem_shared>>) attributes {dimension_semantics = [#tpu.dimension_semantics<core_parallel>, #tpu.dimension_semantics<subcore_parallel>], iteration_bounds = array<i64: 2, 16>, scalar_prefetch = 0 : i64, scratch_operands = 3 : i64, tpu.core_type = #tpu.core_type<sc_vector_subcore>, window_params = [{transform_indices = #map}, {transform_indices = #map1}, {transform_indices = #map1}, {transform_indices = #map2}]} {
    %mul3A = arith.constant 640 : i32
    %mul3A_0 = arith.muli %arg1, %mul3A : i32
    "tpu.region"() ({
      %run_scoped3A = tpu.sem_alloc : memref<!tpu.dma_semaphore, #tpu.memory_space<semaphore_mem>>
      %dma_start3A = arith.constant 0 : i32
      %dma_start3A_7 = tpu.memref_slice %arg8[%mul3A_0, %dma_start3A] : memref<10240x16xf32, #tpu.memory_space<vmem_shared>> -> memref<640x16xf32, #tpu.memory_space<vmem_shared>>
      %dma_start3A_8 = arith.constant 0 : i32
      %dma_start3A_9 = tpu.memref_slice %arg3[%mul3A_0, %dma_start3A_8] : memref<10240x16xf32, #tpu.memory_space<hbm>> -> memref<640x16xf32, #tpu.memory_space<hbm>>
      tpu.enqueue_dma source(%dma_start3A_9 : memref<640x16xf32, #tpu.memory_space<hbm>>) target(%dma_start3A_7 : memref<640x16xf32, #tpu.memory_space<vmem_shared>>) target_semaphore(%run_scoped3A : memref<!tpu.dma_semaphore, #tpu.memory_space<semaphore_mem>>)
      %dma_wait3A = arith.constant 0 : i32
      %dma_wait3A_10 = tpu.memref_slice %arg8[%mul3A_0, %dma_wait3A] : memref<10240x16xf32, #tpu.memory_space<vmem_shared>> -> memref<640x16xf32, #tpu.memory_space<vmem_shared>>
      %dma_wait3A_11 = arith.constant 0 : i32
      %dma_wait3A_12 = tpu.memref_slice %arg3[%mul3A_0, %dma_wait3A_11] : memref<10240x16xf32, #tpu.memory_space<hbm>> -> memref<640x16xf32, #tpu.memory_space<hbm>>
      tpu.wait_dma2 semaphore(%run_scoped3A : memref<!tpu.dma_semaphore, #tpu.memory_space<semaphore_mem>>) src(%dma_wait3A_12 : memref<640x16xf32, #tpu.memory_space<hbm>>) dst(%dma_wait3A_10 : memref<640x16xf32, #tpu.memory_space<vmem_shared>>)
      tpu.yield
    }) : () -> ()
    "tpu.region"() ({
      %run_scoped3A = tpu.sem_alloc : memref<!tpu.dma_semaphore, #tpu.memory_space<semaphore_mem>>
      %dma_start3A = arith.constant 0 : i32
      %dma_start3A_7 = arith.constant 0 : i32
      %dma_start3A_8 = tpu.memref_slice %arg2[%arg0, %arg1, %dma_start3A, %dma_start3A_7] : memref<2x16x80x128xi32, #tpu.memory_space<hbm>> -> memref<1x1x80x128xi32, #tpu.memory_space<hbm>>
      %dma_start3A_9 = tpu.memref_squeeze %dma_start3A_8 : memref<1x1x80x128xi32, #tpu.memory_space<hbm>> -> memref<80x128xi32, #tpu.memory_space<hbm>>
      %dma_start3A_10 = arith.constant 0 : i32
      %dma_start3A_11 = arith.constant 0 : i32
      %dma_start3A_12 = tpu.memref_slice %arg2[%arg0, %arg1, %dma_start3A_10, %dma_start3A_11] : memref<2x16x80x128xi32, #tpu.memory_space<hbm>> -> memref<1x1x80x128xi32, #tpu.memory_space<hbm>>
      %dma_start3A_13 = tpu.memref_squeeze %dma_start3A_12 : memref<1x1x80x128xi32, #tpu.memory_space<hbm>> -> memref<80x128xi32, #tpu.memory_space<hbm>>
      tpu.enqueue_dma source(%dma_start3A_13 : memref<80x128xi32, #tpu.memory_space<hbm>>) target(%arg6 : memref<80x128xi32, #tpu.memory_space<vmem>>) target_semaphore(%run_scoped3A : memref<!tpu.dma_semaphore, #tpu.memory_space<semaphore_mem>>)
      %dma_wait3A = arith.constant 0 : i32
      %dma_wait3A_14 = arith.constant 0 : i32
      %dma_wait3A_15 = tpu.memref_slice %arg2[%arg0, %arg1, %dma_wait3A, %dma_wait3A_14] : memref<2x16x80x128xi32, #tpu.memory_space<hbm>> -> memref<1x1x80x128xi32, #tpu.memory_space<hbm>>
      %dma_wait3A_16 = tpu.memref_squeeze %dma_wait3A_15 : memref<1x1x80x128xi32, #tpu.memory_space<hbm>> -> memref<80x128xi32, #tpu.memory_space<hbm>>
      %dma_wait3A_17 = arith.constant 0 : i32
      %dma_wait3A_18 = arith.constant 0 : i32
      %dma_wait3A_19 = tpu.memref_slice %arg2[%arg0, %arg1, %dma_wait3A_17, %dma_wait3A_18] : memref<2x16x80x128xi32, #tpu.memory_space<hbm>> -> memref<1x1x80x128xi32, #tpu.memory_space<hbm>>
      %dma_wait3A_20 = tpu.memref_squeeze %dma_wait3A_19 : memref<1x1x80x128xi32, #tpu.memory_space<hbm>> -> memref<80x128xi32, #tpu.memory_space<hbm>>
      tpu.wait_dma2 semaphore(%run_scoped3A : memref<!tpu.dma_semaphore, #tpu.memory_space<semaphore_mem>>) src(%dma_wait3A_20 : memref<80x128xi32, #tpu.memory_space<hbm>>) dst(%arg6 : memref<80x128xi32, #tpu.memory_space<vmem>>)
      tpu.yield
    }) : () -> ()
    "tpu.region"() ({
      %run_scoped3A = tpu.sem_alloc : memref<!tpu.dma_semaphore, #tpu.memory_space<semaphore_mem>>
      tpu.enqueue_dma source(%arg4 : memref<128x16xf32, #tpu.memory_space<hbm>>) target(%arg7 : memref<128x16xf32, #tpu.memory_space<vmem>>) target_semaphore(%run_scoped3A : memref<!tpu.dma_semaphore, #tpu.memory_space<semaphore_mem>>)
      tpu.wait_dma2 semaphore(%run_scoped3A : memref<!tpu.dma_semaphore, #tpu.memory_space<semaphore_mem>>) src(%arg4 : memref<128x16xf32, #tpu.memory_space<hbm>>) dst(%arg7 : memref<128x16xf32, #tpu.memory_space<vmem>>)
      tpu.yield
    }) : () -> ()
    %barrier3A = arith.constant 0 : index
    tpu.barrier barrier_id(%barrier3A)
    %scan3A = arith.constant 0 : i32
    %scan3A_1 = arith.constant 0 : i32
    %scan3A_2 = arith.constant 80 : i32
    %scan3A_3 = arith.addi %scan3A_1, %scan3A_2 : i32
    %scan3A_4 = arith.constant 1 : i32
    scf.for %scan3A_7 = %scan3A_1 to %scan3A_3 step %scan3A_4  : i32 {
      "tpu.region"() ({
        %run_scoped3A = tpu.sem_alloc : memref<!tpu.dma_semaphore, #tpu.memory_space<semaphore_mem>>
        %dma_start3A = arith.constant 0 : i32
        %dma_start3A_8 = tpu.memref_slice %arg6[%scan3A_7, %dma_start3A] : memref<80x128xi32, #tpu.memory_space<vmem>> -> memref<1x128xi32, #tpu.memory_space<vmem>>
        %dma_start3A_9 = tpu.memref_squeeze %dma_start3A_8 : memref<1x128xi32, #tpu.memory_space<vmem>> -> memref<128xi32, #tpu.memory_space<vmem>>
        %dma_start3A_10 = arith.constant 0 : i32
        %dma_start3A_11 = arith.constant 0 : i32
        %dma_start3A_12 = tpu.memref_slice %arg8[%dma_start3A_10, %dma_start3A_11] : memref<10240x16xf32, #tpu.memory_space<vmem_shared>> -> memref<10240x16xf32, #tpu.memory_space<vmem_shared>>
        tpu.enqueue_indirect_dma source(%arg7 : memref<128x16xf32, #tpu.memory_space<vmem>>) target(%dma_start3A_12 : memref<10240x16xf32, #tpu.memory_space<vmem_shared>>) offsets(%dma_start3A_9 : memref<128xi32, #tpu.memory_space<vmem>>) semaphore(%run_scoped3A : memref<!tpu.dma_semaphore, #tpu.memory_space<semaphore_mem>>) {add = true}
        %dma_wait3A = arith.constant 0 : i32
        %dma_wait3A_13 = tpu.memref_slice %arg6[%scan3A_7, %dma_wait3A] : memref<80x128xi32, #tpu.memory_space<vmem>> -> memref<1x128xi32, #tpu.memory_space<vmem>>
        %dma_wait3A_14 = tpu.memref_squeeze %dma_wait3A_13 : memref<1x128xi32, #tpu.memory_space<vmem>> -> memref<128xi32, #tpu.memory_space<vmem>>
        %dma_wait3A_15 = arith.constant 0 : i32
        %dma_wait3A_16 = arith.constant 0 : i32
        %dma_wait3A_17 = tpu.memref_slice %arg8[%dma_wait3A_15, %dma_wait3A_16] : memref<10240x16xf32, #tpu.memory_space<vmem_shared>> -> memref<10240x16xf32, #tpu.memory_space<vmem_shared>>
        tpu.wait_indirect_dma semaphore(%run_scoped3A : memref<!tpu.dma_semaphore, #tpu.memory_space<semaphore_mem>>) src(%arg7 : memref<128x16xf32, #tpu.memory_space<vmem>>) dst(%dma_wait3A_17 : memref<10240x16xf32, #tpu.memory_space<vmem_shared>>)
        tpu.yield
      }) : () -> ()
    }
    %scan3A_5 = arith.constant 80 : i32
    %barrier3A_6 = arith.constant 0 : index
    tpu.barrier barrier_id(%barrier3A_6)
    "tpu.region"() ({
      %run_scoped3A = tpu.sem_alloc : memref<!tpu.dma_semaphore, #tpu.memory_space<semaphore_mem>>
      %dma_start3A = arith.constant 0 : i32
      %dma_start3A_7 = tpu.memref_slice %arg5[%arg0, %mul3A_0, %dma_start3A] : memref<2x10240x16xf32, #tpu.memory_space<hbm>> -> memref<1x640x16xf32, #tpu.memory_space<hbm>>
      %dma_start3A_8 = tpu.memref_squeeze %dma_start3A_7 : memref<1x640x16xf32, #tpu.memory_space<hbm>> -> memref<640x16xf32, #tpu.memory_space<hbm>>
      %dma_start3A_9 = arith.constant 0 : i32
      %dma_start3A_10 = tpu.memref_slice %arg8[%mul3A_0, %dma_start3A_9] : memref<10240x16xf32, #tpu.memory_space<vmem_shared>> -> memref<640x16xf32, #tpu.memory_space<vmem_shared>>
      tpu.enqueue_dma source(%dma_start3A_10 : memref<640x16xf32, #tpu.memory_space<vmem_shared>>) target(%dma_start3A_8 : memref<640x16xf32, #tpu.memory_space<hbm>>) target_semaphore(%run_scoped3A : memref<!tpu.dma_semaphore, #tpu.memory_space<semaphore_mem>>)
      %dma_wait3A = arith.constant 0 : i32
      %dma_wait3A_11 = tpu.memref_slice %arg5[%arg0, %mul3A_0, %dma_wait3A] : memref<2x10240x16xf32, #tpu.memory_space<hbm>> -> memref<1x640x16xf32, #tpu.memory_space<hbm>>
      %dma_wait3A_12 = tpu.memref_squeeze %dma_wait3A_11 : memref<1x640x16xf32, #tpu.memory_space<hbm>> -> memref<640x16xf32, #tpu.memory_space<hbm>>
      %dma_wait3A_13 = arith.constant 0 : i32
      %dma_wait3A_14 = tpu.memref_slice %arg8[%mul3A_0, %dma_wait3A_13] : memref<10240x16xf32, #tpu.memory_space<vmem_shared>> -> memref<640x16xf32, #tpu.memory_space<vmem_shared>>
      tpu.wait_dma2 semaphore(%run_scoped3A : memref<!tpu.dma_semaphore, #tpu.memory_space<semaphore_mem>>) src(%dma_wait3A_14 : memref<640x16xf32, #tpu.memory_space<vmem_shared>>) dst(%dma_wait3A_12 : memref<640x16xf32, #tpu.memory_space<hbm>>)
      tpu.yield
    }) : () -> ()
    return
  }
}

#map = affine_map<(d0, d1) -> (0, 0)>
#map1 = affine_map<(d0, d1) -> (0, 0, 0, 0)>
#map2 = affine_map<(d0, d1) -> (0, 0, 0)>
module attributes {stable_mosaic.version = 14 : i64} {
  func.func @_agg_sc_body(%arg0: i32, %arg1: i32, %arg2: memref<20000x64xf32, #tpu.memory_space<hbm>>, %arg3: memref<2x16x80x128xi32, #tpu.memory_space<hbm>>, %arg4: memref<2x16x80x128xi32, #tpu.memory_space<hbm>>, %arg5: memref<10240x64xf32, #tpu.memory_space<hbm>>, %arg6: memref<2x10240x64xf32, #tpu.memory_space<hbm>>, %arg7: memref<80x128xi32, #tpu.memory_space<vmem>>, %arg8: memref<80x128xi32, #tpu.memory_space<vmem>>, %arg9: memref<128x64xf32, #tpu.memory_space<vmem>>, %arg10: memref<128x64xf32, #tpu.memory_space<vmem>>, %arg11: memref<10240x64xf32, #tpu.memory_space<vmem_shared>>, %arg12: memref<!tpu.dma_semaphore, #tpu.memory_space<semaphore_mem>>, %arg13: memref<!tpu.dma_semaphore, #tpu.memory_space<semaphore_mem>>) attributes {dimension_semantics = [#tpu.dimension_semantics<core_parallel>, #tpu.dimension_semantics<subcore_parallel>], iteration_bounds = array<i64: 2, 16>, scalar_prefetch = 0 : i64, scratch_operands = 7 : i64, tpu.core_type = #tpu.core_type<sc_vector_subcore>, window_params = [{transform_indices = #map}, {transform_indices = #map1}, {transform_indices = #map1}, {transform_indices = #map}, {transform_indices = #map2}]} {
    %mul3A = arith.constant 640 : i32
    %mul3A_0 = arith.muli %arg1, %mul3A : i32
    "tpu.region"() ({
      %run_scoped3A = tpu.sem_alloc : memref<!tpu.dma_semaphore, #tpu.memory_space<semaphore_mem>>
      %dma_start3A_13 = arith.constant 0 : i32
      %dma_start3A_14 = tpu.memref_slice %arg11[%mul3A_0, %dma_start3A_13] : memref<10240x64xf32, #tpu.memory_space<vmem_shared>> -> memref<640x64xf32, #tpu.memory_space<vmem_shared>>
      %dma_start3A_15 = arith.constant 0 : i32
      %dma_start3A_16 = tpu.memref_slice %arg5[%mul3A_0, %dma_start3A_15] : memref<10240x64xf32, #tpu.memory_space<hbm>> -> memref<640x64xf32, #tpu.memory_space<hbm>>
      tpu.enqueue_dma source(%dma_start3A_16 : memref<640x64xf32, #tpu.memory_space<hbm>>) target(%dma_start3A_14 : memref<640x64xf32, #tpu.memory_space<vmem_shared>>) target_semaphore(%run_scoped3A : memref<!tpu.dma_semaphore, #tpu.memory_space<semaphore_mem>>)
      %dma_wait3A = arith.constant 0 : i32
      %dma_wait3A_17 = tpu.memref_slice %arg11[%mul3A_0, %dma_wait3A] : memref<10240x64xf32, #tpu.memory_space<vmem_shared>> -> memref<640x64xf32, #tpu.memory_space<vmem_shared>>
      %dma_wait3A_18 = arith.constant 0 : i32
      %dma_wait3A_19 = tpu.memref_slice %arg5[%mul3A_0, %dma_wait3A_18] : memref<10240x64xf32, #tpu.memory_space<hbm>> -> memref<640x64xf32, #tpu.memory_space<hbm>>
      tpu.wait_dma2 semaphore(%run_scoped3A : memref<!tpu.dma_semaphore, #tpu.memory_space<semaphore_mem>>) src(%dma_wait3A_19 : memref<640x64xf32, #tpu.memory_space<hbm>>) dst(%dma_wait3A_17 : memref<640x64xf32, #tpu.memory_space<vmem_shared>>)
      tpu.yield
    }) : () -> ()
    "tpu.region"() ({
      %run_scoped3A = tpu.sem_alloc : memref<!tpu.dma_semaphore, #tpu.memory_space<semaphore_mem>>
      %dma_start3A_13 = arith.constant 0 : i32
      %dma_start3A_14 = arith.constant 0 : i32
      %dma_start3A_15 = tpu.memref_slice %arg3[%arg0, %arg1, %dma_start3A_13, %dma_start3A_14] : memref<2x16x80x128xi32, #tpu.memory_space<hbm>> -> memref<1x1x80x128xi32, #tpu.memory_space<hbm>>
      %dma_start3A_16 = tpu.memref_squeeze %dma_start3A_15 : memref<1x1x80x128xi32, #tpu.memory_space<hbm>> -> memref<80x128xi32, #tpu.memory_space<hbm>>
      %dma_start3A_17 = arith.constant 0 : i32
      %dma_start3A_18 = arith.constant 0 : i32
      %dma_start3A_19 = tpu.memref_slice %arg3[%arg0, %arg1, %dma_start3A_17, %dma_start3A_18] : memref<2x16x80x128xi32, #tpu.memory_space<hbm>> -> memref<1x1x80x128xi32, #tpu.memory_space<hbm>>
      %dma_start3A_20 = tpu.memref_squeeze %dma_start3A_19 : memref<1x1x80x128xi32, #tpu.memory_space<hbm>> -> memref<80x128xi32, #tpu.memory_space<hbm>>
      tpu.enqueue_dma source(%dma_start3A_20 : memref<80x128xi32, #tpu.memory_space<hbm>>) target(%arg7 : memref<80x128xi32, #tpu.memory_space<vmem>>) target_semaphore(%run_scoped3A : memref<!tpu.dma_semaphore, #tpu.memory_space<semaphore_mem>>)
      %dma_wait3A = arith.constant 0 : i32
      %dma_wait3A_21 = arith.constant 0 : i32
      %dma_wait3A_22 = tpu.memref_slice %arg3[%arg0, %arg1, %dma_wait3A, %dma_wait3A_21] : memref<2x16x80x128xi32, #tpu.memory_space<hbm>> -> memref<1x1x80x128xi32, #tpu.memory_space<hbm>>
      %dma_wait3A_23 = tpu.memref_squeeze %dma_wait3A_22 : memref<1x1x80x128xi32, #tpu.memory_space<hbm>> -> memref<80x128xi32, #tpu.memory_space<hbm>>
      %dma_wait3A_24 = arith.constant 0 : i32
      %dma_wait3A_25 = arith.constant 0 : i32
      %dma_wait3A_26 = tpu.memref_slice %arg3[%arg0, %arg1, %dma_wait3A_24, %dma_wait3A_25] : memref<2x16x80x128xi32, #tpu.memory_space<hbm>> -> memref<1x1x80x128xi32, #tpu.memory_space<hbm>>
      %dma_wait3A_27 = tpu.memref_squeeze %dma_wait3A_26 : memref<1x1x80x128xi32, #tpu.memory_space<hbm>> -> memref<80x128xi32, #tpu.memory_space<hbm>>
      tpu.wait_dma2 semaphore(%run_scoped3A : memref<!tpu.dma_semaphore, #tpu.memory_space<semaphore_mem>>) src(%dma_wait3A_27 : memref<80x128xi32, #tpu.memory_space<hbm>>) dst(%arg7 : memref<80x128xi32, #tpu.memory_space<vmem>>)
      tpu.yield
    }) : () -> ()
    "tpu.region"() ({
      %run_scoped3A = tpu.sem_alloc : memref<!tpu.dma_semaphore, #tpu.memory_space<semaphore_mem>>
      %dma_start3A_13 = arith.constant 0 : i32
      %dma_start3A_14 = arith.constant 0 : i32
      %dma_start3A_15 = tpu.memref_slice %arg4[%arg0, %arg1, %dma_start3A_13, %dma_start3A_14] : memref<2x16x80x128xi32, #tpu.memory_space<hbm>> -> memref<1x1x80x128xi32, #tpu.memory_space<hbm>>
      %dma_start3A_16 = tpu.memref_squeeze %dma_start3A_15 : memref<1x1x80x128xi32, #tpu.memory_space<hbm>> -> memref<80x128xi32, #tpu.memory_space<hbm>>
      %dma_start3A_17 = arith.constant 0 : i32
      %dma_start3A_18 = arith.constant 0 : i32
      %dma_start3A_19 = tpu.memref_slice %arg4[%arg0, %arg1, %dma_start3A_17, %dma_start3A_18] : memref<2x16x80x128xi32, #tpu.memory_space<hbm>> -> memref<1x1x80x128xi32, #tpu.memory_space<hbm>>
      %dma_start3A_20 = tpu.memref_squeeze %dma_start3A_19 : memref<1x1x80x128xi32, #tpu.memory_space<hbm>> -> memref<80x128xi32, #tpu.memory_space<hbm>>
      tpu.enqueue_dma source(%dma_start3A_20 : memref<80x128xi32, #tpu.memory_space<hbm>>) target(%arg8 : memref<80x128xi32, #tpu.memory_space<vmem>>) target_semaphore(%run_scoped3A : memref<!tpu.dma_semaphore, #tpu.memory_space<semaphore_mem>>)
      %dma_wait3A = arith.constant 0 : i32
      %dma_wait3A_21 = arith.constant 0 : i32
      %dma_wait3A_22 = tpu.memref_slice %arg4[%arg0, %arg1, %dma_wait3A, %dma_wait3A_21] : memref<2x16x80x128xi32, #tpu.memory_space<hbm>> -> memref<1x1x80x128xi32, #tpu.memory_space<hbm>>
      %dma_wait3A_23 = tpu.memref_squeeze %dma_wait3A_22 : memref<1x1x80x128xi32, #tpu.memory_space<hbm>> -> memref<80x128xi32, #tpu.memory_space<hbm>>
      %dma_wait3A_24 = arith.constant 0 : i32
      %dma_wait3A_25 = arith.constant 0 : i32
      %dma_wait3A_26 = tpu.memref_slice %arg4[%arg0, %arg1, %dma_wait3A_24, %dma_wait3A_25] : memref<2x16x80x128xi32, #tpu.memory_space<hbm>> -> memref<1x1x80x128xi32, #tpu.memory_space<hbm>>
      %dma_wait3A_27 = tpu.memref_squeeze %dma_wait3A_26 : memref<1x1x80x128xi32, #tpu.memory_space<hbm>> -> memref<80x128xi32, #tpu.memory_space<hbm>>
      tpu.wait_dma2 semaphore(%run_scoped3A : memref<!tpu.dma_semaphore, #tpu.memory_space<semaphore_mem>>) src(%dma_wait3A_27 : memref<80x128xi32, #tpu.memory_space<hbm>>) dst(%arg8 : memref<80x128xi32, #tpu.memory_space<vmem>>)
      tpu.yield
    }) : () -> ()
    %barrier3A = arith.constant 0 : index
    tpu.barrier barrier_id(%barrier3A)
    %dma_start3A = arith.constant 0 : i32
    %dma_start3A_1 = arith.constant 0 : i32
    %dma_start3A_2 = tpu.memref_slice %arg7[%dma_start3A, %dma_start3A_1] : memref<80x128xi32, #tpu.memory_space<vmem>> -> memref<1x128xi32, #tpu.memory_space<vmem>>
    %dma_start3A_3 = tpu.memref_squeeze %dma_start3A_2 : memref<1x128xi32, #tpu.memory_space<vmem>> -> memref<128xi32, #tpu.memory_space<vmem>>
    %dma_start3A_4 = arith.constant 0 : i32
    %dma_start3A_5 = arith.constant 0 : i32
    %dma_start3A_6 = tpu.memref_slice %arg2[%dma_start3A_4, %dma_start3A_5] : memref<20000x64xf32, #tpu.memory_space<hbm>> -> memref<20000x64xf32, #tpu.memory_space<hbm>>
    tpu.enqueue_indirect_dma source(%dma_start3A_6 : memref<20000x64xf32, #tpu.memory_space<hbm>>) target(%arg9 : memref<128x64xf32, #tpu.memory_space<vmem>>) offsets(%dma_start3A_3 : memref<128xi32, #tpu.memory_space<vmem>>) semaphore(%arg12 : memref<!tpu.dma_semaphore, #tpu.memory_space<semaphore_mem>>)
    %scan3A = arith.constant 0 : i32
    %scan3A_7 = arith.constant 0 : i32
    %scan3A_8 = arith.constant 40 : i32
    %scan3A_9 = arith.addi %scan3A_7, %scan3A_8 : i32
    %scan3A_10 = arith.constant 1 : i32
    scf.for %scan3A_13 = %scan3A_7 to %scan3A_9 step %scan3A_10  : i32 {
      %mul3A_14 = arith.constant 2 : i32
      %mul3A_15 = arith.muli %mul3A_14, %scan3A_13 : i32
      %add3A = arith.constant 1 : i32
      %add3A_16 = arith.addi %mul3A_15, %add3A : i32
      %dma_start3A_17 = arith.constant 0 : i32
      %dma_start3A_18 = tpu.memref_slice %arg7[%add3A_16, %dma_start3A_17] : memref<80x128xi32, #tpu.memory_space<vmem>> -> memref<1x128xi32, #tpu.memory_space<vmem>>
      %dma_start3A_19 = tpu.memref_squeeze %dma_start3A_18 : memref<1x128xi32, #tpu.memory_space<vmem>> -> memref<128xi32, #tpu.memory_space<vmem>>
      %dma_start3A_20 = arith.constant 0 : i32
      %dma_start3A_21 = arith.constant 0 : i32
      %dma_start3A_22 = tpu.memref_slice %arg2[%dma_start3A_20, %dma_start3A_21] : memref<20000x64xf32, #tpu.memory_space<hbm>> -> memref<20000x64xf32, #tpu.memory_space<hbm>>
      tpu.enqueue_indirect_dma source(%dma_start3A_22 : memref<20000x64xf32, #tpu.memory_space<hbm>>) target(%arg10 : memref<128x64xf32, #tpu.memory_space<vmem>>) offsets(%dma_start3A_19 : memref<128xi32, #tpu.memory_space<vmem>>) semaphore(%arg13 : memref<!tpu.dma_semaphore, #tpu.memory_space<semaphore_mem>>)
      %dma_wait3A = arith.constant 0 : i32
      %dma_wait3A_23 = tpu.memref_slice %arg7[%mul3A_15, %dma_wait3A] : memref<80x128xi32, #tpu.memory_space<vmem>> -> memref<1x128xi32, #tpu.memory_space<vmem>>
      %dma_wait3A_24 = tpu.memref_squeeze %dma_wait3A_23 : memref<1x128xi32, #tpu.memory_space<vmem>> -> memref<128xi32, #tpu.memory_space<vmem>>
      %dma_wait3A_25 = arith.constant 0 : i32
      %dma_wait3A_26 = arith.constant 0 : i32
      %dma_wait3A_27 = tpu.memref_slice %arg2[%dma_wait3A_25, %dma_wait3A_26] : memref<20000x64xf32, #tpu.memory_space<hbm>> -> memref<20000x64xf32, #tpu.memory_space<hbm>>
      tpu.wait_indirect_dma semaphore(%arg12 : memref<!tpu.dma_semaphore, #tpu.memory_space<semaphore_mem>>) src(%dma_wait3A_27 : memref<20000x64xf32, #tpu.memory_space<hbm>>) dst(%arg9 : memref<128x64xf32, #tpu.memory_space<vmem>>)
      "tpu.region"() ({
        %run_scoped3A = tpu.sem_alloc : memref<!tpu.dma_semaphore, #tpu.memory_space<semaphore_mem>>
        %dma_start3A_40 = arith.constant 0 : i32
        %dma_start3A_41 = tpu.memref_slice %arg8[%mul3A_15, %dma_start3A_40] : memref<80x128xi32, #tpu.memory_space<vmem>> -> memref<1x128xi32, #tpu.memory_space<vmem>>
        %dma_start3A_42 = tpu.memref_squeeze %dma_start3A_41 : memref<1x128xi32, #tpu.memory_space<vmem>> -> memref<128xi32, #tpu.memory_space<vmem>>
        %dma_start3A_43 = arith.constant 0 : i32
        %dma_start3A_44 = arith.constant 0 : i32
        %dma_start3A_45 = tpu.memref_slice %arg11[%dma_start3A_43, %dma_start3A_44] : memref<10240x64xf32, #tpu.memory_space<vmem_shared>> -> memref<10240x64xf32, #tpu.memory_space<vmem_shared>>
        tpu.enqueue_indirect_dma source(%arg9 : memref<128x64xf32, #tpu.memory_space<vmem>>) target(%dma_start3A_45 : memref<10240x64xf32, #tpu.memory_space<vmem_shared>>) offsets(%dma_start3A_42 : memref<128xi32, #tpu.memory_space<vmem>>) semaphore(%run_scoped3A : memref<!tpu.dma_semaphore, #tpu.memory_space<semaphore_mem>>) {add = true}
        %dma_wait3A_46 = arith.constant 0 : i32
        %dma_wait3A_47 = tpu.memref_slice %arg8[%mul3A_15, %dma_wait3A_46] : memref<80x128xi32, #tpu.memory_space<vmem>> -> memref<1x128xi32, #tpu.memory_space<vmem>>
        %dma_wait3A_48 = tpu.memref_squeeze %dma_wait3A_47 : memref<1x128xi32, #tpu.memory_space<vmem>> -> memref<128xi32, #tpu.memory_space<vmem>>
        %dma_wait3A_49 = arith.constant 0 : i32
        %dma_wait3A_50 = arith.constant 0 : i32
        %dma_wait3A_51 = tpu.memref_slice %arg11[%dma_wait3A_49, %dma_wait3A_50] : memref<10240x64xf32, #tpu.memory_space<vmem_shared>> -> memref<10240x64xf32, #tpu.memory_space<vmem_shared>>
        tpu.wait_indirect_dma semaphore(%run_scoped3A : memref<!tpu.dma_semaphore, #tpu.memory_space<semaphore_mem>>) src(%arg9 : memref<128x64xf32, #tpu.memory_space<vmem>>) dst(%dma_wait3A_51 : memref<10240x64xf32, #tpu.memory_space<vmem_shared>>)
        tpu.yield
      }) : () -> ()
      %ne3A = arith.constant 39 : i32
      %ne3A_28 = arith.cmpi ne, %scan3A_13, %ne3A : i32
      %convert_element_type3A = arith.extui %ne3A_28 : i1 to i32
      %cond3A = arith.constant 0 : i32
      %cond3A_29 = arith.cmpi ne, %convert_element_type3A, %cond3A : i32
      scf.if %cond3A_29 {
        %add3A_40 = arith.constant 2 : i32
        %add3A_41 = arith.addi %mul3A_15, %add3A_40 : i32
        %dma_start3A_42 = arith.constant 0 : i32
        %dma_start3A_43 = tpu.memref_slice %arg7[%add3A_41, %dma_start3A_42] : memref<80x128xi32, #tpu.memory_space<vmem>> -> memref<1x128xi32, #tpu.memory_space<vmem>>
        %dma_start3A_44 = tpu.memref_squeeze %dma_start3A_43 : memref<1x128xi32, #tpu.memory_space<vmem>> -> memref<128xi32, #tpu.memory_space<vmem>>
        %dma_start3A_45 = arith.constant 0 : i32
        %dma_start3A_46 = arith.constant 0 : i32
        %dma_start3A_47 = tpu.memref_slice %arg2[%dma_start3A_45, %dma_start3A_46] : memref<20000x64xf32, #tpu.memory_space<hbm>> -> memref<20000x64xf32, #tpu.memory_space<hbm>>
        tpu.enqueue_indirect_dma source(%dma_start3A_47 : memref<20000x64xf32, #tpu.memory_space<hbm>>) target(%arg9 : memref<128x64xf32, #tpu.memory_space<vmem>>) offsets(%dma_start3A_44 : memref<128xi32, #tpu.memory_space<vmem>>) semaphore(%arg12 : memref<!tpu.dma_semaphore, #tpu.memory_space<semaphore_mem>>)
      } else {
      }
      %add3A_30 = arith.constant 1 : i32
      %add3A_31 = arith.addi %mul3A_15, %add3A_30 : i32
      %dma_wait3A_32 = arith.constant 0 : i32
      %dma_wait3A_33 = tpu.memref_slice %arg7[%add3A_31, %dma_wait3A_32] : memref<80x128xi32, #tpu.memory_space<vmem>> -> memref<1x128xi32, #tpu.memory_space<vmem>>
      %dma_wait3A_34 = tpu.memref_squeeze %dma_wait3A_33 : memref<1x128xi32, #tpu.memory_space<vmem>> -> memref<128xi32, #tpu.memory_space<vmem>>
      %dma_wait3A_35 = arith.constant 0 : i32
      %dma_wait3A_36 = arith.constant 0 : i32
      %dma_wait3A_37 = tpu.memref_slice %arg2[%dma_wait3A_35, %dma_wait3A_36] : memref<20000x64xf32, #tpu.memory_space<hbm>> -> memref<20000x64xf32, #tpu.memory_space<hbm>>
      tpu.wait_indirect_dma semaphore(%arg13 : memref<!tpu.dma_semaphore, #tpu.memory_space<semaphore_mem>>) src(%dma_wait3A_37 : memref<20000x64xf32, #tpu.memory_space<hbm>>) dst(%arg10 : memref<128x64xf32, #tpu.memory_space<vmem>>)
      %add3A_38 = arith.constant 1 : i32
      %add3A_39 = arith.addi %mul3A_15, %add3A_38 : i32
      "tpu.region"() ({
        %run_scoped3A = tpu.sem_alloc : memref<!tpu.dma_semaphore, #tpu.memory_space<semaphore_mem>>
        %dma_start3A_40 = arith.constant 0 : i32
        %dma_start3A_41 = tpu.memref_slice %arg8[%add3A_39, %dma_start3A_40] : memref<80x128xi32, #tpu.memory_space<vmem>> -> memref<1x128xi32, #tpu.memory_space<vmem>>
        %dma_start3A_42 = tpu.memref_squeeze %dma_start3A_41 : memref<1x128xi32, #tpu.memory_space<vmem>> -> memref<128xi32, #tpu.memory_space<vmem>>
        %dma_start3A_43 = arith.constant 0 : i32
        %dma_start3A_44 = arith.constant 0 : i32
        %dma_start3A_45 = tpu.memref_slice %arg11[%dma_start3A_43, %dma_start3A_44] : memref<10240x64xf32, #tpu.memory_space<vmem_shared>> -> memref<10240x64xf32, #tpu.memory_space<vmem_shared>>
        tpu.enqueue_indirect_dma source(%arg10 : memref<128x64xf32, #tpu.memory_space<vmem>>) target(%dma_start3A_45 : memref<10240x64xf32, #tpu.memory_space<vmem_shared>>) offsets(%dma_start3A_42 : memref<128xi32, #tpu.memory_space<vmem>>) semaphore(%run_scoped3A : memref<!tpu.dma_semaphore, #tpu.memory_space<semaphore_mem>>) {add = true}
        %dma_wait3A_46 = arith.constant 0 : i32
        %dma_wait3A_47 = tpu.memref_slice %arg8[%add3A_39, %dma_wait3A_46] : memref<80x128xi32, #tpu.memory_space<vmem>> -> memref<1x128xi32, #tpu.memory_space<vmem>>
        %dma_wait3A_48 = tpu.memref_squeeze %dma_wait3A_47 : memref<1x128xi32, #tpu.memory_space<vmem>> -> memref<128xi32, #tpu.memory_space<vmem>>
        %dma_wait3A_49 = arith.constant 0 : i32
        %dma_wait3A_50 = arith.constant 0 : i32
        %dma_wait3A_51 = tpu.memref_slice %arg11[%dma_wait3A_49, %dma_wait3A_50] : memref<10240x64xf32, #tpu.memory_space<vmem_shared>> -> memref<10240x64xf32, #tpu.memory_space<vmem_shared>>
        tpu.wait_indirect_dma semaphore(%run_scoped3A : memref<!tpu.dma_semaphore, #tpu.memory_space<semaphore_mem>>) src(%arg10 : memref<128x64xf32, #tpu.memory_space<vmem>>) dst(%dma_wait3A_51 : memref<10240x64xf32, #tpu.memory_space<vmem_shared>>)
        tpu.yield
      }) : () -> ()
    }
    %scan3A_11 = arith.constant 40 : i32
    %barrier3A_12 = arith.constant 0 : index
    tpu.barrier barrier_id(%barrier3A_12)
    "tpu.region"() ({
      %run_scoped3A = tpu.sem_alloc : memref<!tpu.dma_semaphore, #tpu.memory_space<semaphore_mem>>
      %dma_start3A_13 = arith.constant 0 : i32
      %dma_start3A_14 = tpu.memref_slice %arg6[%arg0, %mul3A_0, %dma_start3A_13] : memref<2x10240x64xf32, #tpu.memory_space<hbm>> -> memref<1x640x64xf32, #tpu.memory_space<hbm>>
      %dma_start3A_15 = tpu.memref_squeeze %dma_start3A_14 : memref<1x640x64xf32, #tpu.memory_space<hbm>> -> memref<640x64xf32, #tpu.memory_space<hbm>>
      %dma_start3A_16 = arith.constant 0 : i32
      %dma_start3A_17 = tpu.memref_slice %arg11[%mul3A_0, %dma_start3A_16] : memref<10240x64xf32, #tpu.memory_space<vmem_shared>> -> memref<640x64xf32, #tpu.memory_space<vmem_shared>>
      tpu.enqueue_dma source(%dma_start3A_17 : memref<640x64xf32, #tpu.memory_space<vmem_shared>>) target(%dma_start3A_15 : memref<640x64xf32, #tpu.memory_space<hbm>>) target_semaphore(%run_scoped3A : memref<!tpu.dma_semaphore, #tpu.memory_space<semaphore_mem>>)
      %dma_wait3A = arith.constant 0 : i32
      %dma_wait3A_18 = tpu.memref_slice %arg6[%arg0, %mul3A_0, %dma_wait3A] : memref<2x10240x64xf32, #tpu.memory_space<hbm>> -> memref<1x640x64xf32, #tpu.memory_space<hbm>>
      %dma_wait3A_19 = tpu.memref_squeeze %dma_wait3A_18 : memref<1x640x64xf32, #tpu.memory_space<hbm>> -> memref<640x64xf32, #tpu.memory_space<hbm>>
      %dma_wait3A_20 = arith.constant 0 : i32
      %dma_wait3A_21 = tpu.memref_slice %arg11[%mul3A_0, %dma_wait3A_20] : memref<10240x64xf32, #tpu.memory_space<vmem_shared>> -> memref<640x64xf32, #tpu.memory_space<vmem_shared>>
      tpu.wait_dma2 semaphore(%run_scoped3A : memref<!tpu.dma_semaphore, #tpu.memory_space<semaphore_mem>>) src(%dma_wait3A_21 : memref<640x64xf32, #tpu.memory_space<vmem_shared>>) dst(%dma_wait3A_19 : memref<640x64xf32, #tpu.memory_space<hbm>>)
      tpu.yield
    }) : () -> ()
    return
  }
}

#map = affine_map<(d0, d1) -> (0, 0)>
#map1 = affine_map<(d0, d1) -> (0, 0, 0, 0)>
#map2 = affine_map<(d0, d1) -> (0, 0, 0)>
module attributes {stable_mosaic.version = 14 : i64} {
  func.func @_agg_sc_body(%arg0: i32, %arg1: i32, %arg2: memref<20000x64xf32, #tpu.memory_space<hbm>>, %arg3: memref<2x16x80x128xi32, #tpu.memory_space<hbm>>, %arg4: memref<2x16x80x128xi32, #tpu.memory_space<hbm>>, %arg5: memref<10240x64xf32, #tpu.memory_space<hbm>>, %arg6: memref<2x10240x64xf32, #tpu.memory_space<hbm>>, %arg7: memref<80x128xi32, #tpu.memory_space<vmem>>, %arg8: memref<80x128xi32, #tpu.memory_space<vmem>>, %arg9: memref<128x64xf32, #tpu.memory_space<vmem>>, %arg10: memref<128x64xf32, #tpu.memory_space<vmem>>, %arg11: memref<10240x64xf32, #tpu.memory_space<vmem_shared>>, %arg12: memref<!tpu.dma_semaphore, #tpu.memory_space<semaphore_mem>>, %arg13: memref<!tpu.dma_semaphore, #tpu.memory_space<semaphore_mem>>) attributes {dimension_semantics = [#tpu.dimension_semantics<core_parallel>, #tpu.dimension_semantics<subcore_parallel>], iteration_bounds = array<i64: 2, 16>, scalar_prefetch = 0 : i64, scratch_operands = 7 : i64, tpu.core_type = #tpu.core_type<sc_vector_subcore>, window_params = [{transform_indices = #map}, {transform_indices = #map1}, {transform_indices = #map1}, {transform_indices = #map}, {transform_indices = #map2}]} {
    %mul3A = arith.constant 640 : i32
    %mul3A_0 = arith.muli %arg1, %mul3A : i32
    "tpu.region"() ({
      %run_scoped3A = tpu.sem_alloc : memref<!tpu.dma_semaphore, #tpu.memory_space<semaphore_mem>>
      %dma_start3A_13 = arith.constant 0 : i32
      %dma_start3A_14 = tpu.memref_slice %arg11[%mul3A_0, %dma_start3A_13] : memref<10240x64xf32, #tpu.memory_space<vmem_shared>> -> memref<640x64xf32, #tpu.memory_space<vmem_shared>>
      %dma_start3A_15 = arith.constant 0 : i32
      %dma_start3A_16 = tpu.memref_slice %arg5[%mul3A_0, %dma_start3A_15] : memref<10240x64xf32, #tpu.memory_space<hbm>> -> memref<640x64xf32, #tpu.memory_space<hbm>>
      tpu.enqueue_dma source(%dma_start3A_16 : memref<640x64xf32, #tpu.memory_space<hbm>>) target(%dma_start3A_14 : memref<640x64xf32, #tpu.memory_space<vmem_shared>>) target_semaphore(%run_scoped3A : memref<!tpu.dma_semaphore, #tpu.memory_space<semaphore_mem>>)
      %dma_wait3A = arith.constant 0 : i32
      %dma_wait3A_17 = tpu.memref_slice %arg11[%mul3A_0, %dma_wait3A] : memref<10240x64xf32, #tpu.memory_space<vmem_shared>> -> memref<640x64xf32, #tpu.memory_space<vmem_shared>>
      %dma_wait3A_18 = arith.constant 0 : i32
      %dma_wait3A_19 = tpu.memref_slice %arg5[%mul3A_0, %dma_wait3A_18] : memref<10240x64xf32, #tpu.memory_space<hbm>> -> memref<640x64xf32, #tpu.memory_space<hbm>>
      tpu.wait_dma2 semaphore(%run_scoped3A : memref<!tpu.dma_semaphore, #tpu.memory_space<semaphore_mem>>) src(%dma_wait3A_19 : memref<640x64xf32, #tpu.memory_space<hbm>>) dst(%dma_wait3A_17 : memref<640x64xf32, #tpu.memory_space<vmem_shared>>)
      tpu.yield
    }) : () -> ()
    "tpu.region"() ({
      %run_scoped3A = tpu.sem_alloc : memref<!tpu.dma_semaphore, #tpu.memory_space<semaphore_mem>>
      %dma_start3A_13 = arith.constant 0 : i32
      %dma_start3A_14 = arith.constant 0 : i32
      %dma_start3A_15 = tpu.memref_slice %arg3[%arg0, %arg1, %dma_start3A_13, %dma_start3A_14] : memref<2x16x80x128xi32, #tpu.memory_space<hbm>> -> memref<1x1x80x128xi32, #tpu.memory_space<hbm>>
      %dma_start3A_16 = tpu.memref_squeeze %dma_start3A_15 : memref<1x1x80x128xi32, #tpu.memory_space<hbm>> -> memref<80x128xi32, #tpu.memory_space<hbm>>
      %dma_start3A_17 = arith.constant 0 : i32
      %dma_start3A_18 = arith.constant 0 : i32
      %dma_start3A_19 = tpu.memref_slice %arg3[%arg0, %arg1, %dma_start3A_17, %dma_start3A_18] : memref<2x16x80x128xi32, #tpu.memory_space<hbm>> -> memref<1x1x80x128xi32, #tpu.memory_space<hbm>>
      %dma_start3A_20 = tpu.memref_squeeze %dma_start3A_19 : memref<1x1x80x128xi32, #tpu.memory_space<hbm>> -> memref<80x128xi32, #tpu.memory_space<hbm>>
      tpu.enqueue_dma source(%dma_start3A_20 : memref<80x128xi32, #tpu.memory_space<hbm>>) target(%arg7 : memref<80x128xi32, #tpu.memory_space<vmem>>) target_semaphore(%run_scoped3A : memref<!tpu.dma_semaphore, #tpu.memory_space<semaphore_mem>>)
      %dma_wait3A = arith.constant 0 : i32
      %dma_wait3A_21 = arith.constant 0 : i32
      %dma_wait3A_22 = tpu.memref_slice %arg3[%arg0, %arg1, %dma_wait3A, %dma_wait3A_21] : memref<2x16x80x128xi32, #tpu.memory_space<hbm>> -> memref<1x1x80x128xi32, #tpu.memory_space<hbm>>
      %dma_wait3A_23 = tpu.memref_squeeze %dma_wait3A_22 : memref<1x1x80x128xi32, #tpu.memory_space<hbm>> -> memref<80x128xi32, #tpu.memory_space<hbm>>
      %dma_wait3A_24 = arith.constant 0 : i32
      %dma_wait3A_25 = arith.constant 0 : i32
      %dma_wait3A_26 = tpu.memref_slice %arg3[%arg0, %arg1, %dma_wait3A_24, %dma_wait3A_25] : memref<2x16x80x128xi32, #tpu.memory_space<hbm>> -> memref<1x1x80x128xi32, #tpu.memory_space<hbm>>
      %dma_wait3A_27 = tpu.memref_squeeze %dma_wait3A_26 : memref<1x1x80x128xi32, #tpu.memory_space<hbm>> -> memref<80x128xi32, #tpu.memory_space<hbm>>
      tpu.wait_dma2 semaphore(%run_scoped3A : memref<!tpu.dma_semaphore, #tpu.memory_space<semaphore_mem>>) src(%dma_wait3A_27 : memref<80x128xi32, #tpu.memory_space<hbm>>) dst(%arg7 : memref<80x128xi32, #tpu.memory_space<vmem>>)
      tpu.yield
    }) : () -> ()
    "tpu.region"() ({
      %run_scoped3A = tpu.sem_alloc : memref<!tpu.dma_semaphore, #tpu.memory_space<semaphore_mem>>
      %dma_start3A_13 = arith.constant 0 : i32
      %dma_start3A_14 = arith.constant 0 : i32
      %dma_start3A_15 = tpu.memref_slice %arg4[%arg0, %arg1, %dma_start3A_13, %dma_start3A_14] : memref<2x16x80x128xi32, #tpu.memory_space<hbm>> -> memref<1x1x80x128xi32, #tpu.memory_space<hbm>>
      %dma_start3A_16 = tpu.memref_squeeze %dma_start3A_15 : memref<1x1x80x128xi32, #tpu.memory_space<hbm>> -> memref<80x128xi32, #tpu.memory_space<hbm>>
      %dma_start3A_17 = arith.constant 0 : i32
      %dma_start3A_18 = arith.constant 0 : i32
      %dma_start3A_19 = tpu.memref_slice %arg4[%arg0, %arg1, %dma_start3A_17, %dma_start3A_18] : memref<2x16x80x128xi32, #tpu.memory_space<hbm>> -> memref<1x1x80x128xi32, #tpu.memory_space<hbm>>
      %dma_start3A_20 = tpu.memref_squeeze %dma_start3A_19 : memref<1x1x80x128xi32, #tpu.memory_space<hbm>> -> memref<80x128xi32, #tpu.memory_space<hbm>>
      tpu.enqueue_dma source(%dma_start3A_20 : memref<80x128xi32, #tpu.memory_space<hbm>>) target(%arg8 : memref<80x128xi32, #tpu.memory_space<vmem>>) target_semaphore(%run_scoped3A : memref<!tpu.dma_semaphore, #tpu.memory_space<semaphore_mem>>)
      %dma_wait3A = arith.constant 0 : i32
      %dma_wait3A_21 = arith.constant 0 : i32
      %dma_wait3A_22 = tpu.memref_slice %arg4[%arg0, %arg1, %dma_wait3A, %dma_wait3A_21] : memref<2x16x80x128xi32, #tpu.memory_space<hbm>> -> memref<1x1x80x128xi32, #tpu.memory_space<hbm>>
      %dma_wait3A_23 = tpu.memref_squeeze %dma_wait3A_22 : memref<1x1x80x128xi32, #tpu.memory_space<hbm>> -> memref<80x128xi32, #tpu.memory_space<hbm>>
      %dma_wait3A_24 = arith.constant 0 : i32
      %dma_wait3A_25 = arith.constant 0 : i32
      %dma_wait3A_26 = tpu.memref_slice %arg4[%arg0, %arg1, %dma_wait3A_24, %dma_wait3A_25] : memref<2x16x80x128xi32, #tpu.memory_space<hbm>> -> memref<1x1x80x128xi32, #tpu.memory_space<hbm>>
      %dma_wait3A_27 = tpu.memref_squeeze %dma_wait3A_26 : memref<1x1x80x128xi32, #tpu.memory_space<hbm>> -> memref<80x128xi32, #tpu.memory_space<hbm>>
      tpu.wait_dma2 semaphore(%run_scoped3A : memref<!tpu.dma_semaphore, #tpu.memory_space<semaphore_mem>>) src(%dma_wait3A_27 : memref<80x128xi32, #tpu.memory_space<hbm>>) dst(%arg8 : memref<80x128xi32, #tpu.memory_space<vmem>>)
      tpu.yield
    }) : () -> ()
    %barrier3A = arith.constant 0 : index
    tpu.barrier barrier_id(%barrier3A)
    %dma_start3A = arith.constant 0 : i32
    %dma_start3A_1 = arith.constant 0 : i32
    %dma_start3A_2 = tpu.memref_slice %arg7[%dma_start3A, %dma_start3A_1] : memref<80x128xi32, #tpu.memory_space<vmem>> -> memref<1x128xi32, #tpu.memory_space<vmem>>
    %dma_start3A_3 = tpu.memref_squeeze %dma_start3A_2 : memref<1x128xi32, #tpu.memory_space<vmem>> -> memref<128xi32, #tpu.memory_space<vmem>>
    %dma_start3A_4 = arith.constant 0 : i32
    %dma_start3A_5 = arith.constant 0 : i32
    %dma_start3A_6 = tpu.memref_slice %arg2[%dma_start3A_4, %dma_start3A_5] : memref<20000x64xf32, #tpu.memory_space<hbm>> -> memref<20000x64xf32, #tpu.memory_space<hbm>>
    tpu.enqueue_indirect_dma source(%dma_start3A_6 : memref<20000x64xf32, #tpu.memory_space<hbm>>) target(%arg9 : memref<128x64xf32, #tpu.memory_space<vmem>>) offsets(%dma_start3A_3 : memref<128xi32, #tpu.memory_space<vmem>>) semaphore(%arg12 : memref<!tpu.dma_semaphore, #tpu.memory_space<semaphore_mem>>)
    %scan3A = arith.constant 0 : i32
    %scan3A_7 = arith.constant 0 : i32
    %scan3A_8 = arith.constant 40 : i32
    %scan3A_9 = arith.addi %scan3A_7, %scan3A_8 : i32
    %scan3A_10 = arith.constant 1 : i32
    scf.for %scan3A_13 = %scan3A_7 to %scan3A_9 step %scan3A_10  : i32 {
      %mul3A_14 = arith.constant 2 : i32
      %mul3A_15 = arith.muli %mul3A_14, %scan3A_13 : i32
      %add3A = arith.constant 1 : i32
      %add3A_16 = arith.addi %mul3A_15, %add3A : i32
      %dma_start3A_17 = arith.constant 0 : i32
      %dma_start3A_18 = tpu.memref_slice %arg7[%add3A_16, %dma_start3A_17] : memref<80x128xi32, #tpu.memory_space<vmem>> -> memref<1x128xi32, #tpu.memory_space<vmem>>
      %dma_start3A_19 = tpu.memref_squeeze %dma_start3A_18 : memref<1x128xi32, #tpu.memory_space<vmem>> -> memref<128xi32, #tpu.memory_space<vmem>>
      %dma_start3A_20 = arith.constant 0 : i32
      %dma_start3A_21 = arith.constant 0 : i32
      %dma_start3A_22 = tpu.memref_slice %arg2[%dma_start3A_20, %dma_start3A_21] : memref<20000x64xf32, #tpu.memory_space<hbm>> -> memref<20000x64xf32, #tpu.memory_space<hbm>>
      tpu.enqueue_indirect_dma source(%dma_start3A_22 : memref<20000x64xf32, #tpu.memory_space<hbm>>) target(%arg10 : memref<128x64xf32, #tpu.memory_space<vmem>>) offsets(%dma_start3A_19 : memref<128xi32, #tpu.memory_space<vmem>>) semaphore(%arg13 : memref<!tpu.dma_semaphore, #tpu.memory_space<semaphore_mem>>)
      %dma_wait3A = arith.constant 0 : i32
      %dma_wait3A_23 = tpu.memref_slice %arg7[%mul3A_15, %dma_wait3A] : memref<80x128xi32, #tpu.memory_space<vmem>> -> memref<1x128xi32, #tpu.memory_space<vmem>>
      %dma_wait3A_24 = tpu.memref_squeeze %dma_wait3A_23 : memref<1x128xi32, #tpu.memory_space<vmem>> -> memref<128xi32, #tpu.memory_space<vmem>>
      %dma_wait3A_25 = arith.constant 0 : i32
      %dma_wait3A_26 = arith.constant 0 : i32
      %dma_wait3A_27 = tpu.memref_slice %arg2[%dma_wait3A_25, %dma_wait3A_26] : memref<20000x64xf32, #tpu.memory_space<hbm>> -> memref<20000x64xf32, #tpu.memory_space<hbm>>
      tpu.wait_indirect_dma semaphore(%arg12 : memref<!tpu.dma_semaphore, #tpu.memory_space<semaphore_mem>>) src(%dma_wait3A_27 : memref<20000x64xf32, #tpu.memory_space<hbm>>) dst(%arg9 : memref<128x64xf32, #tpu.memory_space<vmem>>)
      "tpu.region"() ({
        %run_scoped3A = tpu.sem_alloc : memref<!tpu.dma_semaphore, #tpu.memory_space<semaphore_mem>>
        %dma_start3A_40 = arith.constant 0 : i32
        %dma_start3A_41 = tpu.memref_slice %arg8[%mul3A_15, %dma_start3A_40] : memref<80x128xi32, #tpu.memory_space<vmem>> -> memref<1x128xi32, #tpu.memory_space<vmem>>
        %dma_start3A_42 = tpu.memref_squeeze %dma_start3A_41 : memref<1x128xi32, #tpu.memory_space<vmem>> -> memref<128xi32, #tpu.memory_space<vmem>>
        %dma_start3A_43 = arith.constant 0 : i32
        %dma_start3A_44 = arith.constant 0 : i32
        %dma_start3A_45 = tpu.memref_slice %arg11[%dma_start3A_43, %dma_start3A_44] : memref<10240x64xf32, #tpu.memory_space<vmem_shared>> -> memref<10240x64xf32, #tpu.memory_space<vmem_shared>>
        tpu.enqueue_indirect_dma source(%arg9 : memref<128x64xf32, #tpu.memory_space<vmem>>) target(%dma_start3A_45 : memref<10240x64xf32, #tpu.memory_space<vmem_shared>>) offsets(%dma_start3A_42 : memref<128xi32, #tpu.memory_space<vmem>>) semaphore(%run_scoped3A : memref<!tpu.dma_semaphore, #tpu.memory_space<semaphore_mem>>) {add = true}
        %dma_wait3A_46 = arith.constant 0 : i32
        %dma_wait3A_47 = tpu.memref_slice %arg8[%mul3A_15, %dma_wait3A_46] : memref<80x128xi32, #tpu.memory_space<vmem>> -> memref<1x128xi32, #tpu.memory_space<vmem>>
        %dma_wait3A_48 = tpu.memref_squeeze %dma_wait3A_47 : memref<1x128xi32, #tpu.memory_space<vmem>> -> memref<128xi32, #tpu.memory_space<vmem>>
        %dma_wait3A_49 = arith.constant 0 : i32
        %dma_wait3A_50 = arith.constant 0 : i32
        %dma_wait3A_51 = tpu.memref_slice %arg11[%dma_wait3A_49, %dma_wait3A_50] : memref<10240x64xf32, #tpu.memory_space<vmem_shared>> -> memref<10240x64xf32, #tpu.memory_space<vmem_shared>>
        tpu.wait_indirect_dma semaphore(%run_scoped3A : memref<!tpu.dma_semaphore, #tpu.memory_space<semaphore_mem>>) src(%arg9 : memref<128x64xf32, #tpu.memory_space<vmem>>) dst(%dma_wait3A_51 : memref<10240x64xf32, #tpu.memory_space<vmem_shared>>)
        tpu.yield
      }) : () -> ()
      %ne3A = arith.constant 39 : i32
      %ne3A_28 = arith.cmpi ne, %scan3A_13, %ne3A : i32
      %convert_element_type3A = arith.extui %ne3A_28 : i1 to i32
      %cond3A = arith.constant 0 : i32
      %cond3A_29 = arith.cmpi ne, %convert_element_type3A, %cond3A : i32
      scf.if %cond3A_29 {
        %add3A_40 = arith.constant 2 : i32
        %add3A_41 = arith.addi %mul3A_15, %add3A_40 : i32
        %dma_start3A_42 = arith.constant 0 : i32
        %dma_start3A_43 = tpu.memref_slice %arg7[%add3A_41, %dma_start3A_42] : memref<80x128xi32, #tpu.memory_space<vmem>> -> memref<1x128xi32, #tpu.memory_space<vmem>>
        %dma_start3A_44 = tpu.memref_squeeze %dma_start3A_43 : memref<1x128xi32, #tpu.memory_space<vmem>> -> memref<128xi32, #tpu.memory_space<vmem>>
        %dma_start3A_45 = arith.constant 0 : i32
        %dma_start3A_46 = arith.constant 0 : i32
        %dma_start3A_47 = tpu.memref_slice %arg2[%dma_start3A_45, %dma_start3A_46] : memref<20000x64xf32, #tpu.memory_space<hbm>> -> memref<20000x64xf32, #tpu.memory_space<hbm>>
        tpu.enqueue_indirect_dma source(%dma_start3A_47 : memref<20000x64xf32, #tpu.memory_space<hbm>>) target(%arg9 : memref<128x64xf32, #tpu.memory_space<vmem>>) offsets(%dma_start3A_44 : memref<128xi32, #tpu.memory_space<vmem>>) semaphore(%arg12 : memref<!tpu.dma_semaphore, #tpu.memory_space<semaphore_mem>>)
      } else {
      }
      %add3A_30 = arith.constant 1 : i32
      %add3A_31 = arith.addi %mul3A_15, %add3A_30 : i32
      %dma_wait3A_32 = arith.constant 0 : i32
      %dma_wait3A_33 = tpu.memref_slice %arg7[%add3A_31, %dma_wait3A_32] : memref<80x128xi32, #tpu.memory_space<vmem>> -> memref<1x128xi32, #tpu.memory_space<vmem>>
      %dma_wait3A_34 = tpu.memref_squeeze %dma_wait3A_33 : memref<1x128xi32, #tpu.memory_space<vmem>> -> memref<128xi32, #tpu.memory_space<vmem>>
      %dma_wait3A_35 = arith.constant 0 : i32
      %dma_wait3A_36 = arith.constant 0 : i32
      %dma_wait3A_37 = tpu.memref_slice %arg2[%dma_wait3A_35, %dma_wait3A_36] : memref<20000x64xf32, #tpu.memory_space<hbm>> -> memref<20000x64xf32, #tpu.memory_space<hbm>>
      tpu.wait_indirect_dma semaphore(%arg13 : memref<!tpu.dma_semaphore, #tpu.memory_space<semaphore_mem>>) src(%dma_wait3A_37 : memref<20000x64xf32, #tpu.memory_space<hbm>>) dst(%arg10 : memref<128x64xf32, #tpu.memory_space<vmem>>)
      %add3A_38 = arith.constant 1 : i32
      %add3A_39 = arith.addi %mul3A_15, %add3A_38 : i32
      "tpu.region"() ({
        %run_scoped3A = tpu.sem_alloc : memref<!tpu.dma_semaphore, #tpu.memory_space<semaphore_mem>>
        %dma_start3A_40 = arith.constant 0 : i32
        %dma_start3A_41 = tpu.memref_slice %arg8[%add3A_39, %dma_start3A_40] : memref<80x128xi32, #tpu.memory_space<vmem>> -> memref<1x128xi32, #tpu.memory_space<vmem>>
        %dma_start3A_42 = tpu.memref_squeeze %dma_start3A_41 : memref<1x128xi32, #tpu.memory_space<vmem>> -> memref<128xi32, #tpu.memory_space<vmem>>
        %dma_start3A_43 = arith.constant 0 : i32
        %dma_start3A_44 = arith.constant 0 : i32
        %dma_start3A_45 = tpu.memref_slice %arg11[%dma_start3A_43, %dma_start3A_44] : memref<10240x64xf32, #tpu.memory_space<vmem_shared>> -> memref<10240x64xf32, #tpu.memory_space<vmem_shared>>
        tpu.enqueue_indirect_dma source(%arg10 : memref<128x64xf32, #tpu.memory_space<vmem>>) target(%dma_start3A_45 : memref<10240x64xf32, #tpu.memory_space<vmem_shared>>) offsets(%dma_start3A_42 : memref<128xi32, #tpu.memory_space<vmem>>) semaphore(%run_scoped3A : memref<!tpu.dma_semaphore, #tpu.memory_space<semaphore_mem>>) {add = true}
        %dma_wait3A_46 = arith.constant 0 : i32
        %dma_wait3A_47 = tpu.memref_slice %arg8[%add3A_39, %dma_wait3A_46] : memref<80x128xi32, #tpu.memory_space<vmem>> -> memref<1x128xi32, #tpu.memory_space<vmem>>
        %dma_wait3A_48 = tpu.memref_squeeze %dma_wait3A_47 : memref<1x128xi32, #tpu.memory_space<vmem>> -> memref<128xi32, #tpu.memory_space<vmem>>
        %dma_wait3A_49 = arith.constant 0 : i32
        %dma_wait3A_50 = arith.constant 0 : i32
        %dma_wait3A_51 = tpu.memref_slice %arg11[%dma_wait3A_49, %dma_wait3A_50] : memref<10240x64xf32, #tpu.memory_space<vmem_shared>> -> memref<10240x64xf32, #tpu.memory_space<vmem_shared>>
        tpu.wait_indirect_dma semaphore(%run_scoped3A : memref<!tpu.dma_semaphore, #tpu.memory_space<semaphore_mem>>) src(%arg10 : memref<128x64xf32, #tpu.memory_space<vmem>>) dst(%dma_wait3A_51 : memref<10240x64xf32, #tpu.memory_space<vmem_shared>>)
        tpu.yield
      }) : () -> ()
    }
    %scan3A_11 = arith.constant 40 : i32
    %barrier3A_12 = arith.constant 0 : index
    tpu.barrier barrier_id(%barrier3A_12)
    "tpu.region"() ({
      %run_scoped3A = tpu.sem_alloc : memref<!tpu.dma_semaphore, #tpu.memory_space<semaphore_mem>>
      %dma_start3A_13 = arith.constant 0 : i32
      %dma_start3A_14 = tpu.memref_slice %arg6[%arg0, %mul3A_0, %dma_start3A_13] : memref<2x10240x64xf32, #tpu.memory_space<hbm>> -> memref<1x640x64xf32, #tpu.memory_space<hbm>>
      %dma_start3A_15 = tpu.memref_squeeze %dma_start3A_14 : memref<1x640x64xf32, #tpu.memory_space<hbm>> -> memref<640x64xf32, #tpu.memory_space<hbm>>
      %dma_start3A_16 = arith.constant 0 : i32
      %dma_start3A_17 = tpu.memref_slice %arg11[%mul3A_0, %dma_start3A_16] : memref<10240x64xf32, #tpu.memory_space<vmem_shared>> -> memref<640x64xf32, #tpu.memory_space<vmem_shared>>
      tpu.enqueue_dma source(%dma_start3A_17 : memref<640x64xf32, #tpu.memory_space<vmem_shared>>) target(%dma_start3A_15 : memref<640x64xf32, #tpu.memory_space<hbm>>) target_semaphore(%run_scoped3A : memref<!tpu.dma_semaphore, #tpu.memory_space<semaphore_mem>>)
      %dma_wait3A = arith.constant 0 : i32
      %dma_wait3A_18 = tpu.memref_slice %arg6[%arg0, %mul3A_0, %dma_wait3A] : memref<2x10240x64xf32, #tpu.memory_space<hbm>> -> memref<1x640x64xf32, #tpu.memory_space<hbm>>
      %dma_wait3A_19 = tpu.memref_squeeze %dma_wait3A_18 : memref<1x640x64xf32, #tpu.memory_space<hbm>> -> memref<640x64xf32, #tpu.memory_space<hbm>>
      %dma_wait3A_20 = arith.constant 0 : i32
      %dma_wait3A_21 = tpu.memref_slice %arg11[%mul3A_0, %dma_wait3A_20] : memref<10240x64xf32, #tpu.memory_space<vmem_shared>> -> memref<640x64xf32, #tpu.memory_space<vmem_shared>>
      tpu.wait_dma2 semaphore(%run_scoped3A : memref<!tpu.dma_semaphore, #tpu.memory_space<semaphore_mem>>) src(%dma_wait3A_21 : memref<640x64xf32, #tpu.memory_space<vmem_shared>>) dst(%dma_wait3A_19 : memref<640x64xf32, #tpu.memory_space<hbm>>)
      tpu.yield
    }) : () -> ()
    return
  }
}

#map = affine_map<(d0, d1) -> (0, 0)>
#map1 = affine_map<(d0, d1) -> (0, 0, 0, 0)>
#map2 = affine_map<(d0, d1) -> (0, 0, 0)>
module attributes {stable_mosaic.version = 14 : i64} {
  func.func @_agg_sc_body(%arg0: i32, %arg1: i32, %arg2: memref<20000x64xf32, #tpu.memory_space<hbm>>, %arg3: memref<2x16x80x128xi32, #tpu.memory_space<hbm>>, %arg4: memref<2x16x80x128xi32, #tpu.memory_space<hbm>>, %arg5: memref<10240x64xf32, #tpu.memory_space<hbm>>, %arg6: memref<2x10240x64xf32, #tpu.memory_space<hbm>>, %arg7: memref<80x128xi32, #tpu.memory_space<vmem>>, %arg8: memref<80x128xi32, #tpu.memory_space<vmem>>, %arg9: memref<128x64xf32, #tpu.memory_space<vmem>>, %arg10: memref<128x64xf32, #tpu.memory_space<vmem>>, %arg11: memref<10240x64xf32, #tpu.memory_space<vmem_shared>>, %arg12: memref<!tpu.dma_semaphore, #tpu.memory_space<semaphore_mem>>, %arg13: memref<!tpu.dma_semaphore, #tpu.memory_space<semaphore_mem>>) attributes {dimension_semantics = [#tpu.dimension_semantics<core_parallel>, #tpu.dimension_semantics<subcore_parallel>], iteration_bounds = array<i64: 2, 16>, scalar_prefetch = 0 : i64, scratch_operands = 7 : i64, tpu.core_type = #tpu.core_type<sc_vector_subcore>, window_params = [{transform_indices = #map}, {transform_indices = #map1}, {transform_indices = #map1}, {transform_indices = #map}, {transform_indices = #map2}]} {
    %mul3A = arith.constant 640 : i32
    %mul3A_0 = arith.muli %arg1, %mul3A : i32
    "tpu.region"() ({
      %run_scoped3A = tpu.sem_alloc : memref<!tpu.dma_semaphore, #tpu.memory_space<semaphore_mem>>
      %dma_start3A_13 = arith.constant 0 : i32
      %dma_start3A_14 = tpu.memref_slice %arg11[%mul3A_0, %dma_start3A_13] : memref<10240x64xf32, #tpu.memory_space<vmem_shared>> -> memref<640x64xf32, #tpu.memory_space<vmem_shared>>
      %dma_start3A_15 = arith.constant 0 : i32
      %dma_start3A_16 = tpu.memref_slice %arg5[%mul3A_0, %dma_start3A_15] : memref<10240x64xf32, #tpu.memory_space<hbm>> -> memref<640x64xf32, #tpu.memory_space<hbm>>
      tpu.enqueue_dma source(%dma_start3A_16 : memref<640x64xf32, #tpu.memory_space<hbm>>) target(%dma_start3A_14 : memref<640x64xf32, #tpu.memory_space<vmem_shared>>) target_semaphore(%run_scoped3A : memref<!tpu.dma_semaphore, #tpu.memory_space<semaphore_mem>>)
      %dma_wait3A = arith.constant 0 : i32
      %dma_wait3A_17 = tpu.memref_slice %arg11[%mul3A_0, %dma_wait3A] : memref<10240x64xf32, #tpu.memory_space<vmem_shared>> -> memref<640x64xf32, #tpu.memory_space<vmem_shared>>
      %dma_wait3A_18 = arith.constant 0 : i32
      %dma_wait3A_19 = tpu.memref_slice %arg5[%mul3A_0, %dma_wait3A_18] : memref<10240x64xf32, #tpu.memory_space<hbm>> -> memref<640x64xf32, #tpu.memory_space<hbm>>
      tpu.wait_dma2 semaphore(%run_scoped3A : memref<!tpu.dma_semaphore, #tpu.memory_space<semaphore_mem>>) src(%dma_wait3A_19 : memref<640x64xf32, #tpu.memory_space<hbm>>) dst(%dma_wait3A_17 : memref<640x64xf32, #tpu.memory_space<vmem_shared>>)
      tpu.yield
    }) : () -> ()
    "tpu.region"() ({
      %run_scoped3A = tpu.sem_alloc : memref<!tpu.dma_semaphore, #tpu.memory_space<semaphore_mem>>
      %dma_start3A_13 = arith.constant 0 : i32
      %dma_start3A_14 = arith.constant 0 : i32
      %dma_start3A_15 = tpu.memref_slice %arg3[%arg0, %arg1, %dma_start3A_13, %dma_start3A_14] : memref<2x16x80x128xi32, #tpu.memory_space<hbm>> -> memref<1x1x80x128xi32, #tpu.memory_space<hbm>>
      %dma_start3A_16 = tpu.memref_squeeze %dma_start3A_15 : memref<1x1x80x128xi32, #tpu.memory_space<hbm>> -> memref<80x128xi32, #tpu.memory_space<hbm>>
      %dma_start3A_17 = arith.constant 0 : i32
      %dma_start3A_18 = arith.constant 0 : i32
      %dma_start3A_19 = tpu.memref_slice %arg3[%arg0, %arg1, %dma_start3A_17, %dma_start3A_18] : memref<2x16x80x128xi32, #tpu.memory_space<hbm>> -> memref<1x1x80x128xi32, #tpu.memory_space<hbm>>
      %dma_start3A_20 = tpu.memref_squeeze %dma_start3A_19 : memref<1x1x80x128xi32, #tpu.memory_space<hbm>> -> memref<80x128xi32, #tpu.memory_space<hbm>>
      tpu.enqueue_dma source(%dma_start3A_20 : memref<80x128xi32, #tpu.memory_space<hbm>>) target(%arg7 : memref<80x128xi32, #tpu.memory_space<vmem>>) target_semaphore(%run_scoped3A : memref<!tpu.dma_semaphore, #tpu.memory_space<semaphore_mem>>)
      %dma_wait3A = arith.constant 0 : i32
      %dma_wait3A_21 = arith.constant 0 : i32
      %dma_wait3A_22 = tpu.memref_slice %arg3[%arg0, %arg1, %dma_wait3A, %dma_wait3A_21] : memref<2x16x80x128xi32, #tpu.memory_space<hbm>> -> memref<1x1x80x128xi32, #tpu.memory_space<hbm>>
      %dma_wait3A_23 = tpu.memref_squeeze %dma_wait3A_22 : memref<1x1x80x128xi32, #tpu.memory_space<hbm>> -> memref<80x128xi32, #tpu.memory_space<hbm>>
      %dma_wait3A_24 = arith.constant 0 : i32
      %dma_wait3A_25 = arith.constant 0 : i32
      %dma_wait3A_26 = tpu.memref_slice %arg3[%arg0, %arg1, %dma_wait3A_24, %dma_wait3A_25] : memref<2x16x80x128xi32, #tpu.memory_space<hbm>> -> memref<1x1x80x128xi32, #tpu.memory_space<hbm>>
      %dma_wait3A_27 = tpu.memref_squeeze %dma_wait3A_26 : memref<1x1x80x128xi32, #tpu.memory_space<hbm>> -> memref<80x128xi32, #tpu.memory_space<hbm>>
      tpu.wait_dma2 semaphore(%run_scoped3A : memref<!tpu.dma_semaphore, #tpu.memory_space<semaphore_mem>>) src(%dma_wait3A_27 : memref<80x128xi32, #tpu.memory_space<hbm>>) dst(%arg7 : memref<80x128xi32, #tpu.memory_space<vmem>>)
      tpu.yield
    }) : () -> ()
    "tpu.region"() ({
      %run_scoped3A = tpu.sem_alloc : memref<!tpu.dma_semaphore, #tpu.memory_space<semaphore_mem>>
      %dma_start3A_13 = arith.constant 0 : i32
      %dma_start3A_14 = arith.constant 0 : i32
      %dma_start3A_15 = tpu.memref_slice %arg4[%arg0, %arg1, %dma_start3A_13, %dma_start3A_14] : memref<2x16x80x128xi32, #tpu.memory_space<hbm>> -> memref<1x1x80x128xi32, #tpu.memory_space<hbm>>
      %dma_start3A_16 = tpu.memref_squeeze %dma_start3A_15 : memref<1x1x80x128xi32, #tpu.memory_space<hbm>> -> memref<80x128xi32, #tpu.memory_space<hbm>>
      %dma_start3A_17 = arith.constant 0 : i32
      %dma_start3A_18 = arith.constant 0 : i32
      %dma_start3A_19 = tpu.memref_slice %arg4[%arg0, %arg1, %dma_start3A_17, %dma_start3A_18] : memref<2x16x80x128xi32, #tpu.memory_space<hbm>> -> memref<1x1x80x128xi32, #tpu.memory_space<hbm>>
      %dma_start3A_20 = tpu.memref_squeeze %dma_start3A_19 : memref<1x1x80x128xi32, #tpu.memory_space<hbm>> -> memref<80x128xi32, #tpu.memory_space<hbm>>
      tpu.enqueue_dma source(%dma_start3A_20 : memref<80x128xi32, #tpu.memory_space<hbm>>) target(%arg8 : memref<80x128xi32, #tpu.memory_space<vmem>>) target_semaphore(%run_scoped3A : memref<!tpu.dma_semaphore, #tpu.memory_space<semaphore_mem>>)
      %dma_wait3A = arith.constant 0 : i32
      %dma_wait3A_21 = arith.constant 0 : i32
      %dma_wait3A_22 = tpu.memref_slice %arg4[%arg0, %arg1, %dma_wait3A, %dma_wait3A_21] : memref<2x16x80x128xi32, #tpu.memory_space<hbm>> -> memref<1x1x80x128xi32, #tpu.memory_space<hbm>>
      %dma_wait3A_23 = tpu.memref_squeeze %dma_wait3A_22 : memref<1x1x80x128xi32, #tpu.memory_space<hbm>> -> memref<80x128xi32, #tpu.memory_space<hbm>>
      %dma_wait3A_24 = arith.constant 0 : i32
      %dma_wait3A_25 = arith.constant 0 : i32
      %dma_wait3A_26 = tpu.memref_slice %arg4[%arg0, %arg1, %dma_wait3A_24, %dma_wait3A_25] : memref<2x16x80x128xi32, #tpu.memory_space<hbm>> -> memref<1x1x80x128xi32, #tpu.memory_space<hbm>>
      %dma_wait3A_27 = tpu.memref_squeeze %dma_wait3A_26 : memref<1x1x80x128xi32, #tpu.memory_space<hbm>> -> memref<80x128xi32, #tpu.memory_space<hbm>>
      tpu.wait_dma2 semaphore(%run_scoped3A : memref<!tpu.dma_semaphore, #tpu.memory_space<semaphore_mem>>) src(%dma_wait3A_27 : memref<80x128xi32, #tpu.memory_space<hbm>>) dst(%arg8 : memref<80x128xi32, #tpu.memory_space<vmem>>)
      tpu.yield
    }) : () -> ()
    %barrier3A = arith.constant 0 : index
    tpu.barrier barrier_id(%barrier3A)
    %dma_start3A = arith.constant 0 : i32
    %dma_start3A_1 = arith.constant 0 : i32
    %dma_start3A_2 = tpu.memref_slice %arg7[%dma_start3A, %dma_start3A_1] : memref<80x128xi32, #tpu.memory_space<vmem>> -> memref<1x128xi32, #tpu.memory_space<vmem>>
    %dma_start3A_3 = tpu.memref_squeeze %dma_start3A_2 : memref<1x128xi32, #tpu.memory_space<vmem>> -> memref<128xi32, #tpu.memory_space<vmem>>
    %dma_start3A_4 = arith.constant 0 : i32
    %dma_start3A_5 = arith.constant 0 : i32
    %dma_start3A_6 = tpu.memref_slice %arg2[%dma_start3A_4, %dma_start3A_5] : memref<20000x64xf32, #tpu.memory_space<hbm>> -> memref<20000x64xf32, #tpu.memory_space<hbm>>
    tpu.enqueue_indirect_dma source(%dma_start3A_6 : memref<20000x64xf32, #tpu.memory_space<hbm>>) target(%arg9 : memref<128x64xf32, #tpu.memory_space<vmem>>) offsets(%dma_start3A_3 : memref<128xi32, #tpu.memory_space<vmem>>) semaphore(%arg12 : memref<!tpu.dma_semaphore, #tpu.memory_space<semaphore_mem>>)
    %scan3A = arith.constant 0 : i32
    %scan3A_7 = arith.constant 0 : i32
    %scan3A_8 = arith.constant 40 : i32
    %scan3A_9 = arith.addi %scan3A_7, %scan3A_8 : i32
    %scan3A_10 = arith.constant 1 : i32
    scf.for %scan3A_13 = %scan3A_7 to %scan3A_9 step %scan3A_10  : i32 {
      %mul3A_14 = arith.constant 2 : i32
      %mul3A_15 = arith.muli %mul3A_14, %scan3A_13 : i32
      %add3A = arith.constant 1 : i32
      %add3A_16 = arith.addi %mul3A_15, %add3A : i32
      %dma_start3A_17 = arith.constant 0 : i32
      %dma_start3A_18 = tpu.memref_slice %arg7[%add3A_16, %dma_start3A_17] : memref<80x128xi32, #tpu.memory_space<vmem>> -> memref<1x128xi32, #tpu.memory_space<vmem>>
      %dma_start3A_19 = tpu.memref_squeeze %dma_start3A_18 : memref<1x128xi32, #tpu.memory_space<vmem>> -> memref<128xi32, #tpu.memory_space<vmem>>
      %dma_start3A_20 = arith.constant 0 : i32
      %dma_start3A_21 = arith.constant 0 : i32
      %dma_start3A_22 = tpu.memref_slice %arg2[%dma_start3A_20, %dma_start3A_21] : memref<20000x64xf32, #tpu.memory_space<hbm>> -> memref<20000x64xf32, #tpu.memory_space<hbm>>
      tpu.enqueue_indirect_dma source(%dma_start3A_22 : memref<20000x64xf32, #tpu.memory_space<hbm>>) target(%arg10 : memref<128x64xf32, #tpu.memory_space<vmem>>) offsets(%dma_start3A_19 : memref<128xi32, #tpu.memory_space<vmem>>) semaphore(%arg13 : memref<!tpu.dma_semaphore, #tpu.memory_space<semaphore_mem>>)
      %dma_wait3A = arith.constant 0 : i32
      %dma_wait3A_23 = tpu.memref_slice %arg7[%mul3A_15, %dma_wait3A] : memref<80x128xi32, #tpu.memory_space<vmem>> -> memref<1x128xi32, #tpu.memory_space<vmem>>
      %dma_wait3A_24 = tpu.memref_squeeze %dma_wait3A_23 : memref<1x128xi32, #tpu.memory_space<vmem>> -> memref<128xi32, #tpu.memory_space<vmem>>
      %dma_wait3A_25 = arith.constant 0 : i32
      %dma_wait3A_26 = arith.constant 0 : i32
      %dma_wait3A_27 = tpu.memref_slice %arg2[%dma_wait3A_25, %dma_wait3A_26] : memref<20000x64xf32, #tpu.memory_space<hbm>> -> memref<20000x64xf32, #tpu.memory_space<hbm>>
      tpu.wait_indirect_dma semaphore(%arg12 : memref<!tpu.dma_semaphore, #tpu.memory_space<semaphore_mem>>) src(%dma_wait3A_27 : memref<20000x64xf32, #tpu.memory_space<hbm>>) dst(%arg9 : memref<128x64xf32, #tpu.memory_space<vmem>>)
      "tpu.region"() ({
        %run_scoped3A = tpu.sem_alloc : memref<!tpu.dma_semaphore, #tpu.memory_space<semaphore_mem>>
        %dma_start3A_40 = arith.constant 0 : i32
        %dma_start3A_41 = tpu.memref_slice %arg8[%mul3A_15, %dma_start3A_40] : memref<80x128xi32, #tpu.memory_space<vmem>> -> memref<1x128xi32, #tpu.memory_space<vmem>>
        %dma_start3A_42 = tpu.memref_squeeze %dma_start3A_41 : memref<1x128xi32, #tpu.memory_space<vmem>> -> memref<128xi32, #tpu.memory_space<vmem>>
        %dma_start3A_43 = arith.constant 0 : i32
        %dma_start3A_44 = arith.constant 0 : i32
        %dma_start3A_45 = tpu.memref_slice %arg11[%dma_start3A_43, %dma_start3A_44] : memref<10240x64xf32, #tpu.memory_space<vmem_shared>> -> memref<10240x64xf32, #tpu.memory_space<vmem_shared>>
        tpu.enqueue_indirect_dma source(%arg9 : memref<128x64xf32, #tpu.memory_space<vmem>>) target(%dma_start3A_45 : memref<10240x64xf32, #tpu.memory_space<vmem_shared>>) offsets(%dma_start3A_42 : memref<128xi32, #tpu.memory_space<vmem>>) semaphore(%run_scoped3A : memref<!tpu.dma_semaphore, #tpu.memory_space<semaphore_mem>>) {add = true}
        %dma_wait3A_46 = arith.constant 0 : i32
        %dma_wait3A_47 = tpu.memref_slice %arg8[%mul3A_15, %dma_wait3A_46] : memref<80x128xi32, #tpu.memory_space<vmem>> -> memref<1x128xi32, #tpu.memory_space<vmem>>
        %dma_wait3A_48 = tpu.memref_squeeze %dma_wait3A_47 : memref<1x128xi32, #tpu.memory_space<vmem>> -> memref<128xi32, #tpu.memory_space<vmem>>
        %dma_wait3A_49 = arith.constant 0 : i32
        %dma_wait3A_50 = arith.constant 0 : i32
        %dma_wait3A_51 = tpu.memref_slice %arg11[%dma_wait3A_49, %dma_wait3A_50] : memref<10240x64xf32, #tpu.memory_space<vmem_shared>> -> memref<10240x64xf32, #tpu.memory_space<vmem_shared>>
        tpu.wait_indirect_dma semaphore(%run_scoped3A : memref<!tpu.dma_semaphore, #tpu.memory_space<semaphore_mem>>) src(%arg9 : memref<128x64xf32, #tpu.memory_space<vmem>>) dst(%dma_wait3A_51 : memref<10240x64xf32, #tpu.memory_space<vmem_shared>>)
        tpu.yield
      }) : () -> ()
      %ne3A = arith.constant 39 : i32
      %ne3A_28 = arith.cmpi ne, %scan3A_13, %ne3A : i32
      %convert_element_type3A = arith.extui %ne3A_28 : i1 to i32
      %cond3A = arith.constant 0 : i32
      %cond3A_29 = arith.cmpi ne, %convert_element_type3A, %cond3A : i32
      scf.if %cond3A_29 {
        %add3A_40 = arith.constant 2 : i32
        %add3A_41 = arith.addi %mul3A_15, %add3A_40 : i32
        %dma_start3A_42 = arith.constant 0 : i32
        %dma_start3A_43 = tpu.memref_slice %arg7[%add3A_41, %dma_start3A_42] : memref<80x128xi32, #tpu.memory_space<vmem>> -> memref<1x128xi32, #tpu.memory_space<vmem>>
        %dma_start3A_44 = tpu.memref_squeeze %dma_start3A_43 : memref<1x128xi32, #tpu.memory_space<vmem>> -> memref<128xi32, #tpu.memory_space<vmem>>
        %dma_start3A_45 = arith.constant 0 : i32
        %dma_start3A_46 = arith.constant 0 : i32
        %dma_start3A_47 = tpu.memref_slice %arg2[%dma_start3A_45, %dma_start3A_46] : memref<20000x64xf32, #tpu.memory_space<hbm>> -> memref<20000x64xf32, #tpu.memory_space<hbm>>
        tpu.enqueue_indirect_dma source(%dma_start3A_47 : memref<20000x64xf32, #tpu.memory_space<hbm>>) target(%arg9 : memref<128x64xf32, #tpu.memory_space<vmem>>) offsets(%dma_start3A_44 : memref<128xi32, #tpu.memory_space<vmem>>) semaphore(%arg12 : memref<!tpu.dma_semaphore, #tpu.memory_space<semaphore_mem>>)
      } else {
      }
      %add3A_30 = arith.constant 1 : i32
      %add3A_31 = arith.addi %mul3A_15, %add3A_30 : i32
      %dma_wait3A_32 = arith.constant 0 : i32
      %dma_wait3A_33 = tpu.memref_slice %arg7[%add3A_31, %dma_wait3A_32] : memref<80x128xi32, #tpu.memory_space<vmem>> -> memref<1x128xi32, #tpu.memory_space<vmem>>
      %dma_wait3A_34 = tpu.memref_squeeze %dma_wait3A_33 : memref<1x128xi32, #tpu.memory_space<vmem>> -> memref<128xi32, #tpu.memory_space<vmem>>
      %dma_wait3A_35 = arith.constant 0 : i32
      %dma_wait3A_36 = arith.constant 0 : i32
      %dma_wait3A_37 = tpu.memref_slice %arg2[%dma_wait3A_35, %dma_wait3A_36] : memref<20000x64xf32, #tpu.memory_space<hbm>> -> memref<20000x64xf32, #tpu.memory_space<hbm>>
      tpu.wait_indirect_dma semaphore(%arg13 : memref<!tpu.dma_semaphore, #tpu.memory_space<semaphore_mem>>) src(%dma_wait3A_37 : memref<20000x64xf32, #tpu.memory_space<hbm>>) dst(%arg10 : memref<128x64xf32, #tpu.memory_space<vmem>>)
      %add3A_38 = arith.constant 1 : i32
      %add3A_39 = arith.addi %mul3A_15, %add3A_38 : i32
      "tpu.region"() ({
        %run_scoped3A = tpu.sem_alloc : memref<!tpu.dma_semaphore, #tpu.memory_space<semaphore_mem>>
        %dma_start3A_40 = arith.constant 0 : i32
        %dma_start3A_41 = tpu.memref_slice %arg8[%add3A_39, %dma_start3A_40] : memref<80x128xi32, #tpu.memory_space<vmem>> -> memref<1x128xi32, #tpu.memory_space<vmem>>
        %dma_start3A_42 = tpu.memref_squeeze %dma_start3A_41 : memref<1x128xi32, #tpu.memory_space<vmem>> -> memref<128xi32, #tpu.memory_space<vmem>>
        %dma_start3A_43 = arith.constant 0 : i32
        %dma_start3A_44 = arith.constant 0 : i32
        %dma_start3A_45 = tpu.memref_slice %arg11[%dma_start3A_43, %dma_start3A_44] : memref<10240x64xf32, #tpu.memory_space<vmem_shared>> -> memref<10240x64xf32, #tpu.memory_space<vmem_shared>>
        tpu.enqueue_indirect_dma source(%arg10 : memref<128x64xf32, #tpu.memory_space<vmem>>) target(%dma_start3A_45 : memref<10240x64xf32, #tpu.memory_space<vmem_shared>>) offsets(%dma_start3A_42 : memref<128xi32, #tpu.memory_space<vmem>>) semaphore(%run_scoped3A : memref<!tpu.dma_semaphore, #tpu.memory_space<semaphore_mem>>) {add = true}
        %dma_wait3A_46 = arith.constant 0 : i32
        %dma_wait3A_47 = tpu.memref_slice %arg8[%add3A_39, %dma_wait3A_46] : memref<80x128xi32, #tpu.memory_space<vmem>> -> memref<1x128xi32, #tpu.memory_space<vmem>>
        %dma_wait3A_48 = tpu.memref_squeeze %dma_wait3A_47 : memref<1x128xi32, #tpu.memory_space<vmem>> -> memref<128xi32, #tpu.memory_space<vmem>>
        %dma_wait3A_49 = arith.constant 0 : i32
        %dma_wait3A_50 = arith.constant 0 : i32
        %dma_wait3A_51 = tpu.memref_slice %arg11[%dma_wait3A_49, %dma_wait3A_50] : memref<10240x64xf32, #tpu.memory_space<vmem_shared>> -> memref<10240x64xf32, #tpu.memory_space<vmem_shared>>
        tpu.wait_indirect_dma semaphore(%run_scoped3A : memref<!tpu.dma_semaphore, #tpu.memory_space<semaphore_mem>>) src(%arg10 : memref<128x64xf32, #tpu.memory_space<vmem>>) dst(%dma_wait3A_51 : memref<10240x64xf32, #tpu.memory_space<vmem_shared>>)
        tpu.yield
      }) : () -> ()
    }
    %scan3A_11 = arith.constant 40 : i32
    %barrier3A_12 = arith.constant 0 : index
    tpu.barrier barrier_id(%barrier3A_12)
    "tpu.region"() ({
      %run_scoped3A = tpu.sem_alloc : memref<!tpu.dma_semaphore, #tpu.memory_space<semaphore_mem>>
      %dma_start3A_13 = arith.constant 0 : i32
      %dma_start3A_14 = tpu.memref_slice %arg6[%arg0, %mul3A_0, %dma_start3A_13] : memref<2x10240x64xf32, #tpu.memory_space<hbm>> -> memref<1x640x64xf32, #tpu.memory_space<hbm>>
      %dma_start3A_15 = tpu.memref_squeeze %dma_start3A_14 : memref<1x640x64xf32, #tpu.memory_space<hbm>> -> memref<640x64xf32, #tpu.memory_space<hbm>>
      %dma_start3A_16 = arith.constant 0 : i32
      %dma_start3A_17 = tpu.memref_slice %arg11[%mul3A_0, %dma_start3A_16] : memref<10240x64xf32, #tpu.memory_space<vmem_shared>> -> memref<640x64xf32, #tpu.memory_space<vmem_shared>>
      tpu.enqueue_dma source(%dma_start3A_17 : memref<640x64xf32, #tpu.memory_space<vmem_shared>>) target(%dma_start3A_15 : memref<640x64xf32, #tpu.memory_space<hbm>>) target_semaphore(%run_scoped3A : memref<!tpu.dma_semaphore, #tpu.memory_space<semaphore_mem>>)
      %dma_wait3A = arith.constant 0 : i32
      %dma_wait3A_18 = tpu.memref_slice %arg6[%arg0, %mul3A_0, %dma_wait3A] : memref<2x10240x64xf32, #tpu.memory_space<hbm>> -> memref<1x640x64xf32, #tpu.memory_space<hbm>>
      %dma_wait3A_19 = tpu.memref_squeeze %dma_wait3A_18 : memref<1x640x64xf32, #tpu.memory_space<hbm>> -> memref<640x64xf32, #tpu.memory_space<hbm>>
      %dma_wait3A_20 = arith.constant 0 : i32
      %dma_wait3A_21 = tpu.memref_slice %arg11[%mul3A_0, %dma_wait3A_20] : memref<10240x64xf32, #tpu.memory_space<vmem_shared>> -> memref<640x64xf32, #tpu.memory_space<vmem_shared>>
      tpu.wait_dma2 semaphore(%run_scoped3A : memref<!tpu.dma_semaphore, #tpu.memory_space<semaphore_mem>>) src(%dma_wait3A_21 : memref<640x64xf32, #tpu.memory_space<vmem_shared>>) dst(%dma_wait3A_19 : memref<640x64xf32, #tpu.memory_space<hbm>>)
      tpu.yield
    }) : () -> ()
    return
  }
}

module attributes {stable_mosaic.version = 14 : i64} {
  func.func @_proj0_body(%arg0: i32, %arg1: memref<1000x256xf32, #tpu.memory_space<vmem>>, %arg2: memref<2x64x256xf32, #tpu.memory_space<vmem>>, %arg3: memref<2x64x256xf32, #tpu.memory_space<vmem>>, %arg4: memref<2x1000x64xf32, #tpu.memory_space<vmem>>, %arg5: memref<2x1000x64xf32, #tpu.memory_space<vmem>>) attributes {dimension_semantics = [#tpu.dimension_semantics<arbitrary>], iteration_bounds = array<i64: 10>, scalar_prefetch = 0 : i64, scratch_operands = 0 : i64, tpu.core_type = #tpu.core_type<tc>, window_params = [{transform_indices = @transform_0, window_bounds = array<i64: 1000, 256>}, {pipeline_mode = #tpu.pipeline_mode<synchronous>, transform_indices = @transform_1, window_bounds = array<i64: 2, 64, 256>}, {pipeline_mode = #tpu.pipeline_mode<synchronous>, transform_indices = @transform_2, window_bounds = array<i64: 2, 64, 256>}, {transform_indices = @transform_3, window_bounds = array<i64: 2, 1000, 64>}, {transform_indices = @transform_4, window_bounds = array<i64: 2, 1000, 64>}]} {
    %get3A = arith.constant 0 : index
    %get3A_0 = arith.constant 0 : index
    %get3A_1 = vector.load %arg1[%get3A, %get3A_0] : memref<1000x256xf32, #tpu.memory_space<vmem>>, vector<1000x256xf32>
    %get3A_2 = arith.constant 0 : index
    %get3A_3 = arith.constant 0 : index
    %get3A_4 = arith.constant 0 : index
    %get3A_5 = vector.load %arg2[%get3A_2, %get3A_3, %get3A_4] : memref<2x64x256xf32, #tpu.memory_space<vmem>>, vector<1x64x256xf32>
    %get3A_6 = vector.shape_cast %get3A_5 : vector<1x64x256xf32> to vector<64x256xf32>
    %dot_general3A = arith.constant dense<0.000000e+00> : vector<1000x64xf32>
    %dot_general3A_7 = tpu.matmul %get3A_1, %get3A_6, %dot_general3A {dimension_numbers = #tpu.dot_dimension_numbers<[1], [1], [0], [0], [0, 0, 1, 0], [], []>, precision = #tpu.contract_precision<fp32>, transpose_lhs_hint = false} : vector<1000x256xf32>, vector<64x256xf32>, vector<1000x64xf32> -> vector<1000x64xf32>
    %swap3A = arith.constant 0 : index
    %swap3A_8 = arith.constant 0 : index
    %swap3A_9 = arith.constant 0 : index
    %swap3A_10 = vector.load %arg4[%swap3A, %swap3A_8, %swap3A_9] : memref<2x1000x64xf32, #tpu.memory_space<vmem>>, vector<1x1000x64xf32>
    %swap3A_11 = vector.shape_cast %swap3A_10 : vector<1x1000x64xf32> to vector<1000x64xf32>
    %swap3A_12 = vector.shape_cast %dot_general3A_7 : vector<1000x64xf32> to vector<1x1000x64xf32>
    tpu.vector_store %arg4[%swap3A, %swap3A_8, %swap3A_9], %swap3A_12 {strides = array<i32>} : memref<2x1000x64xf32, #tpu.memory_space<vmem>>, vector<1x1000x64xf32>,
    %get3A_13 = arith.constant 0 : index
    %get3A_14 = arith.constant 0 : index
    %get3A_15 = arith.constant 0 : index
    %get3A_16 = vector.load %arg3[%get3A_13, %get3A_14, %get3A_15] : memref<2x64x256xf32, #tpu.memory_space<vmem>>, vector<1x64x256xf32>
    %get3A_17 = vector.shape_cast %get3A_16 : vector<1x64x256xf32> to vector<64x256xf32>
    %dot_general3A_18 = arith.constant dense<0.000000e+00> : vector<1000x64xf32>
    %dot_general3A_19 = tpu.matmul %get3A_1, %get3A_17, %dot_general3A_18 {dimension_numbers = #tpu.dot_dimension_numbers<[1], [1], [0], [0], [0, 0, 1, 0], [], []>, precision = #tpu.contract_precision<fp32>, transpose_lhs_hint = false} : vector<1000x256xf32>, vector<64x256xf32>, vector<1000x64xf32> -> vector<1000x64xf32>
    %swap3A_20 = arith.constant 0 : index
    %swap3A_21 = arith.constant 0 : index
    %swap3A_22 = arith.constant 0 : index
    %swap3A_23 = vector.load %arg5[%swap3A_20, %swap3A_21, %swap3A_22] : memref<2x1000x64xf32, #tpu.memory_space<vmem>>, vector<1x1000x64xf32>
    %swap3A_24 = vector.shape_cast %swap3A_23 : vector<1x1000x64xf32> to vector<1000x64xf32>
    %swap3A_25 = vector.shape_cast %dot_general3A_19 : vector<1000x64xf32> to vector<1x1000x64xf32>
    tpu.vector_store %arg5[%swap3A_20, %swap3A_21, %swap3A_22], %swap3A_25 {strides = array<i32>} : memref<2x1000x64xf32, #tpu.memory_space<vmem>>, vector<1x1000x64xf32>,
    %get3A_26 = arith.constant 1 : index
    %get3A_27 = arith.constant 0 : index
    %get3A_28 = arith.constant 0 : index
    %get3A_29 = vector.load %arg2[%get3A_26, %get3A_27, %get3A_28] : memref<2x64x256xf32, #tpu.memory_space<vmem>>, vector<1x64x256xf32>
    %get3A_30 = vector.shape_cast %get3A_29 : vector<1x64x256xf32> to vector<64x256xf32>
    %dot_general3A_31 = arith.constant dense<0.000000e+00> : vector<1000x64xf32>
    %dot_general3A_32 = tpu.matmul %get3A_1, %get3A_30, %dot_general3A_31 {dimension_numbers = #tpu.dot_dimension_numbers<[1], [1], [0], [0], [0, 0, 1, 0], [], []>, precision = #tpu.contract_precision<fp32>, transpose_lhs_hint = false} : vector<1000x256xf32>, vector<64x256xf32>, vector<1000x64xf32> -> vector<1000x64xf32>
    %swap3A_33 = arith.constant 1 : index
    %swap3A_34 = arith.constant 0 : index
    %swap3A_35 = arith.constant 0 : index
    %swap3A_36 = vector.load %arg4[%swap3A_33, %swap3A_34, %swap3A_35] : memref<2x1000x64xf32, #tpu.memory_space<vmem>>, vector<1x1000x64xf32>
    %swap3A_37 = vector.shape_cast %swap3A_36 : vector<1x1000x64xf32> to vector<1000x64xf32>
    %swap3A_38 = vector.shape_cast %dot_general3A_32 : vector<1000x64xf32> to vector<1x1000x64xf32>
    tpu.vector_store %arg4[%swap3A_33, %swap3A_34, %swap3A_35], %swap3A_38 {strides = array<i32>} : memref<2x1000x64xf32, #tpu.memory_space<vmem>>, vector<1x1000x64xf32>,
    %get3A_39 = arith.constant 1 : index
    %get3A_40 = arith.constant 0 : index
    %get3A_41 = arith.constant 0 : index
    %get3A_42 = vector.load %arg3[%get3A_39, %get3A_40, %get3A_41] : memref<2x64x256xf32, #tpu.memory_space<vmem>>, vector<1x64x256xf32>
    %get3A_43 = vector.shape_cast %get3A_42 : vector<1x64x256xf32> to vector<64x256xf32>
    %dot_general3A_44 = arith.constant dense<0.000000e+00> : vector<1000x64xf32>
    %dot_general3A_45 = tpu.matmul %get3A_1, %get3A_43, %dot_general3A_44 {dimension_numbers = #tpu.dot_dimension_numbers<[1], [1], [0], [0], [0, 0, 1, 0], [], []>, precision = #tpu.contract_precision<fp32>, transpose_lhs_hint = false} : vector<1000x256xf32>, vector<64x256xf32>, vector<1000x64xf32> -> vector<1000x64xf32>
    %swap3A_46 = arith.constant 1 : index
    %swap3A_47 = arith.constant 0 : index
    %swap3A_48 = arith.constant 0 : index
    %swap3A_49 = vector.load %arg5[%swap3A_46, %swap3A_47, %swap3A_48] : memref<2x1000x64xf32, #tpu.memory_space<vmem>>, vector<1x1000x64xf32>
    %swap3A_50 = vector.shape_cast %swap3A_49 : vector<1x1000x64xf32> to vector<1000x64xf32>
    %swap3A_51 = vector.shape_cast %dot_general3A_45 : vector<1000x64xf32> to vector<1x1000x64xf32>
    tpu.vector_store %arg5[%swap3A_46, %swap3A_47, %swap3A_48], %swap3A_51 {strides = array<i32>} : memref<2x1000x64xf32, #tpu.memory_space<vmem>>, vector<1x1000x64xf32>,
    return
  }
  func.func @transform_0(%arg0: i32) -> (i32, i32) {
    %c0_i32 = arith.constant 0 : i32
    %c0_i32_0 = arith.constant 0 : i32
    return %arg0, %c0_i32 : i32, i32
  }
  func.func @transform_1(%arg0: i32) -> (i32, i32, i32) {
    %c0_i32 = arith.constant 0 : i32
    %c0_i32_0 = arith.constant 0 : i32
    %c0_i32_1 = arith.constant 0 : i32
    %c0_i32_2 = arith.constant 0 : i32
    return %c0_i32, %c0_i32_0, %c0_i32_1 : i32, i32, i32
  }
  func.func @transform_2(%arg0: i32) -> (i32, i32, i32) {
    %c0_i32 = arith.constant 0 : i32
    %c0_i32_0 = arith.constant 0 : i32
    %c0_i32_1 = arith.constant 0 : i32
    %c0_i32_2 = arith.constant 0 : i32
    return %c0_i32, %c0_i32_0, %c0_i32_1 : i32, i32, i32
  }
  func.func @transform_3(%arg0: i32) -> (i32, i32, i32) {
    %c0_i32 = arith.constant 0 : i32
    %c0_i32_0 = arith.constant 0 : i32
    %c0_i32_1 = arith.constant 0 : i32
    return %c0_i32, %arg0, %c0_i32_0 : i32, i32, i32
  }
  func.func @transform_4(%arg0: i32) -> (i32, i32, i32) {
    %c0_i32 = arith.constant 0 : i32
    %c0_i32_0 = arith.constant 0 : i32
    %c0_i32_1 = arith.constant 0 : i32
    return %c0_i32, %arg0, %c0_i32_0 : i32, i32, i32
  }
}

module attributes {stable_mosaic.version = 14 : i64} {
  func.func @_fold_body(%arg0: memref<2x64x256xf32, #tpu.memory_space<vmem>>, %arg1: memref<2x64x256xf32, #tpu.memory_space<vmem>>, %arg2: memref<2x64x128xf32, #tpu.memory_space<vmem>>, %arg3: memref<6x64x64xf32, #tpu.memory_space<vmem>>, %arg4: memref<6x64x64xf32, #tpu.memory_space<vmem>>, %arg5: memref<6x64x128xf32, #tpu.memory_space<vmem>>, %arg6: memref<8x64xf32, #tpu.memory_space<vmem>>, %arg7: memref<8x64xf32, #tpu.memory_space<vmem>>, %arg8: memref<8x64xf32, #tpu.memory_space<vmem>>, %arg9: memref<2x64x256xf32, #tpu.memory_space<vmem>>, %arg10: memref<2x64x256xf32, #tpu.memory_space<vmem>>, %arg11: memref<6x64x64xf32, #tpu.memory_space<vmem>>, %arg12: memref<6x64x64xf32, #tpu.memory_space<vmem>>, %arg13: memref<8x64xf32, #tpu.memory_space<vmem>>) attributes {dimension_semantics = [], scalar_prefetch = 0 : i64, scratch_operands = 0 : i64, tpu.core_type = #tpu.core_type<tc>} {
    %get3A = arith.constant 0 : index
    %get3A_0 = arith.constant 0 : index
    %get3A_1 = arith.constant 0 : index
    %get3A_2 = vector.load %arg2[%get3A, %get3A_0, %get3A_1] : memref<2x64x128xf32, #tpu.memory_space<vmem>>, vector<1x64x64xf32>
    %get3A_3 = vector.shape_cast %get3A_2 : vector<1x64x64xf32> to vector<64x64xf32>
    %get3A_4 = arith.constant 0 : index
    %get3A_5 = arith.constant 0 : index
    %get3A_6 = arith.constant 64 : index
    %get3A_7 = vector.load %arg2[%get3A_4, %get3A_5, %get3A_6] : memref<2x64x128xf32, #tpu.memory_space<vmem>>, vector<1x64x64xf32>
    %get3A_8 = vector.shape_cast %get3A_7 : vector<1x64x64xf32> to vector<64x64xf32>
    %get3A_9 = arith.constant 0 : index
    %get3A_10 = arith.constant 0 : index
    %get3A_11 = arith.constant 0 : index
    %get3A_12 = vector.load %arg0[%get3A_9, %get3A_10, %get3A_11] : memref<2x64x256xf32, #tpu.memory_space<vmem>>, vector<1x64x256xf32>
    %get3A_13 = vector.shape_cast %get3A_12 : vector<1x64x256xf32> to vector<64x256xf32>
    %dot_general3A = arith.constant dense<0.000000e+00> : vector<64x256xf32>
    %dot_general3A_14 = tpu.matmul %get3A_3, %get3A_13, %dot_general3A {dimension_numbers = #tpu.dot_dimension_numbers<[1], [0], [0], [1], [0, 0, 1, 1], [], []>, precision = #tpu.contract_precision<fp32>, transpose_lhs_hint = false} : vector<64x64xf32>, vector<64x256xf32>, vector<64x256xf32> -> vector<64x256xf32>
    %swap3A = arith.constant 0 : index
    %swap3A_15 = arith.constant 0 : index
    %swap3A_16 = arith.constant 0 : index
    %swap3A_17 = vector.load %arg9[%swap3A, %swap3A_15, %swap3A_16] : memref<2x64x256xf32, #tpu.memory_space<vmem>>, vector<1x64x256xf32>
    %swap3A_18 = vector.shape_cast %swap3A_17 : vector<1x64x256xf32> to vector<64x256xf32>
    %swap3A_19 = vector.shape_cast %dot_general3A_14 : vector<64x256xf32> to vector<1x64x256xf32>
    tpu.vector_store %arg9[%swap3A, %swap3A_15, %swap3A_16], %swap3A_19 {strides = array<i32>} : memref<2x64x256xf32, #tpu.memory_space<vmem>>, vector<1x64x256xf32>,
    %get3A_20 = arith.constant 0 : index
    %get3A_21 = arith.constant 0 : index
    %get3A_22 = arith.constant 0 : index
    %get3A_23 = vector.load %arg1[%get3A_20, %get3A_21, %get3A_22] : memref<2x64x256xf32, #tpu.memory_space<vmem>>, vector<1x64x256xf32>
    %get3A_24 = vector.shape_cast %get3A_23 : vector<1x64x256xf32> to vector<64x256xf32>
    %dot_general3A_25 = arith.constant dense<0.000000e+00> : vector<64x256xf32>
    %dot_general3A_26 = tpu.matmul %get3A_8, %get3A_24, %dot_general3A_25 {dimension_numbers = #tpu.dot_dimension_numbers<[1], [0], [0], [1], [0, 0, 1, 1], [], []>, precision = #tpu.contract_precision<fp32>, transpose_lhs_hint = false} : vector<64x64xf32>, vector<64x256xf32>, vector<64x256xf32> -> vector<64x256xf32>
    %swap3A_27 = arith.constant 0 : index
    %swap3A_28 = arith.constant 0 : index
    %swap3A_29 = arith.constant 0 : index
    %swap3A_30 = vector.load %arg10[%swap3A_27, %swap3A_28, %swap3A_29] : memref<2x64x256xf32, #tpu.memory_space<vmem>>, vector<1x64x256xf32>
    %swap3A_31 = vector.shape_cast %swap3A_30 : vector<1x64x256xf32> to vector<64x256xf32>
    %swap3A_32 = vector.shape_cast %dot_general3A_26 : vector<64x256xf32> to vector<1x64x256xf32>
    tpu.vector_store %arg10[%swap3A_27, %swap3A_28, %swap3A_29], %swap3A_32 {strides = array<i32>} : memref<2x64x256xf32, #tpu.memory_space<vmem>>, vector<1x64x256xf32>,
    %get3A_33 = arith.constant 1 : index
    %get3A_34 = arith.constant 0 : index
    %get3A_35 = arith.constant 0 : index
    %get3A_36 = vector.load %arg2[%get3A_33, %get3A_34, %get3A_35] : memref<2x64x128xf32, #tpu.memory_space<vmem>>, vector<1x64x64xf32>
    %get3A_37 = vector.shape_cast %get3A_36 : vector<1x64x64xf32> to vector<64x64xf32>
    %get3A_38 = arith.constant 1 : index
    %get3A_39 = arith.constant 0 : index
    %get3A_40 = arith.constant 64 : index
    %get3A_41 = vector.load %arg2[%get3A_38, %get3A_39, %get3A_40] : memref<2x64x128xf32, #tpu.memory_space<vmem>>, vector<1x64x64xf32>
    %get3A_42 = vector.shape_cast %get3A_41 : vector<1x64x64xf32> to vector<64x64xf32>
    %get3A_43 = arith.constant 1 : index
    %get3A_44 = arith.constant 0 : index
    %get3A_45 = arith.constant 0 : index
    %get3A_46 = vector.load %arg0[%get3A_43, %get3A_44, %get3A_45] : memref<2x64x256xf32, #tpu.memory_space<vmem>>, vector<1x64x256xf32>
    %get3A_47 = vector.shape_cast %get3A_46 : vector<1x64x256xf32> to vector<64x256xf32>
    %dot_general3A_48 = arith.constant dense<0.000000e+00> : vector<64x256xf32>
    %dot_general3A_49 = tpu.matmul %get3A_37, %get3A_47, %dot_general3A_48 {dimension_numbers = #tpu.dot_dimension_numbers<[1], [0], [0], [1], [0, 0, 1, 1], [], []>, precision = #tpu.contract_precision<fp32>, transpose_lhs_hint = false} : vector<64x64xf32>, vector<64x256xf32>, vector<64x256xf32> -> vector<64x256xf32>
    %swap3A_50 = arith.constant 1 : index
    %swap3A_51 = arith.constant 0 : index
    %swap3A_52 = arith.constant 0 : index
    %swap3A_53 = vector.load %arg9[%swap3A_50, %swap3A_51, %swap3A_52] : memref<2x64x256xf32, #tpu.memory_space<vmem>>, vector<1x64x256xf32>
    %swap3A_54 = vector.shape_cast %swap3A_53 : vector<1x64x256xf32> to vector<64x256xf32>
    %swap3A_55 = vector.shape_cast %dot_general3A_49 : vector<64x256xf32> to vector<1x64x256xf32>
    tpu.vector_store %arg9[%swap3A_50, %swap3A_51, %swap3A_52], %swap3A_55 {strides = array<i32>} : memref<2x64x256xf32, #tpu.memory_space<vmem>>, vector<1x64x256xf32>,
    %get3A_56 = arith.constant 1 : index
    %get3A_57 = arith.constant 0 : index
    %get3A_58 = arith.constant 0 : index
    %get3A_59 = vector.load %arg1[%get3A_56, %get3A_57, %get3A_58] : memref<2x64x256xf32, #tpu.memory_space<vmem>>, vector<1x64x256xf32>
    %get3A_60 = vector.shape_cast %get3A_59 : vector<1x64x256xf32> to vector<64x256xf32>
    %dot_general3A_61 = arith.constant dense<0.000000e+00> : vector<64x256xf32>
    %dot_general3A_62 = tpu.matmul %get3A_42, %get3A_60, %dot_general3A_61 {dimension_numbers = #tpu.dot_dimension_numbers<[1], [0], [0], [1], [0, 0, 1, 1], [], []>, precision = #tpu.contract_precision<fp32>, transpose_lhs_hint = false} : vector<64x64xf32>, vector<64x256xf32>, vector<64x256xf32> -> vector<64x256xf32>
    %swap3A_63 = arith.constant 1 : index
    %swap3A_64 = arith.constant 0 : index
    %swap3A_65 = arith.constant 0 : index
    %swap3A_66 = vector.load %arg10[%swap3A_63, %swap3A_64, %swap3A_65] : memref<2x64x256xf32, #tpu.memory_space<vmem>>, vector<1x64x256xf32>
    %swap3A_67 = vector.shape_cast %swap3A_66 : vector<1x64x256xf32> to vector<64x256xf32>
    %swap3A_68 = vector.shape_cast %dot_general3A_62 : vector<64x256xf32> to vector<1x64x256xf32>
    tpu.vector_store %arg10[%swap3A_63, %swap3A_64, %swap3A_65], %swap3A_68 {strides = array<i32>} : memref<2x64x256xf32, #tpu.memory_space<vmem>>, vector<1x64x256xf32>,
    %get3A_69 = arith.constant 0 : index
    %get3A_70 = arith.constant 0 : index
    %get3A_71 = arith.constant 0 : index
    %get3A_72 = vector.load %arg5[%get3A_69, %get3A_70, %get3A_71] : memref<6x64x128xf32, #tpu.memory_space<vmem>>, vector<1x64x64xf32>
    %get3A_73 = vector.shape_cast %get3A_72 : vector<1x64x64xf32> to vector<64x64xf32>
    %get3A_74 = arith.constant 0 : index
    %get3A_75 = arith.constant 0 : index
    %get3A_76 = arith.constant 64 : index
    %get3A_77 = vector.load %arg5[%get3A_74, %get3A_75, %get3A_76] : memref<6x64x128xf32, #tpu.memory_space<vmem>>, vector<1x64x64xf32>
    %get3A_78 = vector.shape_cast %get3A_77 : vector<1x64x64xf32> to vector<64x64xf32>
    %get3A_79 = arith.constant 0 : index
    %get3A_80 = arith.constant 0 : index
    %get3A_81 = arith.constant 0 : index
    %get3A_82 = vector.load %arg3[%get3A_79, %get3A_80, %get3A_81] : memref<6x64x64xf32, #tpu.memory_space<vmem>>, vector<1x64x64xf32>
    %get3A_83 = vector.shape_cast %get3A_82 : vector<1x64x64xf32> to vector<64x64xf32>
    %dot_general3A_84 = arith.constant dense<0.000000e+00> : vector<64x64xf32>
    %dot_general3A_85 = tpu.matmul %get3A_73, %get3A_83, %dot_general3A_84 {dimension_numbers = #tpu.dot_dimension_numbers<[1], [0], [0], [1], [0, 0, 1, 1], [], []>, precision = #tpu.contract_precision<fp32>, transpose_lhs_hint = false} : vector<64x64xf32>, vector<64x64xf32>, vector<64x64xf32> -> vector<64x64xf32>
    %swap3A_86 = arith.constant 0 : index
    %swap3A_87 = arith.constant 0 : index
    %swap3A_88 = arith.constant 0 : index
    %swap3A_89 = vector.load %arg11[%swap3A_86, %swap3A_87, %swap3A_88] : memref<6x64x64xf32, #tpu.memory_space<vmem>>, vector<1x64x64xf32>
    %swap3A_90 = vector.shape_cast %swap3A_89 : vector<1x64x64xf32> to vector<64x64xf32>
    %swap3A_91 = vector.shape_cast %dot_general3A_85 : vector<64x64xf32> to vector<1x64x64xf32>
    tpu.vector_store %arg11[%swap3A_86, %swap3A_87, %swap3A_88], %swap3A_91 {strides = array<i32>} : memref<6x64x64xf32, #tpu.memory_space<vmem>>, vector<1x64x64xf32>,
    %get3A_92 = arith.constant 0 : index
    %get3A_93 = arith.constant 0 : index
    %get3A_94 = arith.constant 0 : index
    %get3A_95 = vector.load %arg4[%get3A_92, %get3A_93, %get3A_94] : memref<6x64x64xf32, #tpu.memory_space<vmem>>, vector<1x64x64xf32>
    %get3A_96 = vector.shape_cast %get3A_95 : vector<1x64x64xf32> to vector<64x64xf32>
    %dot_general3A_97 = arith.constant dense<0.000000e+00> : vector<64x64xf32>
    %dot_general3A_98 = tpu.matmul %get3A_78, %get3A_96, %dot_general3A_97 {dimension_numbers = #tpu.dot_dimension_numbers<[1], [0], [0], [1], [0, 0, 1, 1], [], []>, precision = #tpu.contract_precision<fp32>, transpose_lhs_hint = false} : vector<64x64xf32>, vector<64x64xf32>, vector<64x64xf32> -> vector<64x64xf32>
    %swap3A_99 = arith.constant 0 : index
    %swap3A_100 = arith.constant 0 : index
    %swap3A_101 = arith.constant 0 : index
    %swap3A_102 = vector.load %arg12[%swap3A_99, %swap3A_100, %swap3A_101] : memref<6x64x64xf32, #tpu.memory_space<vmem>>, vector<1x64x64xf32>
    %swap3A_103 = vector.shape_cast %swap3A_102 : vector<1x64x64xf32> to vector<64x64xf32>
    %swap3A_104 = vector.shape_cast %dot_general3A_98 : vector<64x64xf32> to vector<1x64x64xf32>
    tpu.vector_store %arg12[%swap3A_99, %swap3A_100, %swap3A_101], %swap3A_104 {strides = array<i32>} : memref<6x64x64xf32, #tpu.memory_space<vmem>>, vector<1x64x64xf32>,
    %get3A_105 = arith.constant 1 : index
    %get3A_106 = arith.constant 0 : index
    %get3A_107 = arith.constant 0 : index
    %get3A_108 = vector.load %arg5[%get3A_105, %get3A_106, %get3A_107] : memref<6x64x128xf32, #tpu.memory_space<vmem>>, vector<1x64x64xf32>
    %get3A_109 = vector.shape_cast %get3A_108 : vector<1x64x64xf32> to vector<64x64xf32>
    %get3A_110 = arith.constant 1 : index
    %get3A_111 = arith.constant 0 : index
    %get3A_112 = arith.constant 64 : index
    %get3A_113 = vector.load %arg5[%get3A_110, %get3A_111, %get3A_112] : memref<6x64x128xf32, #tpu.memory_space<vmem>>, vector<1x64x64xf32>
    %get3A_114 = vector.shape_cast %get3A_113 : vector<1x64x64xf32> to vector<64x64xf32>
    %get3A_115 = arith.constant 1 : index
    %get3A_116 = arith.constant 0 : index
    %get3A_117 = arith.constant 0 : index
    %get3A_118 = vector.load %arg3[%get3A_115, %get3A_116, %get3A_117] : memref<6x64x64xf32, #tpu.memory_space<vmem>>, vector<1x64x64xf32>
    %get3A_119 = vector.shape_cast %get3A_118 : vector<1x64x64xf32> to vector<64x64xf32>
    %dot_general3A_120 = arith.constant dense<0.000000e+00> : vector<64x64xf32>
    %dot_general3A_121 = tpu.matmul %get3A_109, %get3A_119, %dot_general3A_120 {dimension_numbers = #tpu.dot_dimension_numbers<[1], [0], [0], [1], [0, 0, 1, 1], [], []>, precision = #tpu.contract_precision<fp32>, transpose_lhs_hint = false} : vector<64x64xf32>, vector<64x64xf32>, vector<64x64xf32> -> vector<64x64xf32>
    %swap3A_122 = arith.constant 1 : index
    %swap3A_123 = arith.constant 0 : index
    %swap3A_124 = arith.constant 0 : index
    %swap3A_125 = vector.load %arg11[%swap3A_122, %swap3A_123, %swap3A_124] : memref<6x64x64xf32, #tpu.memory_space<vmem>>, vector<1x64x64xf32>
    %swap3A_126 = vector.shape_cast %swap3A_125 : vector<1x64x64xf32> to vector<64x64xf32>
    %swap3A_127 = vector.shape_cast %dot_general3A_121 : vector<64x64xf32> to vector<1x64x64xf32>
    tpu.vector_store %arg11[%swap3A_122, %swap3A_123, %swap3A_124], %swap3A_127 {strides = array<i32>} : memref<6x64x64xf32, #tpu.memory_space<vmem>>, vector<1x64x64xf32>,
    %get3A_128 = arith.constant 1 : index
    %get3A_129 = arith.constant 0 : index
    %get3A_130 = arith.constant 0 : index
    %get3A_131 = vector.load %arg4[%get3A_128, %get3A_129, %get3A_130] : memref<6x64x64xf32, #tpu.memory_space<vmem>>, vector<1x64x64xf32>
    %get3A_132 = vector.shape_cast %get3A_131 : vector<1x64x64xf32> to vector<64x64xf32>
    %dot_general3A_133 = arith.constant dense<0.000000e+00> : vector<64x64xf32>
    %dot_general3A_134 = tpu.matmul %get3A_114, %get3A_132, %dot_general3A_133 {dimension_numbers = #tpu.dot_dimension_numbers<[1], [0], [0], [1], [0, 0, 1, 1], [], []>, precision = #tpu.contract_precision<fp32>, transpose_lhs_hint = false} : vector<64x64xf32>, vector<64x64xf32>, vector<64x64xf32> -> vector<64x64xf32>
    %swap3A_135 = arith.constant 1 : index
    %swap3A_136 = arith.constant 0 : index
    %swap3A_137 = arith.constant 0 : index
    %swap3A_138 = vector.load %arg12[%swap3A_135, %swap3A_136, %swap3A_137] : memref<6x64x64xf32, #tpu.memory_space<vmem>>, vector<1x64x64xf32>
    %swap3A_139 = vector.shape_cast %swap3A_138 : vector<1x64x64xf32> to vector<64x64xf32>
    %swap3A_140 = vector.shape_cast %dot_general3A_134 : vector<64x64xf32> to vector<1x64x64xf32>
    tpu.vector_store %arg12[%swap3A_135, %swap3A_136, %swap3A_137], %swap3A_140 {strides = array<i32>} : memref<6x64x64xf32, #tpu.memory_space<vmem>>, vector<1x64x64xf32>,
    %get3A_141 = arith.constant 2 : index
    %get3A_142 = arith.constant 0 : index
    %get3A_143 = arith.constant 0 : index
    %get3A_144 = vector.load %arg5[%get3A_141, %get3A_142, %get3A_143] : memref<6x64x128xf32, #tpu.memory_space<vmem>>, vector<1x64x64xf32>
    %get3A_145 = vector.shape_cast %get3A_144 : vector<1x64x64xf32> to vector<64x64xf32>
    %get3A_146 = arith.constant 2 : index
    %get3A_147 = arith.constant 0 : index
    %get3A_148 = arith.constant 64 : index
    %get3A_149 = vector.load %arg5[%get3A_146, %get3A_147, %get3A_148] : memref<6x64x128xf32, #tpu.memory_space<vmem>>, vector<1x64x64xf32>
    %get3A_150 = vector.shape_cast %get3A_149 : vector<1x64x64xf32> to vector<64x64xf32>
    %get3A_151 = arith.constant 2 : index
    %get3A_152 = arith.constant 0 : index
    %get3A_153 = arith.constant 0 : index
    %get3A_154 = vector.load %arg3[%get3A_151, %get3A_152, %get3A_153] : memref<6x64x64xf32, #tpu.memory_space<vmem>>, vector<1x64x64xf32>
    %get3A_155 = vector.shape_cast %get3A_154 : vector<1x64x64xf32> to vector<64x64xf32>
    %dot_general3A_156 = arith.constant dense<0.000000e+00> : vector<64x64xf32>
    %dot_general3A_157 = tpu.matmul %get3A_145, %get3A_155, %dot_general3A_156 {dimension_numbers = #tpu.dot_dimension_numbers<[1], [0], [0], [1], [0, 0, 1, 1], [], []>, precision = #tpu.contract_precision<fp32>, transpose_lhs_hint = false} : vector<64x64xf32>, vector<64x64xf32>, vector<64x64xf32> -> vector<64x64xf32>
    %swap3A_158 = arith.constant 2 : index
    %swap3A_159 = arith.constant 0 : index
    %swap3A_160 = arith.constant 0 : index
    %swap3A_161 = vector.load %arg11[%swap3A_158, %swap3A_159, %swap3A_160] : memref<6x64x64xf32, #tpu.memory_space<vmem>>, vector<1x64x64xf32>
    %swap3A_162 = vector.shape_cast %swap3A_161 : vector<1x64x64xf32> to vector<64x64xf32>
    %swap3A_163 = vector.shape_cast %dot_general3A_157 : vector<64x64xf32> to vector<1x64x64xf32>
    tpu.vector_store %arg11[%swap3A_158, %swap3A_159, %swap3A_160], %swap3A_163 {strides = array<i32>} : memref<6x64x64xf32, #tpu.memory_space<vmem>>, vector<1x64x64xf32>,
    %get3A_164 = arith.constant 2 : index
    %get3A_165 = arith.constant 0 : index
    %get3A_166 = arith.constant 0 : index
    %get3A_167 = vector.load %arg4[%get3A_164, %get3A_165, %get3A_166] : memref<6x64x64xf32, #tpu.memory_space<vmem>>, vector<1x64x64xf32>
    %get3A_168 = vector.shape_cast %get3A_167 : vector<1x64x64xf32> to vector<64x64xf32>
    %dot_general3A_169 = arith.constant dense<0.000000e+00> : vector<64x64xf32>
    %dot_general3A_170 = tpu.matmul %get3A_150, %get3A_168, %dot_general3A_169 {dimension_numbers = #tpu.dot_dimension_numbers<[1], [0], [0], [1], [0, 0, 1, 1], [], []>, precision = #tpu.contract_precision<fp32>, transpose_lhs_hint = false} : vector<64x64xf32>, vector<64x64xf32>, vector<64x64xf32> -> vector<64x64xf32>
    %swap3A_171 = arith.constant 2 : index
    %swap3A_172 = arith.constant 0 : index
    %swap3A_173 = arith.constant 0 : index
    %swap3A_174 = vector.load %arg12[%swap3A_171, %swap3A_172, %swap3A_173] : memref<6x64x64xf32, #tpu.memory_space<vmem>>, vector<1x64x64xf32>
    %swap3A_175 = vector.shape_cast %swap3A_174 : vector<1x64x64xf32> to vector<64x64xf32>
    %swap3A_176 = vector.shape_cast %dot_general3A_170 : vector<64x64xf32> to vector<1x64x64xf32>
    tpu.vector_store %arg12[%swap3A_171, %swap3A_172, %swap3A_173], %swap3A_176 {strides = array<i32>} : memref<6x64x64xf32, #tpu.memory_space<vmem>>, vector<1x64x64xf32>,
    %get3A_177 = arith.constant 3 : index
    %get3A_178 = arith.constant 0 : index
    %get3A_179 = arith.constant 0 : index
    %get3A_180 = vector.load %arg5[%get3A_177, %get3A_178, %get3A_179] : memref<6x64x128xf32, #tpu.memory_space<vmem>>, vector<1x64x64xf32>
    %get3A_181 = vector.shape_cast %get3A_180 : vector<1x64x64xf32> to vector<64x64xf32>
    %get3A_182 = arith.constant 3 : index
    %get3A_183 = arith.constant 0 : index
    %get3A_184 = arith.constant 64 : index
    %get3A_185 = vector.load %arg5[%get3A_182, %get3A_183, %get3A_184] : memref<6x64x128xf32, #tpu.memory_space<vmem>>, vector<1x64x64xf32>
    %get3A_186 = vector.shape_cast %get3A_185 : vector<1x64x64xf32> to vector<64x64xf32>
    %get3A_187 = arith.constant 3 : index
    %get3A_188 = arith.constant 0 : index
    %get3A_189 = arith.constant 0 : index
    %get3A_190 = vector.load %arg3[%get3A_187, %get3A_188, %get3A_189] : memref<6x64x64xf32, #tpu.memory_space<vmem>>, vector<1x64x64xf32>
    %get3A_191 = vector.shape_cast %get3A_190 : vector<1x64x64xf32> to vector<64x64xf32>
    %dot_general3A_192 = arith.constant dense<0.000000e+00> : vector<64x64xf32>
    %dot_general3A_193 = tpu.matmul %get3A_181, %get3A_191, %dot_general3A_192 {dimension_numbers = #tpu.dot_dimension_numbers<[1], [0], [0], [1], [0, 0, 1, 1], [], []>, precision = #tpu.contract_precision<fp32>, transpose_lhs_hint = false} : vector<64x64xf32>, vector<64x64xf32>, vector<64x64xf32> -> vector<64x64xf32>
    %swap3A_194 = arith.constant 3 : index
    %swap3A_195 = arith.constant 0 : index
    %swap3A_196 = arith.constant 0 : index
    %swap3A_197 = vector.load %arg11[%swap3A_194, %swap3A_195, %swap3A_196] : memref<6x64x64xf32, #tpu.memory_space<vmem>>, vector<1x64x64xf32>
    %swap3A_198 = vector.shape_cast %swap3A_197 : vector<1x64x64xf32> to vector<64x64xf32>
    %swap3A_199 = vector.shape_cast %dot_general3A_193 : vector<64x64xf32> to vector<1x64x64xf32>
    tpu.vector_store %arg11[%swap3A_194, %swap3A_195, %swap3A_196], %swap3A_199 {strides = array<i32>} : memref<6x64x64xf32, #tpu.memory_space<vmem>>, vector<1x64x64xf32>,
    %get3A_200 = arith.constant 3 : index
    %get3A_201 = arith.constant 0 : index
    %get3A_202 = arith.constant 0 : index
    %get3A_203 = vector.load %arg4[%get3A_200, %get3A_201, %get3A_202] : memref<6x64x64xf32, #tpu.memory_space<vmem>>, vector<1x64x64xf32>
    %get3A_204 = vector.shape_cast %get3A_203 : vector<1x64x64xf32> to vector<64x64xf32>
    %dot_general3A_205 = arith.constant dense<0.000000e+00> : vector<64x64xf32>
    %dot_general3A_206 = tpu.matmul %get3A_186, %get3A_204, %dot_general3A_205 {dimension_numbers = #tpu.dot_dimension_numbers<[1], [0], [0], [1], [0, 0, 1, 1], [], []>, precision = #tpu.contract_precision<fp32>, transpose_lhs_hint = false} : vector<64x64xf32>, vector<64x64xf32>, vector<64x64xf32> -> vector<64x64xf32>
    %swap3A_207 = arith.constant 3 : index
    %swap3A_208 = arith.constant 0 : index
    %swap3A_209 = arith.constant 0 : index
    %swap3A_210 = vector.load %arg12[%swap3A_207, %swap3A_208, %swap3A_209] : memref<6x64x64xf32, #tpu.memory_space<vmem>>, vector<1x64x64xf32>
    %swap3A_211 = vector.shape_cast %swap3A_210 : vector<1x64x64xf32> to vector<64x64xf32>
    %swap3A_212 = vector.shape_cast %dot_general3A_206 : vector<64x64xf32> to vector<1x64x64xf32>
    tpu.vector_store %arg12[%swap3A_207, %swap3A_208, %swap3A_209], %swap3A_212 {strides = array<i32>} : memref<6x64x64xf32, #tpu.memory_space<vmem>>, vector<1x64x64xf32>,
    %get3A_213 = arith.constant 4 : index
    %get3A_214 = arith.constant 0 : index
    %get3A_215 = arith.constant 0 : index
    %get3A_216 = vector.load %arg5[%get3A_213, %get3A_214, %get3A_215] : memref<6x64x128xf32, #tpu.memory_space<vmem>>, vector<1x64x64xf32>
    %get3A_217 = vector.shape_cast %get3A_216 : vector<1x64x64xf32> to vector<64x64xf32>
    %get3A_218 = arith.constant 4 : index
    %get3A_219 = arith.constant 0 : index
    %get3A_220 = arith.constant 64 : index
    %get3A_221 = vector.load %arg5[%get3A_218, %get3A_219, %get3A_220] : memref<6x64x128xf32, #tpu.memory_space<vmem>>, vector<1x64x64xf32>
    %get3A_222 = vector.shape_cast %get3A_221 : vector<1x64x64xf32> to vector<64x64xf32>
    %get3A_223 = arith.constant 4 : index
    %get3A_224 = arith.constant 0 : index
    %get3A_225 = arith.constant 0 : index
    %get3A_226 = vector.load %arg3[%get3A_223, %get3A_224, %get3A_225] : memref<6x64x64xf32, #tpu.memory_space<vmem>>, vector<1x64x64xf32>
    %get3A_227 = vector.shape_cast %get3A_226 : vector<1x64x64xf32> to vector<64x64xf32>
    %dot_general3A_228 = arith.constant dense<0.000000e+00> : vector<64x64xf32>
    %dot_general3A_229 = tpu.matmul %get3A_217, %get3A_227, %dot_general3A_228 {dimension_numbers = #tpu.dot_dimension_numbers<[1], [0], [0], [1], [0, 0, 1, 1], [], []>, precision = #tpu.contract_precision<fp32>, transpose_lhs_hint = false} : vector<64x64xf32>, vector<64x64xf32>, vector<64x64xf32> -> vector<64x64xf32>
    %swap3A_230 = arith.constant 4 : index
    %swap3A_231 = arith.constant 0 : index
    %swap3A_232 = arith.constant 0 : index
    %swap3A_233 = vector.load %arg11[%swap3A_230, %swap3A_231, %swap3A_232] : memref<6x64x64xf32, #tpu.memory_space<vmem>>, vector<1x64x64xf32>
    %swap3A_234 = vector.shape_cast %swap3A_233 : vector<1x64x64xf32> to vector<64x64xf32>
    %swap3A_235 = vector.shape_cast %dot_general3A_229 : vector<64x64xf32> to vector<1x64x64xf32>
    tpu.vector_store %arg11[%swap3A_230, %swap3A_231, %swap3A_232], %swap3A_235 {strides = array<i32>} : memref<6x64x64xf32, #tpu.memory_space<vmem>>, vector<1x64x64xf32>,
    %get3A_236 = arith.constant 4 : index
    %get3A_237 = arith.constant 0 : index
    %get3A_238 = arith.constant 0 : index
    %get3A_239 = vector.load %arg4[%get3A_236, %get3A_237, %get3A_238] : memref<6x64x64xf32, #tpu.memory_space<vmem>>, vector<1x64x64xf32>
    %get3A_240 = vector.shape_cast %get3A_239 : vector<1x64x64xf32> to vector<64x64xf32>
    %dot_general3A_241 = arith.constant dense<0.000000e+00> : vector<64x64xf32>
    %dot_general3A_242 = tpu.matmul %get3A_222, %get3A_240, %dot_general3A_241 {dimension_numbers = #tpu.dot_dimension_numbers<[1], [0], [0], [1], [0, 0, 1, 1], [], []>, precision = #tpu.contract_precision<fp32>, transpose_lhs_hint = false} : vector<64x64xf32>, vector<64x64xf32>, vector<64x64xf32> -> vector<64x64xf32>
    %swap3A_243 = arith.constant 4 : index
    %swap3A_244 = arith.constant 0 : index
    %swap3A_245 = arith.constant 0 : index
    %swap3A_246 = vector.load %arg12[%swap3A_243, %swap3A_244, %swap3A_245] : memref<6x64x64xf32, #tpu.memory_space<vmem>>, vector<1x64x64xf32>
    %swap3A_247 = vector.shape_cast %swap3A_246 : vector<1x64x64xf32> to vector<64x64xf32>
    %swap3A_248 = vector.shape_cast %dot_general3A_242 : vector<64x64xf32> to vector<1x64x64xf32>
    tpu.vector_store %arg12[%swap3A_243, %swap3A_244, %swap3A_245], %swap3A_248 {strides = array<i32>} : memref<6x64x64xf32, #tpu.memory_space<vmem>>, vector<1x64x64xf32>,
    %get3A_249 = arith.constant 5 : index
    %get3A_250 = arith.constant 0 : index
    %get3A_251 = arith.constant 0 : index
    %get3A_252 = vector.load %arg5[%get3A_249, %get3A_250, %get3A_251] : memref<6x64x128xf32, #tpu.memory_space<vmem>>, vector<1x64x64xf32>
    %get3A_253 = vector.shape_cast %get3A_252 : vector<1x64x64xf32> to vector<64x64xf32>
    %get3A_254 = arith.constant 5 : index
    %get3A_255 = arith.constant 0 : index
    %get3A_256 = arith.constant 64 : index
    %get3A_257 = vector.load %arg5[%get3A_254, %get3A_255, %get3A_256] : memref<6x64x128xf32, #tpu.memory_space<vmem>>, vector<1x64x64xf32>
    %get3A_258 = vector.shape_cast %get3A_257 : vector<1x64x64xf32> to vector<64x64xf32>
    %get3A_259 = arith.constant 5 : index
    %get3A_260 = arith.constant 0 : index
    %get3A_261 = arith.constant 0 : index
    %get3A_262 = vector.load %arg3[%get3A_259, %get3A_260, %get3A_261] : memref<6x64x64xf32, #tpu.memory_space<vmem>>, vector<1x64x64xf32>
    %get3A_263 = vector.shape_cast %get3A_262 : vector<1x64x64xf32> to vector<64x64xf32>
    %dot_general3A_264 = arith.constant dense<0.000000e+00> : vector<64x64xf32>
    %dot_general3A_265 = tpu.matmul %get3A_253, %get3A_263, %dot_general3A_264 {dimension_numbers = #tpu.dot_dimension_numbers<[1], [0], [0], [1], [0, 0, 1, 1], [], []>, precision = #tpu.contract_precision<fp32>, transpose_lhs_hint = false} : vector<64x64xf32>, vector<64x64xf32>, vector<64x64xf32> -> vector<64x64xf32>
    %swap3A_266 = arith.constant 5 : index
    %swap3A_267 = arith.constant 0 : index
    %swap3A_268 = arith.constant 0 : index
    %swap3A_269 = vector.load %arg11[%swap3A_266, %swap3A_267, %swap3A_268] : memref<6x64x64xf32, #tpu.memory_space<vmem>>, vector<1x64x64xf32>
    %swap3A_270 = vector.shape_cast %swap3A_269 : vector<1x64x64xf32> to vector<64x64xf32>
    %swap3A_271 = vector.shape_cast %dot_general3A_265 : vector<64x64xf32> to vector<1x64x64xf32>
    tpu.vector_store %arg11[%swap3A_266, %swap3A_267, %swap3A_268], %swap3A_271 {strides = array<i32>} : memref<6x64x64xf32, #tpu.memory_space<vmem>>, vector<1x64x64xf32>,
    %get3A_272 = arith.constant 5 : index
    %get3A_273 = arith.constant 0 : index
    %get3A_274 = arith.constant 0 : index
    %get3A_275 = vector.load %arg4[%get3A_272, %get3A_273, %get3A_274] : memref<6x64x64xf32, #tpu.memory_space<vmem>>, vector<1x64x64xf32>
    %get3A_276 = vector.shape_cast %get3A_275 : vector<1x64x64xf32> to vector<64x64xf32>
    %dot_general3A_277 = arith.constant dense<0.000000e+00> : vector<64x64xf32>
    %dot_general3A_278 = tpu.matmul %get3A_258, %get3A_276, %dot_general3A_277 {dimension_numbers = #tpu.dot_dimension_numbers<[1], [0], [0], [1], [0, 0, 1, 1], [], []>, precision = #tpu.contract_precision<fp32>, transpose_lhs_hint = false} : vector<64x64xf32>, vector<64x64xf32>, vector<64x64xf32> -> vector<64x64xf32>
    %swap3A_279 = arith.constant 5 : index
    %swap3A_280 = arith.constant 0 : index
    %swap3A_281 = arith.constant 0 : index
    %swap3A_282 = vector.load %arg12[%swap3A_279, %swap3A_280, %swap3A_281] : memref<6x64x64xf32, #tpu.memory_space<vmem>>, vector<1x64x64xf32>
    %swap3A_283 = vector.shape_cast %swap3A_282 : vector<1x64x64xf32> to vector<64x64xf32>
    %swap3A_284 = vector.shape_cast %dot_general3A_278 : vector<64x64xf32> to vector<1x64x64xf32>
    tpu.vector_store %arg12[%swap3A_279, %swap3A_280, %swap3A_281], %swap3A_284 {strides = array<i32>} : memref<6x64x64xf32, #tpu.memory_space<vmem>>, vector<1x64x64xf32>,
    %get3A_285 = arith.constant 0 : index
    %get3A_286 = arith.constant 0 : index
    %get3A_287 = arith.constant 0 : index
    %get3A_288 = vector.load %arg2[%get3A_285, %get3A_286, %get3A_287] : memref<2x64x128xf32, #tpu.memory_space<vmem>>, vector<1x64x64xf32>
    %get3A_289 = vector.shape_cast %get3A_288 : vector<1x64x64xf32> to vector<64x64xf32>
    %get3A_290 = arith.constant 0 : index
    %get3A_291 = arith.constant 0 : index
    %get3A_292 = arith.constant 64 : index
    %get3A_293 = vector.load %arg2[%get3A_290, %get3A_291, %get3A_292] : memref<2x64x128xf32, #tpu.memory_space<vmem>>, vector<1x64x64xf32>
    %get3A_294 = vector.shape_cast %get3A_293 : vector<1x64x64xf32> to vector<64x64xf32>
    %get3A_295 = arith.constant 0 : index
    %get3A_296 = arith.constant 0 : index
    %get3A_297 = vector.load %arg6[%get3A_295, %get3A_296] : memref<8x64xf32, #tpu.memory_space<vmem>>, vector<1x64xf32>
    %dot_general3A_298 = arith.constant dense<0.000000e+00> : vector<1x64xf32>
    %dot_general3A_299 = tpu.matmul %get3A_297, %get3A_289, %dot_general3A_298 {dimension_numbers = #tpu.dot_dimension_numbers<[1], [1], [0], [0], [0, 0, 1, 0], [], []>, precision = #tpu.contract_precision<fp32>, transpose_lhs_hint = false} : vector<1x64xf32>, vector<64x64xf32>, vector<1x64xf32> -> vector<1x64xf32>
    %get3A_300 = arith.constant 0 : index
    %get3A_301 = arith.constant 0 : index
    %get3A_302 = vector.load %arg7[%get3A_300, %get3A_301] : memref<8x64xf32, #tpu.memory_space<vmem>>, vector<1x64xf32>
    %dot_general3A_303 = arith.constant dense<0.000000e+00> : vector<1x64xf32>
    %dot_general3A_304 = tpu.matmul %get3A_302, %get3A_294, %dot_general3A_303 {dimension_numbers = #tpu.dot_dimension_numbers<[1], [1], [0], [0], [0, 0, 1, 0], [], []>, precision = #tpu.contract_precision<fp32>, transpose_lhs_hint = false} : vector<1x64xf32>, vector<64x64xf32>, vector<1x64xf32> -> vector<1x64xf32>
    %add3A = arith.addf %dot_general3A_299, %dot_general3A_304 : vector<1x64xf32>
    %get3A_305 = arith.constant 0 : index
    %get3A_306 = arith.constant 0 : index
    %get3A_307 = vector.load %arg8[%get3A_305, %get3A_306] : memref<8x64xf32, #tpu.memory_space<vmem>>, vector<1x64xf32>
    %add3A_308 = arith.addf %add3A, %get3A_307 : vector<1x64xf32>
    %swap3A_309 = arith.constant 0 : index
    %swap3A_310 = arith.constant 0 : index
    %swap3A_311 = vector.load %arg13[%swap3A_309, %swap3A_310] : memref<8x64xf32, #tpu.memory_space<vmem>>, vector<1x64xf32>
    tpu.vector_store %arg13[%swap3A_309, %swap3A_310], %add3A_308 {strides = array<i32>} : memref<8x64xf32, #tpu.memory_space<vmem>>, vector<1x64xf32>,
    %get3A_312 = arith.constant 1 : index
    %get3A_313 = arith.constant 0 : index
    %get3A_314 = arith.constant 0 : index
    %get3A_315 = vector.load %arg2[%get3A_312, %get3A_313, %get3A_314] : memref<2x64x128xf32, #tpu.memory_space<vmem>>, vector<1x64x64xf32>
    %get3A_316 = vector.shape_cast %get3A_315 : vector<1x64x64xf32> to vector<64x64xf32>
    %get3A_317 = arith.constant 1 : index
    %get3A_318 = arith.constant 0 : index
    %get3A_319 = arith.constant 64 : index
    %get3A_320 = vector.load %arg2[%get3A_317, %get3A_318, %get3A_319] : memref<2x64x128xf32, #tpu.memory_space<vmem>>, vector<1x64x64xf32>
    %get3A_321 = vector.shape_cast %get3A_320 : vector<1x64x64xf32> to vector<64x64xf32>
    %get3A_322 = arith.constant 1 : index
    %get3A_323 = arith.constant 0 : index
    %get3A_324 = vector.load %arg6[%get3A_322, %get3A_323] : memref<8x64xf32, #tpu.memory_space<vmem>>, vector<1x64xf32>
    %dot_general3A_325 = arith.constant dense<0.000000e+00> : vector<1x64xf32>
    %dot_general3A_326 = tpu.matmul %get3A_324, %get3A_316, %dot_general3A_325 {dimension_numbers = #tpu.dot_dimension_numbers<[1], [1], [0], [0], [0, 0, 1, 0], [], []>, precision = #tpu.contract_precision<fp32>, transpose_lhs_hint = false} : vector<1x64xf32>, vector<64x64xf32>, vector<1x64xf32> -> vector<1x64xf32>
    %get3A_327 = arith.constant 1 : index
    %get3A_328 = arith.constant 0 : index
    %get3A_329 = vector.load %arg7[%get3A_327, %get3A_328] : memref<8x64xf32, #tpu.memory_space<vmem>>, vector<1x64xf32>
    %dot_general3A_330 = arith.constant dense<0.000000e+00> : vector<1x64xf32>
    %dot_general3A_331 = tpu.matmul %get3A_329, %get3A_321, %dot_general3A_330 {dimension_numbers = #tpu.dot_dimension_numbers<[1], [1], [0], [0], [0, 0, 1, 0], [], []>, precision = #tpu.contract_precision<fp32>, transpose_lhs_hint = false} : vector<1x64xf32>, vector<64x64xf32>, vector<1x64xf32> -> vector<1x64xf32>
    %add3A_332 = arith.addf %dot_general3A_326, %dot_general3A_331 : vector<1x64xf32>
    %get3A_333 = arith.constant 1 : index
    %get3A_334 = arith.constant 0 : index
    %get3A_335 = vector.load %arg8[%get3A_333, %get3A_334] : memref<8x64xf32, #tpu.memory_space<vmem>>, vector<1x64xf32>
    %add3A_336 = arith.addf %add3A_332, %get3A_335 : vector<1x64xf32>
    %swap3A_337 = arith.constant 1 : index
    %swap3A_338 = arith.constant 0 : index
    %swap3A_339 = vector.load %arg13[%swap3A_337, %swap3A_338] : memref<8x64xf32, #tpu.memory_space<vmem>>, vector<1x64xf32>
    tpu.vector_store %arg13[%swap3A_337, %swap3A_338], %add3A_336 {strides = array<i32>} : memref<8x64xf32, #tpu.memory_space<vmem>>, vector<1x64xf32>,
    %get3A_340 = arith.constant 0 : index
    %get3A_341 = arith.constant 0 : index
    %get3A_342 = arith.constant 0 : index
    %get3A_343 = vector.load %arg5[%get3A_340, %get3A_341, %get3A_342] : memref<6x64x128xf32, #tpu.memory_space<vmem>>, vector<1x64x64xf32>
    %get3A_344 = vector.shape_cast %get3A_343 : vector<1x64x64xf32> to vector<64x64xf32>
    %get3A_345 = arith.constant 0 : index
    %get3A_346 = arith.constant 0 : index
    %get3A_347 = arith.constant 64 : index
    %get3A_348 = vector.load %arg5[%get3A_345, %get3A_346, %get3A_347] : memref<6x64x128xf32, #tpu.memory_space<vmem>>, vector<1x64x64xf32>
    %get3A_349 = vector.shape_cast %get3A_348 : vector<1x64x64xf32> to vector<64x64xf32>
    %get3A_350 = arith.constant 2 : index
    %get3A_351 = arith.constant 0 : index
    %get3A_352 = vector.load %arg6[%get3A_350, %get3A_351] : memref<8x64xf32, #tpu.memory_space<vmem>>, vector<1x64xf32>
    %dot_general3A_353 = arith.constant dense<0.000000e+00> : vector<1x64xf32>
    %dot_general3A_354 = tpu.matmul %get3A_352, %get3A_344, %dot_general3A_353 {dimension_numbers = #tpu.dot_dimension_numbers<[1], [1], [0], [0], [0, 0, 1, 0], [], []>, precision = #tpu.contract_precision<fp32>, transpose_lhs_hint = false} : vector<1x64xf32>, vector<64x64xf32>, vector<1x64xf32> -> vector<1x64xf32>
    %get3A_355 = arith.constant 2 : index
    %get3A_356 = arith.constant 0 : index
    %get3A_357 = vector.load %arg7[%get3A_355, %get3A_356] : memref<8x64xf32, #tpu.memory_space<vmem>>, vector<1x64xf32>
    %dot_general3A_358 = arith.constant dense<0.000000e+00> : vector<1x64xf32>
    %dot_general3A_359 = tpu.matmul %get3A_357, %get3A_349, %dot_general3A_358 {dimension_numbers = #tpu.dot_dimension_numbers<[1], [1], [0], [0], [0, 0, 1, 0], [], []>, precision = #tpu.contract_precision<fp32>, transpose_lhs_hint = false} : vector<1x64xf32>, vector<64x64xf32>, vector<1x64xf32> -> vector<1x64xf32>
    %add3A_360 = arith.addf %dot_general3A_354, %dot_general3A_359 : vector<1x64xf32>
    %get3A_361 = arith.constant 2 : index
    %get3A_362 = arith.constant 0 : index
    %get3A_363 = vector.load %arg8[%get3A_361, %get3A_362] : memref<8x64xf32, #tpu.memory_space<vmem>>, vector<1x64xf32>
    %add3A_364 = arith.addf %add3A_360, %get3A_363 : vector<1x64xf32>
    %swap3A_365 = arith.constant 2 : index
    %swap3A_366 = arith.constant 0 : index
    %swap3A_367 = vector.load %arg13[%swap3A_365, %swap3A_366] : memref<8x64xf32, #tpu.memory_space<vmem>>, vector<1x64xf32>
    tpu.vector_store %arg13[%swap3A_365, %swap3A_366], %add3A_364 {strides = array<i32>} : memref<8x64xf32, #tpu.memory_space<vmem>>, vector<1x64xf32>,
    %get3A_368 = arith.constant 1 : index
    %get3A_369 = arith.constant 0 : index
    %get3A_370 = arith.constant 0 : index
    %get3A_371 = vector.load %arg5[%get3A_368, %get3A_369, %get3A_370] : memref<6x64x128xf32, #tpu.memory_space<vmem>>, vector<1x64x64xf32>
    %get3A_372 = vector.shape_cast %get3A_371 : vector<1x64x64xf32> to vector<64x64xf32>
    %get3A_373 = arith.constant 1 : index
    %get3A_374 = arith.constant 0 : index
    %get3A_375 = arith.constant 64 : index
    %get3A_376 = vector.load %arg5[%get3A_373, %get3A_374, %get3A_375] : memref<6x64x128xf32, #tpu.memory_space<vmem>>, vector<1x64x64xf32>
    %get3A_377 = vector.shape_cast %get3A_376 : vector<1x64x64xf32> to vector<64x64xf32>
    %get3A_378 = arith.constant 3 : index
    %get3A_379 = arith.constant 0 : index
    %get3A_380 = vector.load %arg6[%get3A_378, %get3A_379] : memref<8x64xf32, #tpu.memory_space<vmem>>, vector<1x64xf32>
    %dot_general3A_381 = arith.constant dense<0.000000e+00> : vector<1x64xf32>
    %dot_general3A_382 = tpu.matmul %get3A_380, %get3A_372, %dot_general3A_381 {dimension_numbers = #tpu.dot_dimension_numbers<[1], [1], [0], [0], [0, 0, 1, 0], [], []>, precision = #tpu.contract_precision<fp32>, transpose_lhs_hint = false} : vector<1x64xf32>, vector<64x64xf32>, vector<1x64xf32> -> vector<1x64xf32>
    %get3A_383 = arith.constant 3 : index
    %get3A_384 = arith.constant 0 : index
    %get3A_385 = vector.load %arg7[%get3A_383, %get3A_384] : memref<8x64xf32, #tpu.memory_space<vmem>>, vector<1x64xf32>
    %dot_general3A_386 = arith.constant dense<0.000000e+00> : vector<1x64xf32>
    %dot_general3A_387 = tpu.matmul %get3A_385, %get3A_377, %dot_general3A_386 {dimension_numbers = #tpu.dot_dimension_numbers<[1], [1], [0], [0], [0, 0, 1, 0], [], []>, precision = #tpu.contract_precision<fp32>, transpose_lhs_hint = false} : vector<1x64xf32>, vector<64x64xf32>, vector<1x64xf32> -> vector<1x64xf32>
    %add3A_388 = arith.addf %dot_general3A_382, %dot_general3A_387 : vector<1x64xf32>
    %get3A_389 = arith.constant 3 : index
    %get3A_390 = arith.constant 0 : index
    %get3A_391 = vector.load %arg8[%get3A_389, %get3A_390] : memref<8x64xf32, #tpu.memory_space<vmem>>, vector<1x64xf32>
    %add3A_392 = arith.addf %add3A_388, %get3A_391 : vector<1x64xf32>
    %swap3A_393 = arith.constant 3 : index
    %swap3A_394 = arith.constant 0 : index
    %swap3A_395 = vector.load %arg13[%swap3A_393, %swap3A_394] : memref<8x64xf32, #tpu.memory_space<vmem>>, vector<1x64xf32>
    tpu.vector_store %arg13[%swap3A_393, %swap3A_394], %add3A_392 {strides = array<i32>} : memref<8x64xf32, #tpu.memory_space<vmem>>, vector<1x64xf32>,
    %get3A_396 = arith.constant 2 : index
    %get3A_397 = arith.constant 0 : index
    %get3A_398 = arith.constant 0 : index
    %get3A_399 = vector.load %arg5[%get3A_396, %get3A_397, %get3A_398] : memref<6x64x128xf32, #tpu.memory_space<vmem>>, vector<1x64x64xf32>
    %get3A_400 = vector.shape_cast %get3A_399 : vector<1x64x64xf32> to vector<64x64xf32>
    %get3A_401 = arith.constant 2 : index
    %get3A_402 = arith.constant 0 : index
    %get3A_403 = arith.constant 64 : index
    %get3A_404 = vector.load %arg5[%get3A_401, %get3A_402, %get3A_403] : memref<6x64x128xf32, #tpu.memory_space<vmem>>, vector<1x64x64xf32>
    %get3A_405 = vector.shape_cast %get3A_404 : vector<1x64x64xf32> to vector<64x64xf32>
    %get3A_406 = arith.constant 4 : index
    %get3A_407 = arith.constant 0 : index
    %get3A_408 = vector.load %arg6[%get3A_406, %get3A_407] : memref<8x64xf32, #tpu.memory_space<vmem>>, vector<1x64xf32>
    %dot_general3A_409 = arith.constant dense<0.000000e+00> : vector<1x64xf32>
    %dot_general3A_410 = tpu.matmul %get3A_408, %get3A_400, %dot_general3A_409 {dimension_numbers = #tpu.dot_dimension_numbers<[1], [1], [0], [0], [0, 0, 1, 0], [], []>, precision = #tpu.contract_precision<fp32>, transpose_lhs_hint = false} : vector<1x64xf32>, vector<64x64xf32>, vector<1x64xf32> -> vector<1x64xf32>
    %get3A_411 = arith.constant 4 : index
    %get3A_412 = arith.constant 0 : index
    %get3A_413 = vector.load %arg7[%get3A_411, %get3A_412] : memref<8x64xf32, #tpu.memory_space<vmem>>, vector<1x64xf32>
    %dot_general3A_414 = arith.constant dense<0.000000e+00> : vector<1x64xf32>
    %dot_general3A_415 = tpu.matmul %get3A_413, %get3A_405, %dot_general3A_414 {dimension_numbers = #tpu.dot_dimension_numbers<[1], [1], [0], [0], [0, 0, 1, 0], [], []>, precision = #tpu.contract_precision<fp32>, transpose_lhs_hint = false} : vector<1x64xf32>, vector<64x64xf32>, vector<1x64xf32> -> vector<1x64xf32>
    %add3A_416 = arith.addf %dot_general3A_410, %dot_general3A_415 : vector<1x64xf32>
    %get3A_417 = arith.constant 4 : index
    %get3A_418 = arith.constant 0 : index
    %get3A_419 = vector.load %arg8[%get3A_417, %get3A_418] : memref<8x64xf32, #tpu.memory_space<vmem>>, vector<1x64xf32>
    %add3A_420 = arith.addf %add3A_416, %get3A_419 : vector<1x64xf32>
    %swap3A_421 = arith.constant 4 : index
    %swap3A_422 = arith.constant 0 : index
    %swap3A_423 = vector.load %arg13[%swap3A_421, %swap3A_422] : memref<8x64xf32, #tpu.memory_space<vmem>>, vector<1x64xf32>
    tpu.vector_store %arg13[%swap3A_421, %swap3A_422], %add3A_420 {strides = array<i32>} : memref<8x64xf32, #tpu.memory_space<vmem>>, vector<1x64xf32>,
    %get3A_424 = arith.constant 3 : index
    %get3A_425 = arith.constant 0 : index
    %get3A_426 = arith.constant 0 : index
    %get3A_427 = vector.load %arg5[%get3A_424, %get3A_425, %get3A_426] : memref<6x64x128xf32, #tpu.memory_space<vmem>>, vector<1x64x64xf32>
    %get3A_428 = vector.shape_cast %get3A_427 : vector<1x64x64xf32> to vector<64x64xf32>
    %get3A_429 = arith.constant 3 : index
    %get3A_430 = arith.constant 0 : index
    %get3A_431 = arith.constant 64 : index
    %get3A_432 = vector.load %arg5[%get3A_429, %get3A_430, %get3A_431] : memref<6x64x128xf32, #tpu.memory_space<vmem>>, vector<1x64x64xf32>
    %get3A_433 = vector.shape_cast %get3A_432 : vector<1x64x64xf32> to vector<64x64xf32>
    %get3A_434 = arith.constant 5 : index
    %get3A_435 = arith.constant 0 : index
    %get3A_436 = vector.load %arg6[%get3A_434, %get3A_435] : memref<8x64xf32, #tpu.memory_space<vmem>>, vector<1x64xf32>
    %dot_general3A_437 = arith.constant dense<0.000000e+00> : vector<1x64xf32>
    %dot_general3A_438 = tpu.matmul %get3A_436, %get3A_428, %dot_general3A_437 {dimension_numbers = #tpu.dot_dimension_numbers<[1], [1], [0], [0], [0, 0, 1, 0], [], []>, precision = #tpu.contract_precision<fp32>, transpose_lhs_hint = false} : vector<1x64xf32>, vector<64x64xf32>, vector<1x64xf32> -> vector<1x64xf32>
    %get3A_439 = arith.constant 5 : index
    %get3A_440 = arith.constant 0 : index
    %get3A_441 = vector.load %arg7[%get3A_439, %get3A_440] : memref<8x64xf32, #tpu.memory_space<vmem>>, vector<1x64xf32>
    %dot_general3A_442 = arith.constant dense<0.000000e+00> : vector<1x64xf32>
    %dot_general3A_443 = tpu.matmul %get3A_441, %get3A_433, %dot_general3A_442 {dimension_numbers = #tpu.dot_dimension_numbers<[1], [1], [0], [0], [0, 0, 1, 0], [], []>, precision = #tpu.contract_precision<fp32>, transpose_lhs_hint = false} : vector<1x64xf32>, vector<64x64xf32>, vector<1x64xf32> -> vector<1x64xf32>
    %add3A_444 = arith.addf %dot_general3A_438, %dot_general3A_443 : vector<1x64xf32>
    %get3A_445 = arith.constant 5 : index
    %get3A_446 = arith.constant 0 : index
    %get3A_447 = vector.load %arg8[%get3A_445, %get3A_446] : memref<8x64xf32, #tpu.memory_space<vmem>>, vector<1x64xf32>
    %add3A_448 = arith.addf %add3A_444, %get3A_447 : vector<1x64xf32>
    %swap3A_449 = arith.constant 5 : index
    %swap3A_450 = arith.constant 0 : index
    %swap3A_451 = vector.load %arg13[%swap3A_449, %swap3A_450] : memref<8x64xf32, #tpu.memory_space<vmem>>, vector<1x64xf32>
    tpu.vector_store %arg13[%swap3A_449, %swap3A_450], %add3A_448 {strides = array<i32>} : memref<8x64xf32, #tpu.memory_space<vmem>>, vector<1x64xf32>,
    %get3A_452 = arith.constant 4 : index
    %get3A_453 = arith.constant 0 : index
    %get3A_454 = arith.constant 0 : index
    %get3A_455 = vector.load %arg5[%get3A_452, %get3A_453, %get3A_454] : memref<6x64x128xf32, #tpu.memory_space<vmem>>, vector<1x64x64xf32>
    %get3A_456 = vector.shape_cast %get3A_455 : vector<1x64x64xf32> to vector<64x64xf32>
    %get3A_457 = arith.constant 4 : index
    %get3A_458 = arith.constant 0 : index
    %get3A_459 = arith.constant 64 : index
    %get3A_460 = vector.load %arg5[%get3A_457, %get3A_458, %get3A_459] : memref<6x64x128xf32, #tpu.memory_space<vmem>>, vector<1x64x64xf32>
    %get3A_461 = vector.shape_cast %get3A_460 : vector<1x64x64xf32> to vector<64x64xf32>
    %get3A_462 = arith.constant 6 : index
    %get3A_463 = arith.constant 0 : index
    %get3A_464 = vector.load %arg6[%get3A_462, %get3A_463] : memref<8x64xf32, #tpu.memory_space<vmem>>, vector<1x64xf32>
    %dot_general3A_465 = arith.constant dense<0.000000e+00> : vector<1x64xf32>
    %dot_general3A_466 = tpu.matmul %get3A_464, %get3A_456, %dot_general3A_465 {dimension_numbers = #tpu.dot_dimension_numbers<[1], [1], [0], [0], [0, 0, 1, 0], [], []>, precision = #tpu.contract_precision<fp32>, transpose_lhs_hint = false} : vector<1x64xf32>, vector<64x64xf32>, vector<1x64xf32> -> vector<1x64xf32>
    %get3A_467 = arith.constant 6 : index
    %get3A_468 = arith.constant 0 : index
    %get3A_469 = vector.load %arg7[%get3A_467, %get3A_468] : memref<8x64xf32, #tpu.memory_space<vmem>>, vector<1x64xf32>
    %dot_general3A_470 = arith.constant dense<0.000000e+00> : vector<1x64xf32>
    %dot_general3A_471 = tpu.matmul %get3A_469, %get3A_461, %dot_general3A_470 {dimension_numbers = #tpu.dot_dimension_numbers<[1], [1], [0], [0], [0, 0, 1, 0], [], []>, precision = #tpu.contract_precision<fp32>, transpose_lhs_hint = false} : vector<1x64xf32>, vector<64x64xf32>, vector<1x64xf32> -> vector<1x64xf32>
    %add3A_472 = arith.addf %dot_general3A_466, %dot_general3A_471 : vector<1x64xf32>
    %get3A_473 = arith.constant 6 : index
    %get3A_474 = arith.constant 0 : index
    %get3A_475 = vector.load %arg8[%get3A_473, %get3A_474] : memref<8x64xf32, #tpu.memory_space<vmem>>, vector<1x64xf32>
    %add3A_476 = arith.addf %add3A_472, %get3A_475 : vector<1x64xf32>
    %swap3A_477 = arith.constant 6 : index
    %swap3A_478 = arith.constant 0 : index
    %swap3A_479 = vector.load %arg13[%swap3A_477, %swap3A_478] : memref<8x64xf32, #tpu.memory_space<vmem>>, vector<1x64xf32>
    tpu.vector_store %arg13[%swap3A_477, %swap3A_478], %add3A_476 {strides = array<i32>} : memref<8x64xf32, #tpu.memory_space<vmem>>, vector<1x64xf32>,
    %get3A_480 = arith.constant 5 : index
    %get3A_481 = arith.constant 0 : index
    %get3A_482 = arith.constant 0 : index
    %get3A_483 = vector.load %arg5[%get3A_480, %get3A_481, %get3A_482] : memref<6x64x128xf32, #tpu.memory_space<vmem>>, vector<1x64x64xf32>
    %get3A_484 = vector.shape_cast %get3A_483 : vector<1x64x64xf32> to vector<64x64xf32>
    %get3A_485 = arith.constant 5 : index
    %get3A_486 = arith.constant 0 : index
    %get3A_487 = arith.constant 64 : index
    %get3A_488 = vector.load %arg5[%get3A_485, %get3A_486, %get3A_487] : memref<6x64x128xf32, #tpu.memory_space<vmem>>, vector<1x64x64xf32>
    %get3A_489 = vector.shape_cast %get3A_488 : vector<1x64x64xf32> to vector<64x64xf32>
    %get3A_490 = arith.constant 7 : index
    %get3A_491 = arith.constant 0 : index
    %get3A_492 = vector.load %arg6[%get3A_490, %get3A_491] : memref<8x64xf32, #tpu.memory_space<vmem>>, vector<1x64xf32>
    %dot_general3A_493 = arith.constant dense<0.000000e+00> : vector<1x64xf32>
    %dot_general3A_494 = tpu.matmul %get3A_492, %get3A_484, %dot_general3A_493 {dimension_numbers = #tpu.dot_dimension_numbers<[1], [1], [0], [0], [0, 0, 1, 0], [], []>, precision = #tpu.contract_precision<fp32>, transpose_lhs_hint = false} : vector<1x64xf32>, vector<64x64xf32>, vector<1x64xf32> -> vector<1x64xf32>
    %get3A_495 = arith.constant 7 : index
    %get3A_496 = arith.constant 0 : index
    %get3A_497 = vector.load %arg7[%get3A_495, %get3A_496] : memref<8x64xf32, #tpu.memory_space<vmem>>, vector<1x64xf32>
    %dot_general3A_498 = arith.constant dense<0.000000e+00> : vector<1x64xf32>
    %dot_general3A_499 = tpu.matmul %get3A_497, %get3A_489, %dot_general3A_498 {dimension_numbers = #tpu.dot_dimension_numbers<[1], [1], [0], [0], [0, 0, 1, 0], [], []>, precision = #tpu.contract_precision<fp32>, transpose_lhs_hint = false} : vector<1x64xf32>, vector<64x64xf32>, vector<1x64xf32> -> vector<1x64xf32>
    %add3A_500 = arith.addf %dot_general3A_494, %dot_general3A_499 : vector<1x64xf32>
    %get3A_501 = arith.constant 7 : index
    %get3A_502 = arith.constant 0 : index
    %get3A_503 = vector.load %arg8[%get3A_501, %get3A_502] : memref<8x64xf32, #tpu.memory_space<vmem>>, vector<1x64xf32>
    %add3A_504 = arith.addf %add3A_500, %get3A_503 : vector<1x64xf32>
    %swap3A_505 = arith.constant 7 : index
    %swap3A_506 = arith.constant 0 : index
    %swap3A_507 = vector.load %arg13[%swap3A_505, %swap3A_506] : memref<8x64xf32, #tpu.memory_space<vmem>>, vector<1x64xf32>
    tpu.vector_store %arg13[%swap3A_505, %swap3A_506], %add3A_504 {strides = array<i32>} : memref<8x64xf32, #tpu.memory_space<vmem>>, vector<1x64xf32>,
    return
  }
}

module attributes {stable_mosaic.version = 14 : i64} {
  func.func @_emb_body(%arg0: i32, %arg1: memref<2x1000x64xf32, #tpu.memory_space<vmem>>, %arg2: memref<2x1000x64xf32, #tpu.memory_space<vmem>>, %arg3: memref<2x1000x16xf32, #tpu.memory_space<vmem>>, %arg4: memref<64x64xf32, #tpu.memory_space<vmem>>, %arg5: memref<1x64xf32, #tpu.memory_space<vmem>>, %arg6: memref<1x64xf32, #tpu.memory_space<vmem>>, %arg7: memref<2x64xf32, #tpu.memory_space<vmem>>, %arg8: memref<2x1000x64xf32, #tpu.memory_space<vmem>>, %arg9: memref<2x64xf32, #tpu.memory_space<vmem>>, %arg10: memref<2x64xf32, #tpu.memory_space<vmem>>, %arg11: memref<3x64xf32, #tpu.memory_space<vmem>>) attributes {dimension_semantics = [#tpu.dimension_semantics<arbitrary>], iteration_bounds = array<i64: 10>, scalar_prefetch = 0 : i64, scratch_operands = 0 : i64, tpu.core_type = #tpu.core_type<tc>, window_params = [{transform_indices = @transform_0, window_bounds = array<i64: 2, 1000, 64>}, {transform_indices = @transform_1, window_bounds = array<i64: 2, 1000, 64>}, {transform_indices = @transform_2, window_bounds = array<i64: 2, 1000, 16>}, {pipeline_mode = #tpu.pipeline_mode<synchronous>, transform_indices = @transform_3, window_bounds = array<i64: 64, 64>}, {pipeline_mode = #tpu.pipeline_mode<synchronous>, transform_indices = @transform_4, window_bounds = array<i64: 1, 64>}, {pipeline_mode = #tpu.pipeline_mode<synchronous>, transform_indices = @transform_5, window_bounds = array<i64: 1, 64>}, {pipeline_mode = #tpu.pipeline_mode<synchronous>, transform_indices = @transform_6, window_bounds = array<i64: 2, 64>}, {transform_indices = @transform_7, window_bounds = array<i64: 2, 1000, 64>}, {pipeline_mode = #tpu.pipeline_mode<synchronous>, transform_indices = @transform_8, window_bounds = array<i64: 2, 64>}, {pipeline_mode = #tpu.pipeline_mode<synchronous>, transform_indices = @transform_9, window_bounds = array<i64: 2, 64>}, {pipeline_mode = #tpu.pipeline_mode<synchronous>, transform_indices = @transform_10, window_bounds = array<i64: 3, 64>}]} {
    %eq3A = arith.constant 0 : i32
    %eq3A_0 = arith.cmpi eq, %arg0, %eq3A : i32
    %convert_element_type3A = arith.extui %eq3A_0 : i1 to i32
    %cond3A = arith.constant 0 : i32
    %cond3A_1 = arith.cmpi ne, %convert_element_type3A, %cond3A : i32
    scf.if %cond3A_1 {
      %broadcast_in_dim3A_167 = arith.constant 0.000000e+00 : f32
      %broadcast_in_dim3A_168 = vector.broadcast %broadcast_in_dim3A_167 : f32 to vector<2x64xf32>
      %swap3A_169 = arith.constant 0 : index
      %swap3A_170 = arith.constant 0 : index
      %swap3A_171 = vector.load %arg9[%swap3A_169, %swap3A_170] : memref<2x64xf32, #tpu.memory_space<vmem>>, vector<2x64xf32>
      tpu.vector_store %arg9[%swap3A_169, %swap3A_170], %broadcast_in_dim3A_168 {strides = array<i32>} : memref<2x64xf32, #tpu.memory_space<vmem>>, vector<2x64xf32>,
      %broadcast_in_dim3A_172 = arith.constant 0.000000e+00 : f32
      %broadcast_in_dim3A_173 = vector.broadcast %broadcast_in_dim3A_172 : f32 to vector<2x64xf32>
      %swap3A_174 = arith.constant 0 : index
      %swap3A_175 = arith.constant 0 : index
      %swap3A_176 = vector.load %arg10[%swap3A_174, %swap3A_175] : memref<2x64xf32, #tpu.memory_space<vmem>>, vector<2x64xf32>
      tpu.vector_store %arg10[%swap3A_174, %swap3A_175], %broadcast_in_dim3A_173 {strides = array<i32>} : memref<2x64xf32, #tpu.memory_space<vmem>>, vector<2x64xf32>,
      %broadcast_in_dim3A_177 = arith.constant 0.000000e+00 : f32
      %broadcast_in_dim3A_178 = vector.broadcast %broadcast_in_dim3A_177 : f32 to vector<3x64xf32>
      %swap3A_179 = arith.constant 0 : index
      %swap3A_180 = arith.constant 0 : index
      %swap3A_181 = vector.load %arg11[%swap3A_179, %swap3A_180] : memref<3x64xf32, #tpu.memory_space<vmem>>, vector<3x64xf32>
      tpu.vector_store %arg11[%swap3A_179, %swap3A_180], %broadcast_in_dim3A_178 {strides = array<i32>} : memref<3x64xf32, #tpu.memory_space<vmem>>, vector<3x64xf32>,
    } else {
    }
    %get3A = arith.constant 0 : index
    %get3A_2 = arith.constant 0 : index
    %get3A_3 = arith.constant 0 : index
    %get3A_4 = vector.load %arg3[%get3A, %get3A_2, %get3A_3] : memref<2x1000x16xf32, #tpu.memory_space<vmem>>, vector<1x1000x1xf32>
    %get3A_5 = vector.shape_cast %get3A_4 : vector<1x1000x1xf32> to vector<1000x1xf32>
    %max3A = arith.constant 1.000000e+00 : f32
    %max3A_6 = vector.broadcast %max3A : f32 to vector<1000x1xf32>
    %max3A_7 = arith.maximumf %get3A_5, %max3A_6 : vector<1000x1xf32>
    %div3A = arith.constant 1.000000e+00 : f32
    %div3A_8 = vector.broadcast %div3A : f32 to vector<1000x1xf32>
    %div3A_9 = arith.divf %div3A_8, %max3A_7 : vector<1000x1xf32>
    %get3A_10 = arith.constant 0 : index
    %get3A_11 = arith.constant 0 : index
    %get3A_12 = arith.constant 0 : index
    %get3A_13 = vector.load %arg1[%get3A_10, %get3A_11, %get3A_12] : memref<2x1000x64xf32, #tpu.memory_space<vmem>>, vector<1x1000x64xf32>
    %get3A_14 = vector.shape_cast %get3A_13 : vector<1x1000x64xf32> to vector<1000x64xf32>
    %get3A_15 = arith.constant 0 : index
    %get3A_16 = arith.constant 0 : index
    %get3A_17 = arith.constant 0 : index
    %get3A_18 = vector.load %arg2[%get3A_15, %get3A_16, %get3A_17] : memref<2x1000x64xf32, #tpu.memory_space<vmem>>, vector<1x1000x64xf32>
    %get3A_19 = vector.shape_cast %get3A_18 : vector<1x1000x64xf32> to vector<1000x64xf32>
    %mul3A = vector.broadcast %div3A_9 : vector<1000x1xf32> to vector<1000x64xf32>
    %mul3A_20 = arith.mulf %get3A_19, %mul3A : vector<1000x64xf32>
    %add3A = arith.addf %get3A_14, %mul3A_20 : vector<1000x64xf32>
    %get3A_21 = arith.constant 0 : index
    %get3A_22 = arith.constant 0 : index
    %get3A_23 = vector.load %arg7[%get3A_21, %get3A_22] : memref<2x64xf32, #tpu.memory_space<vmem>>, vector<1x64xf32>
    %add3A_24 = vector.broadcast %get3A_23 : vector<1x64xf32> to vector<1000x64xf32>
    %add3A_25 = arith.addf %add3A, %add3A_24 : vector<1000x64xf32>
    %swap3A = arith.constant 0 : index
    %swap3A_26 = arith.constant 0 : index
    %swap3A_27 = arith.constant 0 : index
    %swap3A_28 = vector.load %arg8[%swap3A, %swap3A_26, %swap3A_27] : memref<2x1000x64xf32, #tpu.memory_space<vmem>>, vector<1x1000x64xf32>
    %swap3A_29 = vector.shape_cast %swap3A_28 : vector<1x1000x64xf32> to vector<1000x64xf32>
    %swap3A_30 = vector.shape_cast %add3A_25 : vector<1000x64xf32> to vector<1x1000x64xf32>
    tpu.vector_store %arg8[%swap3A, %swap3A_26, %swap3A_27], %swap3A_30 {strides = array<i32>} : memref<2x1000x64xf32, #tpu.memory_space<vmem>>, vector<1x1000x64xf32>,
    %get3A_31 = arith.constant 0 : index
    %get3A_32 = arith.constant 0 : index
    %get3A_33 = vector.load %arg4[%get3A_31, %get3A_32] : memref<64x64xf32, #tpu.memory_space<vmem>>, vector<64x64xf32>
    %dot_general3A = arith.constant dense<0.000000e+00> : vector<1000x64xf32>
    %dot_general3A_34 = tpu.matmul %add3A_25, %get3A_33, %dot_general3A {dimension_numbers = #tpu.dot_dimension_numbers<[1], [1], [0], [0], [0, 0, 1, 0], [], []>, precision = #tpu.contract_precision<fp32>, transpose_lhs_hint = false} : vector<1000x64xf32>, vector<64x64xf32>, vector<1000x64xf32> -> vector<1000x64xf32>
    %get3A_35 = arith.constant 0 : index
    %get3A_36 = arith.constant 0 : index
    %get3A_37 = vector.load %arg5[%get3A_35, %get3A_36] : memref<1x64xf32, #tpu.memory_space<vmem>>, vector<1x64xf32>
    %add3A_38 = vector.broadcast %get3A_37 : vector<1x64xf32> to vector<1000x64xf32>
    %add3A_39 = arith.addf %dot_general3A_34, %add3A_38 : vector<1000x64xf32>
    %tanh3A = math.tanh %add3A_39 : vector<1000x64xf32>
    %get3A_40 = arith.constant 0 : index
    %get3A_41 = arith.constant 0 : index
    %get3A_42 = vector.load %arg9[%get3A_40, %get3A_41] : memref<2x64xf32, #tpu.memory_space<vmem>>, vector<1x64xf32>
    %get3A_43 = arith.constant 0 : index
    %get3A_44 = arith.constant 0 : index
    %get3A_45 = vector.load %arg6[%get3A_43, %get3A_44] : memref<1x64xf32, #tpu.memory_space<vmem>>, vector<1x64xf32>
    %mul3A_46 = vector.broadcast %get3A_45 : vector<1x64xf32> to vector<1000x64xf32>
    %mul3A_47 = arith.mulf %tanh3A, %mul3A_46 : vector<1000x64xf32>
    %reduce_sum3A = arith.constant dense<0.000000e+00> : vector<64xf32>
    %reduce_sum3A_48 = vector.multi_reduction <add>, %mul3A_47, %reduce_sum3A [0] : vector<1000x64xf32> to vector<64xf32>
    %broadcast_in_dim3A = vector.shape_cast %reduce_sum3A_48 : vector<64xf32> to vector<1x64xf32>
    %add3A_49 = arith.addf %get3A_42, %broadcast_in_dim3A : vector<1x64xf32>
    %swap3A_50 = arith.constant 0 : index
    %swap3A_51 = arith.constant 0 : index
    %swap3A_52 = vector.load %arg9[%swap3A_50, %swap3A_51] : memref<2x64xf32, #tpu.memory_space<vmem>>, vector<1x64xf32>
    tpu.vector_store %arg9[%swap3A_50, %swap3A_51], %add3A_49 {strides = array<i32>} : memref<2x64xf32, #tpu.memory_space<vmem>>, vector<1x64xf32>,
    %get3A_53 = arith.constant 0 : index
    %get3A_54 = arith.constant 0 : index
    %get3A_55 = vector.load %arg10[%get3A_53, %get3A_54] : memref<2x64xf32, #tpu.memory_space<vmem>>, vector<1x64xf32>
    %reduce_sum3A_56 = arith.constant dense<0.000000e+00> : vector<64xf32>
    %reduce_sum3A_57 = vector.multi_reduction <add>, %add3A_25, %reduce_sum3A_56 [0] : vector<1000x64xf32> to vector<64xf32>
    %broadcast_in_dim3A_58 = vector.shape_cast %reduce_sum3A_57 : vector<64xf32> to vector<1x64xf32>
    %add3A_59 = arith.addf %get3A_55, %broadcast_in_dim3A_58 : vector<1x64xf32>
    %swap3A_60 = arith.constant 0 : index
    %swap3A_61 = arith.constant 0 : index
    %swap3A_62 = vector.load %arg10[%swap3A_60, %swap3A_61] : memref<2x64xf32, #tpu.memory_space<vmem>>, vector<1x64xf32>
    tpu.vector_store %arg10[%swap3A_60, %swap3A_61], %add3A_59 {strides = array<i32>} : memref<2x64xf32, #tpu.memory_space<vmem>>, vector<1x64xf32>,
    %get3A_63 = arith.constant 1 : index
    %get3A_64 = arith.constant 0 : index
    %get3A_65 = arith.constant 0 : index
    %get3A_66 = vector.load %arg3[%get3A_63, %get3A_64, %get3A_65] : memref<2x1000x16xf32, #tpu.memory_space<vmem>>, vector<1x1000x1xf32>
    %get3A_67 = vector.shape_cast %get3A_66 : vector<1x1000x1xf32> to vector<1000x1xf32>
    %max3A_68 = arith.constant 1.000000e+00 : f32
    %max3A_69 = vector.broadcast %max3A_68 : f32 to vector<1000x1xf32>
    %max3A_70 = arith.maximumf %get3A_67, %max3A_69 : vector<1000x1xf32>
    %div3A_71 = arith.constant 1.000000e+00 : f32
    %div3A_72 = vector.broadcast %div3A_71 : f32 to vector<1000x1xf32>
    %div3A_73 = arith.divf %div3A_72, %max3A_70 : vector<1000x1xf32>
    %get3A_74 = arith.constant 1 : index
    %get3A_75 = arith.constant 0 : index
    %get3A_76 = arith.constant 0 : index
    %get3A_77 = vector.load %arg1[%get3A_74, %get3A_75, %get3A_76] : memref<2x1000x64xf32, #tpu.memory_space<vmem>>, vector<1x1000x64xf32>
    %get3A_78 = vector.shape_cast %get3A_77 : vector<1x1000x64xf32> to vector<1000x64xf32>
    %get3A_79 = arith.constant 1 : index
    %get3A_80 = arith.constant 0 : index
    %get3A_81 = arith.constant 0 : index
    %get3A_82 = vector.load %arg2[%get3A_79, %get3A_80, %get3A_81] : memref<2x1000x64xf32, #tpu.memory_space<vmem>>, vector<1x1000x64xf32>
    %get3A_83 = vector.shape_cast %get3A_82 : vector<1x1000x64xf32> to vector<1000x64xf32>
    %mul3A_84 = vector.broadcast %div3A_73 : vector<1000x1xf32> to vector<1000x64xf32>
    %mul3A_85 = arith.mulf %get3A_83, %mul3A_84 : vector<1000x64xf32>
    %add3A_86 = arith.addf %get3A_78, %mul3A_85 : vector<1000x64xf32>
    %get3A_87 = arith.constant 1 : index
    %get3A_88 = arith.constant 0 : index
    %get3A_89 = vector.load %arg7[%get3A_87, %get3A_88] : memref<2x64xf32, #tpu.memory_space<vmem>>, vector<1x64xf32>
    %add3A_90 = vector.broadcast %get3A_89 : vector<1x64xf32> to vector<1000x64xf32>
    %add3A_91 = arith.addf %add3A_86, %add3A_90 : vector<1000x64xf32>
    %swap3A_92 = arith.constant 1 : index
    %swap3A_93 = arith.constant 0 : index
    %swap3A_94 = arith.constant 0 : index
    %swap3A_95 = vector.load %arg8[%swap3A_92, %swap3A_93, %swap3A_94] : memref<2x1000x64xf32, #tpu.memory_space<vmem>>, vector<1x1000x64xf32>
    %swap3A_96 = vector.shape_cast %swap3A_95 : vector<1x1000x64xf32> to vector<1000x64xf32>
    %swap3A_97 = vector.shape_cast %add3A_91 : vector<1000x64xf32> to vector<1x1000x64xf32>
    tpu.vector_store %arg8[%swap3A_92, %swap3A_93, %swap3A_94], %swap3A_97 {strides = array<i32>} : memref<2x1000x64xf32, #tpu.memory_space<vmem>>, vector<1x1000x64xf32>,
    %get3A_98 = arith.constant 0 : index
    %get3A_99 = arith.constant 0 : index
    %get3A_100 = vector.load %arg4[%get3A_98, %get3A_99] : memref<64x64xf32, #tpu.memory_space<vmem>>, vector<64x64xf32>
    %dot_general3A_101 = arith.constant dense<0.000000e+00> : vector<1000x64xf32>
    %dot_general3A_102 = tpu.matmul %add3A_91, %get3A_100, %dot_general3A_101 {dimension_numbers = #tpu.dot_dimension_numbers<[1], [1], [0], [0], [0, 0, 1, 0], [], []>, precision = #tpu.contract_precision<fp32>, transpose_lhs_hint = false} : vector<1000x64xf32>, vector<64x64xf32>, vector<1000x64xf32> -> vector<1000x64xf32>
    %get3A_103 = arith.constant 0 : index
    %get3A_104 = arith.constant 0 : index
    %get3A_105 = vector.load %arg5[%get3A_103, %get3A_104] : memref<1x64xf32, #tpu.memory_space<vmem>>, vector<1x64xf32>
    %add3A_106 = vector.broadcast %get3A_105 : vector<1x64xf32> to vector<1000x64xf32>
    %add3A_107 = arith.addf %dot_general3A_102, %add3A_106 : vector<1000x64xf32>
    %tanh3A_108 = math.tanh %add3A_107 : vector<1000x64xf32>
    %get3A_109 = arith.constant 1 : index
    %get3A_110 = arith.constant 0 : index
    %get3A_111 = vector.load %arg9[%get3A_109, %get3A_110] : memref<2x64xf32, #tpu.memory_space<vmem>>, vector<1x64xf32>
    %get3A_112 = arith.constant 0 : index
    %get3A_113 = arith.constant 0 : index
    %get3A_114 = vector.load %arg6[%get3A_112, %get3A_113] : memref<1x64xf32, #tpu.memory_space<vmem>>, vector<1x64xf32>
    %mul3A_115 = vector.broadcast %get3A_114 : vector<1x64xf32> to vector<1000x64xf32>
    %mul3A_116 = arith.mulf %tanh3A_108, %mul3A_115 : vector<1000x64xf32>
    %reduce_sum3A_117 = arith.constant dense<0.000000e+00> : vector<64xf32>
    %reduce_sum3A_118 = vector.multi_reduction <add>, %mul3A_116, %reduce_sum3A_117 [0] : vector<1000x64xf32> to vector<64xf32>
    %broadcast_in_dim3A_119 = vector.shape_cast %reduce_sum3A_118 : vector<64xf32> to vector<1x64xf32>
    %add3A_120 = arith.addf %get3A_111, %broadcast_in_dim3A_119 : vector<1x64xf32>
    %swap3A_121 = arith.constant 1 : index
    %swap3A_122 = arith.constant 0 : index
    %swap3A_123 = vector.load %arg9[%swap3A_121, %swap3A_122] : memref<2x64xf32, #tpu.memory_space<vmem>>, vector<1x64xf32>
    tpu.vector_store %arg9[%swap3A_121, %swap3A_122], %add3A_120 {strides = array<i32>} : memref<2x64xf32, #tpu.memory_space<vmem>>, vector<1x64xf32>,
    %get3A_124 = arith.constant 1 : index
    %get3A_125 = arith.constant 0 : index
    %get3A_126 = vector.load %arg10[%get3A_124, %get3A_125] : memref<2x64xf32, #tpu.memory_space<vmem>>, vector<1x64xf32>
    %reduce_sum3A_127 = arith.constant dense<0.000000e+00> : vector<64xf32>
    %reduce_sum3A_128 = vector.multi_reduction <add>, %add3A_91, %reduce_sum3A_127 [0] : vector<1000x64xf32> to vector<64xf32>
    %broadcast_in_dim3A_129 = vector.shape_cast %reduce_sum3A_128 : vector<64xf32> to vector<1x64xf32>
    %add3A_130 = arith.addf %get3A_126, %broadcast_in_dim3A_129 : vector<1x64xf32>
    %swap3A_131 = arith.constant 1 : index
    %swap3A_132 = arith.constant 0 : index
    %swap3A_133 = vector.load %arg10[%swap3A_131, %swap3A_132] : memref<2x64xf32, #tpu.memory_space<vmem>>, vector<1x64xf32>
    tpu.vector_store %arg10[%swap3A_131, %swap3A_132], %add3A_130 {strides = array<i32>} : memref<2x64xf32, #tpu.memory_space<vmem>>, vector<1x64xf32>,
    %get3A_134 = arith.constant 0 : index
    %get3A_135 = arith.constant 0 : index
    %get3A_136 = vector.load %arg11[%get3A_134, %get3A_135] : memref<3x64xf32, #tpu.memory_space<vmem>>, vector<1x64xf32>
    %mul3A_137 = arith.mulf %add3A_25, %add3A_25 : vector<1000x64xf32>
    %reduce_sum3A_138 = arith.constant dense<0.000000e+00> : vector<64xf32>
    %reduce_sum3A_139 = vector.multi_reduction <add>, %mul3A_137, %reduce_sum3A_138 [0] : vector<1000x64xf32> to vector<64xf32>
    %broadcast_in_dim3A_140 = vector.shape_cast %reduce_sum3A_139 : vector<64xf32> to vector<1x64xf32>
    %add3A_141 = arith.addf %get3A_136, %broadcast_in_dim3A_140 : vector<1x64xf32>
    %swap3A_142 = arith.constant 0 : index
    %swap3A_143 = arith.constant 0 : index
    %swap3A_144 = vector.load %arg11[%swap3A_142, %swap3A_143] : memref<3x64xf32, #tpu.memory_space<vmem>>, vector<1x64xf32>
    tpu.vector_store %arg11[%swap3A_142, %swap3A_143], %add3A_141 {strides = array<i32>} : memref<3x64xf32, #tpu.memory_space<vmem>>, vector<1x64xf32>,
    %get3A_145 = arith.constant 1 : index
    %get3A_146 = arith.constant 0 : index
    %get3A_147 = vector.load %arg11[%get3A_145, %get3A_146] : memref<3x64xf32, #tpu.memory_space<vmem>>, vector<1x64xf32>
    %mul3A_148 = arith.mulf %add3A_25, %add3A_91 : vector<1000x64xf32>
    %reduce_sum3A_149 = arith.constant dense<0.000000e+00> : vector<64xf32>
    %reduce_sum3A_150 = vector.multi_reduction <add>, %mul3A_148, %reduce_sum3A_149 [0] : vector<1000x64xf32> to vector<64xf32>
    %broadcast_in_dim3A_151 = vector.shape_cast %reduce_sum3A_150 : vector<64xf32> to vector<1x64xf32>
    %add3A_152 = arith.addf %get3A_147, %broadcast_in_dim3A_151 : vector<1x64xf32>
    %swap3A_153 = arith.constant 1 : index
    %swap3A_154 = arith.constant 0 : index
    %swap3A_155 = vector.load %arg11[%swap3A_153, %swap3A_154] : memref<3x64xf32, #tpu.memory_space<vmem>>, vector<1x64xf32>
    tpu.vector_store %arg11[%swap3A_153, %swap3A_154], %add3A_152 {strides = array<i32>} : memref<3x64xf32, #tpu.memory_space<vmem>>, vector<1x64xf32>,
    %get3A_156 = arith.constant 2 : index
    %get3A_157 = arith.constant 0 : index
    %get3A_158 = vector.load %arg11[%get3A_156, %get3A_157] : memref<3x64xf32, #tpu.memory_space<vmem>>, vector<1x64xf32>
    %mul3A_159 = arith.mulf %add3A_91, %add3A_91 : vector<1000x64xf32>
    %reduce_sum3A_160 = arith.constant dense<0.000000e+00> : vector<64xf32>
    %reduce_sum3A_161 = vector.multi_reduction <add>, %mul3A_159, %reduce_sum3A_160 [0] : vector<1000x64xf32> to vector<64xf32>
    %broadcast_in_dim3A_162 = vector.shape_cast %reduce_sum3A_161 : vector<64xf32> to vector<1x64xf32>
    %add3A_163 = arith.addf %get3A_158, %broadcast_in_dim3A_162 : vector<1x64xf32>
    %swap3A_164 = arith.constant 2 : index
    %swap3A_165 = arith.constant 0 : index
    %swap3A_166 = vector.load %arg11[%swap3A_164, %swap3A_165] : memref<3x64xf32, #tpu.memory_space<vmem>>, vector<1x64xf32>
    tpu.vector_store %arg11[%swap3A_164, %swap3A_165], %add3A_163 {strides = array<i32>} : memref<3x64xf32, #tpu.memory_space<vmem>>, vector<1x64xf32>,
    return
  }
  func.func @transform_0(%arg0: i32) -> (i32, i32, i32) {
    %c0_i32 = arith.constant 0 : i32
    %c0_i32_0 = arith.constant 0 : i32
    %c0_i32_1 = arith.constant 0 : i32
    return %c0_i32, %arg0, %c0_i32_0 : i32, i32, i32
  }
  func.func @transform_1(%arg0: i32) -> (i32, i32, i32) {
    %c0_i32 = arith.constant 0 : i32
    %c0_i32_0 = arith.constant 0 : i32
    %c0_i32_1 = arith.constant 0 : i32
    return %c0_i32, %arg0, %c0_i32_0 : i32, i32, i32
  }
  func.func @transform_2(%arg0: i32) -> (i32, i32, i32) {
    %c0_i32 = arith.constant 0 : i32
    %c0_i32_0 = arith.constant 0 : i32
    %c0_i32_1 = arith.constant 0 : i32
    return %c0_i32, %arg0, %c0_i32_0 : i32, i32, i32
  }
  func.func @transform_3(%arg0: i32) -> (i32, i32) {
    %c0_i32 = arith.constant 0 : i32
    %c0_i32_0 = arith.constant 0 : i32
    %c0_i32_1 = arith.constant 0 : i32
    return %c0_i32, %c0_i32_0 : i32, i32
  }
  func.func @transform_4(%arg0: i32) -> (i32, i32) {
    %c0_i32 = arith.constant 0 : i32
    %c0_i32_0 = arith.constant 0 : i32
    %c0_i32_1 = arith.constant 0 : i32
    return %c0_i32, %c0_i32_0 : i32, i32
  }
  func.func @transform_5(%arg0: i32) -> (i32, i32) {
    %c0_i32 = arith.constant 0 : i32
    %c0_i32_0 = arith.constant 0 : i32
    %c0_i32_1 = arith.constant 0 : i32
    return %c0_i32, %c0_i32_0 : i32, i32
  }
  func.func @transform_6(%arg0: i32) -> (i32, i32) {
    %c0_i32 = arith.constant 0 : i32
    %c0_i32_0 = arith.constant 0 : i32
    %c0_i32_1 = arith.constant 0 : i32
    return %c0_i32, %c0_i32_0 : i32, i32
  }
  func.func @transform_7(%arg0: i32) -> (i32, i32, i32) {
    %c0_i32 = arith.constant 0 : i32
    %c0_i32_0 = arith.constant 0 : i32
    %c0_i32_1 = arith.constant 0 : i32
    return %c0_i32, %arg0, %c0_i32_0 : i32, i32, i32
  }
  func.func @transform_8(%arg0: i32) -> (i32, i32) {
    %c0_i32 = arith.constant 0 : i32
    %c0_i32_0 = arith.constant 0 : i32
    %c0_i32_1 = arith.constant 0 : i32
    return %c0_i32, %c0_i32_0 : i32, i32
  }
  func.func @transform_9(%arg0: i32) -> (i32, i32) {
    %c0_i32 = arith.constant 0 : i32
    %c0_i32_0 = arith.constant 0 : i32
    %c0_i32_1 = arith.constant 0 : i32
    return %c0_i32, %c0_i32_0 : i32, i32
  }
  func.func @transform_10(%arg0: i32) -> (i32, i32) {
    %c0_i32 = arith.constant 0 : i32
    %c0_i32_0 = arith.constant 0 : i32
    %c0_i32_1 = arith.constant 0 : i32
    return %c0_i32, %c0_i32_0 : i32, i32
  }
}

module attributes {stable_mosaic.version = 14 : i64} {
  func.func @_normproj_body(%arg0: i32, %arg1: memref<2x1000x64xf32, #tpu.memory_space<vmem>>, %arg2: memref<2x64xf32, #tpu.memory_space<vmem>>, %arg3: memref<2x64xf32, #tpu.memory_space<vmem>>, %arg4: memref<3x64xf32, #tpu.memory_space<vmem>>, %arg5: memref<2x64xf32, #tpu.memory_space<vmem>>, %arg6: memref<2x64x64xf32, #tpu.memory_space<vmem>>, %arg7: memref<2x64x64xf32, #tpu.memory_space<vmem>>, %arg8: memref<2x1000x64xf32, #tpu.memory_space<vmem>>, %arg9: memref<2x1000x64xf32, #tpu.memory_space<vmem>>) attributes {dimension_semantics = [#tpu.dimension_semantics<arbitrary>], iteration_bounds = array<i64: 10>, scalar_prefetch = 0 : i64, scratch_operands = 0 : i64, tpu.core_type = #tpu.core_type<tc>, window_params = [{transform_indices = @transform_0, window_bounds = array<i64: 2, 1000, 64>}, {pipeline_mode = #tpu.pipeline_mode<synchronous>, transform_indices = @transform_1, window_bounds = array<i64: 2, 64>}, {pipeline_mode = #tpu.pipeline_mode<synchronous>, transform_indices = @transform_2, window_bounds = array<i64: 2, 64>}, {pipeline_mode = #tpu.pipeline_mode<synchronous>, transform_indices = @transform_3, window_bounds = array<i64: 3, 64>}, {pipeline_mode = #tpu.pipeline_mode<synchronous>, transform_indices = @transform_4, window_bounds = array<i64: 2, 64>}, {pipeline_mode = #tpu.pipeline_mode<synchronous>, transform_indices = @transform_5, window_bounds = array<i64: 2, 64, 64>}, {pipeline_mode = #tpu.pipeline_mode<synchronous>, transform_indices = @transform_6, window_bounds = array<i64: 2, 64, 64>}, {transform_indices = @transform_7, window_bounds = array<i64: 2, 1000, 64>}, {transform_indices = @transform_8, window_bounds = array<i64: 2, 1000, 64>}]} {
    %broadcast_in_dim3A = arith.constant 1.000000e+00 : f32
    %broadcast_in_dim3A_0 = vector.broadcast %broadcast_in_dim3A : f32 to vector<64x64xf32>
    %get3A = arith.constant 0 : index
    %get3A_1 = arith.constant 0 : index
    %get3A_2 = vector.load %arg2[%get3A, %get3A_1] : memref<2x64xf32, #tpu.memory_space<vmem>>, vector<2x64xf32>
    %dot_general3A = arith.constant dense<0.000000e+00> : vector<2x64xf32>
    %dot_general3A_3 = tpu.matmul %get3A_2, %broadcast_in_dim3A_0, %dot_general3A {dimension_numbers = #tpu.dot_dimension_numbers<[1], [0], [0], [1], [0, 0, 1, 1], [], []>, precision = #tpu.contract_precision<fp32>, transpose_lhs_hint = false} : vector<2x64xf32>, vector<64x64xf32>, vector<2x64xf32> -> vector<2x64xf32>
    %mul3A = arith.constant 9.99999974E-5 : f32
    %mul3A_4 = vector.broadcast %mul3A : f32 to vector<2x64xf32>
    %mul3A_5 = arith.mulf %dot_general3A_3, %mul3A_4 : vector<2x64xf32>
    %reduce_max3A = arith.constant dense<0xFF800000> : vector<64xf32>
    %reduce_max3A_6 = vector.multi_reduction <maximumf>, %mul3A_5, %reduce_max3A [0] : vector<2x64xf32> to vector<64xf32>
    %broadcast_in_dim3A_7 = vector.shape_cast %reduce_max3A_6 : vector<64xf32> to vector<1x64xf32>
    %sub3A = vector.broadcast %broadcast_in_dim3A_7 : vector<1x64xf32> to vector<2x64xf32>
    %sub3A_8 = arith.subf %mul3A_5, %sub3A : vector<2x64xf32>
    %exp3A = math.exp %sub3A_8 : vector<2x64xf32>
    %reduce_sum3A = arith.constant dense<0.000000e+00> : vector<64xf32>
    %reduce_sum3A_9 = vector.multi_reduction <add>, %exp3A, %reduce_sum3A [0] : vector<2x64xf32> to vector<64xf32>
    %broadcast_in_dim3A_10 = vector.shape_cast %reduce_sum3A_9 : vector<64xf32> to vector<1x64xf32>
    %div3A = vector.broadcast %broadcast_in_dim3A_10 : vector<1x64xf32> to vector<2x64xf32>
    %div3A_11 = arith.divf %exp3A, %div3A : vector<2x64xf32>
    %slice3A = vector.extract_strided_slice %div3A_11 {offsets = [0, 0], sizes = [1, 64], strides = [1, 1]} : vector<2x64xf32> to vector<1x64xf32>
    %slice3A_12 = vector.extract_strided_slice %div3A_11 {offsets = [1, 0], sizes = [1, 64], strides = [1, 1]} : vector<2x64xf32> to vector<1x64xf32>
    %get3A_13 = arith.constant 0 : index
    %get3A_14 = arith.constant 0 : index
    %get3A_15 = vector.load %arg3[%get3A_13, %get3A_14] : memref<2x64xf32, #tpu.memory_space<vmem>>, vector<1x64xf32>
    %mul3A_16 = arith.mulf %slice3A, %get3A_15 : vector<1x64xf32>
    %get3A_17 = arith.constant 1 : index
    %get3A_18 = arith.constant 0 : index
    %get3A_19 = vector.load %arg3[%get3A_17, %get3A_18] : memref<2x64xf32, #tpu.memory_space<vmem>>, vector<1x64xf32>
    %mul3A_20 = arith.mulf %slice3A_12, %get3A_19 : vector<1x64xf32>
    %add3A = arith.addf %mul3A_16, %mul3A_20 : vector<1x64xf32>
    %mul3A_21 = arith.constant 9.99999974E-5 : f32
    %mul3A_22 = vector.broadcast %mul3A_21 : f32 to vector<1x64xf32>
    %mul3A_23 = arith.mulf %add3A, %mul3A_22 : vector<1x64xf32>
    %mul3A_24 = arith.mulf %slice3A, %slice3A : vector<1x64xf32>
    %get3A_25 = arith.constant 0 : index
    %get3A_26 = arith.constant 0 : index
    %get3A_27 = vector.load %arg4[%get3A_25, %get3A_26] : memref<3x64xf32, #tpu.memory_space<vmem>>, vector<1x64xf32>
    %mul3A_28 = arith.mulf %mul3A_24, %get3A_27 : vector<1x64xf32>
    %mul3A_29 = arith.constant 2.000000e+00 : f32
    %mul3A_30 = vector.broadcast %mul3A_29 : f32 to vector<1x64xf32>
    %mul3A_31 = arith.mulf %mul3A_30, %slice3A : vector<1x64xf32>
    %mul3A_32 = arith.mulf %mul3A_31, %slice3A_12 : vector<1x64xf32>
    %get3A_33 = arith.constant 1 : index
    %get3A_34 = arith.constant 0 : index
    %get3A_35 = vector.load %arg4[%get3A_33, %get3A_34] : memref<3x64xf32, #tpu.memory_space<vmem>>, vector<1x64xf32>
    %mul3A_36 = arith.mulf %mul3A_32, %get3A_35 : vector<1x64xf32>
    %add3A_37 = arith.addf %mul3A_28, %mul3A_36 : vector<1x64xf32>
    %mul3A_38 = arith.mulf %slice3A_12, %slice3A_12 : vector<1x64xf32>
    %get3A_39 = arith.constant 2 : index
    %get3A_40 = arith.constant 0 : index
    %get3A_41 = vector.load %arg4[%get3A_39, %get3A_40] : memref<3x64xf32, #tpu.memory_space<vmem>>, vector<1x64xf32>
    %mul3A_42 = arith.mulf %mul3A_38, %get3A_41 : vector<1x64xf32>
    %add3A_43 = arith.addf %add3A_37, %mul3A_42 : vector<1x64xf32>
    %mul3A_44 = arith.constant 9.99999974E-5 : f32
    %mul3A_45 = vector.broadcast %mul3A_44 : f32 to vector<1x64xf32>
    %mul3A_46 = arith.mulf %add3A_43, %mul3A_45 : vector<1x64xf32>
    %mul3A_47 = arith.mulf %mul3A_23, %mul3A_23 : vector<1x64xf32>
    %sub3A_48 = arith.subf %mul3A_46, %mul3A_47 : vector<1x64xf32>
    %add3A_49 = arith.constant 1.000000e+00 : f32
    %add3A_50 = vector.broadcast %add3A_49 : f32 to vector<1x64xf32>
    %add3A_51 = arith.addf %sub3A_48, %add3A_50 : vector<1x64xf32>
    %rsqrt3A = math.rsqrt %add3A_51 : vector<1x64xf32>
    %get3A_52 = arith.constant 0 : index
    %get3A_53 = arith.constant 0 : index
    %get3A_54 = arith.constant 0 : index
    %get3A_55 = vector.load %arg1[%get3A_52, %get3A_53, %get3A_54] : memref<2x1000x64xf32, #tpu.memory_space<vmem>>, vector<1x1000x64xf32>
    %get3A_56 = vector.shape_cast %get3A_55 : vector<1x1000x64xf32> to vector<1000x64xf32>
    %mul3A_57 = vector.broadcast %slice3A : vector<1x64xf32> to vector<1000x64xf32>
    %mul3A_58 = arith.mulf %mul3A_57, %get3A_56 : vector<1000x64xf32>
    %get3A_59 = arith.constant 1 : index
    %get3A_60 = arith.constant 0 : index
    %get3A_61 = arith.constant 0 : index
    %get3A_62 = vector.load %arg1[%get3A_59, %get3A_60, %get3A_61] : memref<2x1000x64xf32, #tpu.memory_space<vmem>>, vector<1x1000x64xf32>
    %get3A_63 = vector.shape_cast %get3A_62 : vector<1x1000x64xf32> to vector<1000x64xf32>
    %mul3A_64 = vector.broadcast %slice3A_12 : vector<1x64xf32> to vector<1000x64xf32>
    %mul3A_65 = arith.mulf %mul3A_64, %get3A_63 : vector<1000x64xf32>
    %add3A_66 = arith.addf %mul3A_58, %mul3A_65 : vector<1000x64xf32>
    %sub3A_67 = vector.broadcast %mul3A_23 : vector<1x64xf32> to vector<1000x64xf32>
    %sub3A_68 = arith.subf %add3A_66, %sub3A_67 : vector<1000x64xf32>
    %mul3A_69 = vector.broadcast %rsqrt3A : vector<1x64xf32> to vector<1000x64xf32>
    %mul3A_70 = arith.mulf %sub3A_68, %mul3A_69 : vector<1000x64xf32>
    %get3A_71 = arith.constant 0 : index
    %get3A_72 = arith.constant 0 : index
    %get3A_73 = vector.load %arg5[%get3A_71, %get3A_72] : memref<2x64xf32, #tpu.memory_space<vmem>>, vector<1x64xf32>
    %mul3A_74 = vector.broadcast %get3A_73 : vector<1x64xf32> to vector<1000x64xf32>
    %mul3A_75 = arith.mulf %mul3A_70, %mul3A_74 : vector<1000x64xf32>
    %get3A_76 = arith.constant 1 : index
    %get3A_77 = arith.constant 0 : index
    %get3A_78 = vector.load %arg5[%get3A_76, %get3A_77] : memref<2x64xf32, #tpu.memory_space<vmem>>, vector<1x64xf32>
    %add3A_79 = vector.broadcast %get3A_78 : vector<1x64xf32> to vector<1000x64xf32>
    %add3A_80 = arith.addf %mul3A_75, %add3A_79 : vector<1000x64xf32>
    %ge3A = arith.constant 0.000000e+00 : f32
    %ge3A_81 = vector.broadcast %ge3A : f32 to vector<1000x64xf32>
    %ge3A_82 = arith.cmpf oge, %add3A_80, %ge3A_81 : vector<1000x64xf32>
    %mul3A_83 = arith.constant 0.00999999977 : f32
    %mul3A_84 = vector.broadcast %mul3A_83 : f32 to vector<1000x64xf32>
    %mul3A_85 = arith.mulf %mul3A_84, %add3A_80 : vector<1000x64xf32>
    %select_n3A = arith.select %ge3A_82, %add3A_80, %mul3A_85 : vector<1000x64xi1>, vector<1000x64xf32>
    %get3A_86 = arith.constant 0 : index
    %get3A_87 = arith.constant 0 : index
    %get3A_88 = arith.constant 0 : index
    %get3A_89 = vector.load %arg6[%get3A_86, %get3A_87, %get3A_88] : memref<2x64x64xf32, #tpu.memory_space<vmem>>, vector<1x64x64xf32>
    %get3A_90 = vector.shape_cast %get3A_89 : vector<1x64x64xf32> to vector<64x64xf32>
    %dot_general3A_91 = arith.constant dense<0.000000e+00> : vector<1000x64xf32>
    %dot_general3A_92 = tpu.matmul %select_n3A, %get3A_90, %dot_general3A_91 {dimension_numbers = #tpu.dot_dimension_numbers<[1], [1], [0], [0], [0, 0, 1, 0], [], []>, precision = #tpu.contract_precision<fp32>, transpose_lhs_hint = false} : vector<1000x64xf32>, vector<64x64xf32>, vector<1000x64xf32> -> vector<1000x64xf32>
    %swap3A = arith.constant 0 : index
    %swap3A_93 = arith.constant 0 : index
    %swap3A_94 = arith.constant 0 : index
    %swap3A_95 = vector.load %arg8[%swap3A, %swap3A_93, %swap3A_94] : memref<2x1000x64xf32, #tpu.memory_space<vmem>>, vector<1x1000x64xf32>
    %swap3A_96 = vector.shape_cast %swap3A_95 : vector<1x1000x64xf32> to vector<1000x64xf32>
    %swap3A_97 = vector.shape_cast %dot_general3A_92 : vector<1000x64xf32> to vector<1x1000x64xf32>
    tpu.vector_store %arg8[%swap3A, %swap3A_93, %swap3A_94], %swap3A_97 {strides = array<i32>} : memref<2x1000x64xf32, #tpu.memory_space<vmem>>, vector<1x1000x64xf32>,
    %get3A_98 = arith.constant 0 : index
    %get3A_99 = arith.constant 0 : index
    %get3A_100 = arith.constant 0 : index
    %get3A_101 = vector.load %arg7[%get3A_98, %get3A_99, %get3A_100] : memref<2x64x64xf32, #tpu.memory_space<vmem>>, vector<1x64x64xf32>
    %get3A_102 = vector.shape_cast %get3A_101 : vector<1x64x64xf32> to vector<64x64xf32>
    %dot_general3A_103 = arith.constant dense<0.000000e+00> : vector<1000x64xf32>
    %dot_general3A_104 = tpu.matmul %select_n3A, %get3A_102, %dot_general3A_103 {dimension_numbers = #tpu.dot_dimension_numbers<[1], [1], [0], [0], [0, 0, 1, 0], [], []>, precision = #tpu.contract_precision<fp32>, transpose_lhs_hint = false} : vector<1000x64xf32>, vector<64x64xf32>, vector<1000x64xf32> -> vector<1000x64xf32>
    %swap3A_105 = arith.constant 0 : index
    %swap3A_106 = arith.constant 0 : index
    %swap3A_107 = arith.constant 0 : index
    %swap3A_108 = vector.load %arg9[%swap3A_105, %swap3A_106, %swap3A_107] : memref<2x1000x64xf32, #tpu.memory_space<vmem>>, vector<1x1000x64xf32>
    %swap3A_109 = vector.shape_cast %swap3A_108 : vector<1x1000x64xf32> to vector<1000x64xf32>
    %swap3A_110 = vector.shape_cast %dot_general3A_104 : vector<1000x64xf32> to vector<1x1000x64xf32>
    tpu.vector_store %arg9[%swap3A_105, %swap3A_106, %swap3A_107], %swap3A_110 {strides = array<i32>} : memref<2x1000x64xf32, #tpu.memory_space<vmem>>, vector<1x1000x64xf32>,
    %get3A_111 = arith.constant 1 : index
    %get3A_112 = arith.constant 0 : index
    %get3A_113 = arith.constant 0 : index
    %get3A_114 = vector.load %arg6[%get3A_111, %get3A_112, %get3A_113] : memref<2x64x64xf32, #tpu.memory_space<vmem>>, vector<1x64x64xf32>
    %get3A_115 = vector.shape_cast %get3A_114 : vector<1x64x64xf32> to vector<64x64xf32>
    %dot_general3A_116 = arith.constant dense<0.000000e+00> : vector<1000x64xf32>
    %dot_general3A_117 = tpu.matmul %select_n3A, %get3A_115, %dot_general3A_116 {dimension_numbers = #tpu.dot_dimension_numbers<[1], [1], [0], [0], [0, 0, 1, 0], [], []>, precision = #tpu.contract_precision<fp32>, transpose_lhs_hint = false} : vector<1000x64xf32>, vector<64x64xf32>, vector<1000x64xf32> -> vector<1000x64xf32>
    %swap3A_118 = arith.constant 1 : index
    %swap3A_119 = arith.constant 0 : index
    %swap3A_120 = arith.constant 0 : index
    %swap3A_121 = vector.load %arg8[%swap3A_118, %swap3A_119, %swap3A_120] : memref<2x1000x64xf32, #tpu.memory_space<vmem>>, vector<1x1000x64xf32>
    %swap3A_122 = vector.shape_cast %swap3A_121 : vector<1x1000x64xf32> to vector<1000x64xf32>
    %swap3A_123 = vector.shape_cast %dot_general3A_117 : vector<1000x64xf32> to vector<1x1000x64xf32>
    tpu.vector_store %arg8[%swap3A_118, %swap3A_119, %swap3A_120], %swap3A_123 {strides = array<i32>} : memref<2x1000x64xf32, #tpu.memory_space<vmem>>, vector<1x1000x64xf32>,
    %get3A_124 = arith.constant 1 : index
    %get3A_125 = arith.constant 0 : index
    %get3A_126 = arith.constant 0 : index
    %get3A_127 = vector.load %arg7[%get3A_124, %get3A_125, %get3A_126] : memref<2x64x64xf32, #tpu.memory_space<vmem>>, vector<1x64x64xf32>
    %get3A_128 = vector.shape_cast %get3A_127 : vector<1x64x64xf32> to vector<64x64xf32>
    %dot_general3A_129 = arith.constant dense<0.000000e+00> : vector<1000x64xf32>
    %dot_general3A_130 = tpu.matmul %select_n3A, %get3A_128, %dot_general3A_129 {dimension_numbers = #tpu.dot_dimension_numbers<[1], [1], [0], [0], [0, 0, 1, 0], [], []>, precision = #tpu.contract_precision<fp32>, transpose_lhs_hint = false} : vector<1000x64xf32>, vector<64x64xf32>, vector<1000x64xf32> -> vector<1000x64xf32>
    %swap3A_131 = arith.constant 1 : index
    %swap3A_132 = arith.constant 0 : index
    %swap3A_133 = arith.constant 0 : index
    %swap3A_134 = vector.load %arg9[%swap3A_131, %swap3A_132, %swap3A_133] : memref<2x1000x64xf32, #tpu.memory_space<vmem>>, vector<1x1000x64xf32>
    %swap3A_135 = vector.shape_cast %swap3A_134 : vector<1x1000x64xf32> to vector<1000x64xf32>
    %swap3A_136 = vector.shape_cast %dot_general3A_130 : vector<1000x64xf32> to vector<1x1000x64xf32>
    tpu.vector_store %arg9[%swap3A_131, %swap3A_132, %swap3A_133], %swap3A_136 {strides = array<i32>} : memref<2x1000x64xf32, #tpu.memory_space<vmem>>, vector<1x1000x64xf32>,
    return
  }
  func.func @transform_0(%arg0: i32) -> (i32, i32, i32) {
    %c0_i32 = arith.constant 0 : i32
    %c0_i32_0 = arith.constant 0 : i32
    %c0_i32_1 = arith.constant 0 : i32
    return %c0_i32, %arg0, %c0_i32_0 : i32, i32, i32
  }
  func.func @transform_1(%arg0: i32) -> (i32, i32) {
    %c0_i32 = arith.constant 0 : i32
    %c0_i32_0 = arith.constant 0 : i32
    %c0_i32_1 = arith.constant 0 : i32
    return %c0_i32, %c0_i32_0 : i32, i32
  }
  func.func @transform_2(%arg0: i32) -> (i32, i32) {
    %c0_i32 = arith.constant 0 : i32
    %c0_i32_0 = arith.constant 0 : i32
    %c0_i32_1 = arith.constant 0 : i32
    return %c0_i32, %c0_i32_0 : i32, i32
  }
  func.func @transform_3(%arg0: i32) -> (i32, i32) {
    %c0_i32 = arith.constant 0 : i32
    %c0_i32_0 = arith.constant 0 : i32
    %c0_i32_1 = arith.constant 0 : i32
    return %c0_i32, %c0_i32_0 : i32, i32
  }
  func.func @transform_4(%arg0: i32) -> (i32, i32) {
    %c0_i32 = arith.constant 0 : i32
    %c0_i32_0 = arith.constant 0 : i32
    %c0_i32_1 = arith.constant 0 : i32
    return %c0_i32, %c0_i32_0 : i32, i32
  }
  func.func @transform_5(%arg0: i32) -> (i32, i32, i32) {
    %c0_i32 = arith.constant 0 : i32
    %c0_i32_0 = arith.constant 0 : i32
    %c0_i32_1 = arith.constant 0 : i32
    %c0_i32_2 = arith.constant 0 : i32
    return %c0_i32, %c0_i32_0, %c0_i32_1 : i32, i32, i32
  }
  func.func @transform_6(%arg0: i32) -> (i32, i32, i32) {
    %c0_i32 = arith.constant 0 : i32
    %c0_i32_0 = arith.constant 0 : i32
    %c0_i32_1 = arith.constant 0 : i32
    %c0_i32_2 = arith.constant 0 : i32
    return %c0_i32, %c0_i32_0, %c0_i32_1 : i32, i32, i32
  }
  func.func @transform_7(%arg0: i32) -> (i32, i32, i32) {
    %c0_i32 = arith.constant 0 : i32
    %c0_i32_0 = arith.constant 0 : i32
    %c0_i32_1 = arith.constant 0 : i32
    return %c0_i32, %arg0, %c0_i32_0 : i32, i32, i32
  }
  func.func @transform_8(%arg0: i32) -> (i32, i32, i32) {
    %c0_i32 = arith.constant 0 : i32
    %c0_i32_0 = arith.constant 0 : i32
    %c0_i32_1 = arith.constant 0 : i32
    return %c0_i32, %arg0, %c0_i32_0 : i32, i32, i32
  }
}

module attributes {stable_mosaic.version = 14 : i64} {
  func.func @_normfc_body(%arg0: i32, %arg1: memref<2x1000x64xf32, #tpu.memory_space<vmem>>, %arg2: memref<2x64xf32, #tpu.memory_space<vmem>>, %arg3: memref<2x64xf32, #tpu.memory_space<vmem>>, %arg4: memref<3x64xf32, #tpu.memory_space<vmem>>, %arg5: memref<2x64xf32, #tpu.memory_space<vmem>>, %arg6: memref<128x64xf32, #tpu.memory_space<vmem>>, %arg7: memref<1x1xf32, #tpu.memory_space<smem>>, %arg8: memref<1000x1xf32, #tpu.memory_space<vmem>>) attributes {dimension_semantics = [#tpu.dimension_semantics<arbitrary>], iteration_bounds = array<i64: 10>, scalar_prefetch = 0 : i64, scratch_operands = 0 : i64, tpu.core_type = #tpu.core_type<tc>, window_params = [{transform_indices = @transform_0, window_bounds = array<i64: 2, 1000, 64>}, {pipeline_mode = #tpu.pipeline_mode<synchronous>, transform_indices = @transform_1, window_bounds = array<i64: 2, 64>}, {pipeline_mode = #tpu.pipeline_mode<synchronous>, transform_indices = @transform_2, window_bounds = array<i64: 2, 64>}, {pipeline_mode = #tpu.pipeline_mode<synchronous>, transform_indices = @transform_3, window_bounds = array<i64: 3, 64>}, {pipeline_mode = #tpu.pipeline_mode<synchronous>, transform_indices = @transform_4, window_bounds = array<i64: 2, 64>}, {pipeline_mode = #tpu.pipeline_mode<synchronous>, transform_indices = @transform_5, window_bounds = array<i64: 128, 64>}, {transform_indices = @transform_6, window_bounds = array<i64: 1, 1>}, {transform_indices = @transform_7, window_bounds = array<i64: 1000, 1>}]} {
    %broadcast_in_dim3A = arith.constant 1.000000e+00 : f32
    %broadcast_in_dim3A_0 = vector.broadcast %broadcast_in_dim3A : f32 to vector<64x64xf32>
    %get3A = arith.constant 0 : index
    %get3A_1 = arith.constant 0 : index
    %get3A_2 = vector.load %arg2[%get3A, %get3A_1] : memref<2x64xf32, #tpu.memory_space<vmem>>, vector<2x64xf32>
    %dot_general3A = arith.constant dense<0.000000e+00> : vector<2x64xf32>
    %dot_general3A_3 = tpu.matmul %get3A_2, %broadcast_in_dim3A_0, %dot_general3A {dimension_numbers = #tpu.dot_dimension_numbers<[1], [0], [0], [1], [0, 0, 1, 1], [], []>, precision = #tpu.contract_precision<fp32>, transpose_lhs_hint = false} : vector<2x64xf32>, vector<64x64xf32>, vector<2x64xf32> -> vector<2x64xf32>
    %mul3A = arith.constant 9.99999974E-5 : f32
    %mul3A_4 = vector.broadcast %mul3A : f32 to vector<2x64xf32>
    %mul3A_5 = arith.mulf %dot_general3A_3, %mul3A_4 : vector<2x64xf32>
    %reduce_max3A = arith.constant dense<0xFF800000> : vector<64xf32>
    %reduce_max3A_6 = vector.multi_reduction <maximumf>, %mul3A_5, %reduce_max3A [0] : vector<2x64xf32> to vector<64xf32>
    %broadcast_in_dim3A_7 = vector.shape_cast %reduce_max3A_6 : vector<64xf32> to vector<1x64xf32>
    %sub3A = vector.broadcast %broadcast_in_dim3A_7 : vector<1x64xf32> to vector<2x64xf32>
    %sub3A_8 = arith.subf %mul3A_5, %sub3A : vector<2x64xf32>
    %exp3A = math.exp %sub3A_8 : vector<2x64xf32>
    %reduce_sum3A = arith.constant dense<0.000000e+00> : vector<64xf32>
    %reduce_sum3A_9 = vector.multi_reduction <add>, %exp3A, %reduce_sum3A [0] : vector<2x64xf32> to vector<64xf32>
    %broadcast_in_dim3A_10 = vector.shape_cast %reduce_sum3A_9 : vector<64xf32> to vector<1x64xf32>
    %div3A = vector.broadcast %broadcast_in_dim3A_10 : vector<1x64xf32> to vector<2x64xf32>
    %div3A_11 = arith.divf %exp3A, %div3A : vector<2x64xf32>
    %slice3A = vector.extract_strided_slice %div3A_11 {offsets = [0, 0], sizes = [1, 64], strides = [1, 1]} : vector<2x64xf32> to vector<1x64xf32>
    %slice3A_12 = vector.extract_strided_slice %div3A_11 {offsets = [1, 0], sizes = [1, 64], strides = [1, 1]} : vector<2x64xf32> to vector<1x64xf32>
    %get3A_13 = arith.constant 0 : index
    %get3A_14 = arith.constant 0 : index
    %get3A_15 = vector.load %arg3[%get3A_13, %get3A_14] : memref<2x64xf32, #tpu.memory_space<vmem>>, vector<1x64xf32>
    %mul3A_16 = arith.mulf %slice3A, %get3A_15 : vector<1x64xf32>
    %get3A_17 = arith.constant 1 : index
    %get3A_18 = arith.constant 0 : index
    %get3A_19 = vector.load %arg3[%get3A_17, %get3A_18] : memref<2x64xf32, #tpu.memory_space<vmem>>, vector<1x64xf32>
    %mul3A_20 = arith.mulf %slice3A_12, %get3A_19 : vector<1x64xf32>
    %add3A = arith.addf %mul3A_16, %mul3A_20 : vector<1x64xf32>
    %mul3A_21 = arith.constant 9.99999974E-5 : f32
    %mul3A_22 = vector.broadcast %mul3A_21 : f32 to vector<1x64xf32>
    %mul3A_23 = arith.mulf %add3A, %mul3A_22 : vector<1x64xf32>
    %mul3A_24 = arith.mulf %slice3A, %slice3A : vector<1x64xf32>
    %get3A_25 = arith.constant 0 : index
    %get3A_26 = arith.constant 0 : index
    %get3A_27 = vector.load %arg4[%get3A_25, %get3A_26] : memref<3x64xf32, #tpu.memory_space<vmem>>, vector<1x64xf32>
    %mul3A_28 = arith.mulf %mul3A_24, %get3A_27 : vector<1x64xf32>
    %mul3A_29 = arith.constant 2.000000e+00 : f32
    %mul3A_30 = vector.broadcast %mul3A_29 : f32 to vector<1x64xf32>
    %mul3A_31 = arith.mulf %mul3A_30, %slice3A : vector<1x64xf32>
    %mul3A_32 = arith.mulf %mul3A_31, %slice3A_12 : vector<1x64xf32>
    %get3A_33 = arith.constant 1 : index
    %get3A_34 = arith.constant 0 : index
    %get3A_35 = vector.load %arg4[%get3A_33, %get3A_34] : memref<3x64xf32, #tpu.memory_space<vmem>>, vector<1x64xf32>
    %mul3A_36 = arith.mulf %mul3A_32, %get3A_35 : vector<1x64xf32>
    %add3A_37 = arith.addf %mul3A_28, %mul3A_36 : vector<1x64xf32>
    %mul3A_38 = arith.mulf %slice3A_12, %slice3A_12 : vector<1x64xf32>
    %get3A_39 = arith.constant 2 : index
    %get3A_40 = arith.constant 0 : index
    %get3A_41 = vector.load %arg4[%get3A_39, %get3A_40] : memref<3x64xf32, #tpu.memory_space<vmem>>, vector<1x64xf32>
    %mul3A_42 = arith.mulf %mul3A_38, %get3A_41 : vector<1x64xf32>
    %add3A_43 = arith.addf %add3A_37, %mul3A_42 : vector<1x64xf32>
    %mul3A_44 = arith.constant 9.99999974E-5 : f32
    %mul3A_45 = vector.broadcast %mul3A_44 : f32 to vector<1x64xf32>
    %mul3A_46 = arith.mulf %add3A_43, %mul3A_45 : vector<1x64xf32>
    %mul3A_47 = arith.mulf %mul3A_23, %mul3A_23 : vector<1x64xf32>
    %sub3A_48 = arith.subf %mul3A_46, %mul3A_47 : vector<1x64xf32>
    %add3A_49 = arith.constant 1.000000e+00 : f32
    %add3A_50 = vector.broadcast %add3A_49 : f32 to vector<1x64xf32>
    %add3A_51 = arith.addf %sub3A_48, %add3A_50 : vector<1x64xf32>
    %rsqrt3A = math.rsqrt %add3A_51 : vector<1x64xf32>
    %get3A_52 = arith.constant 0 : index
    %get3A_53 = arith.constant 0 : index
    %get3A_54 = arith.constant 0 : index
    %get3A_55 = vector.load %arg1[%get3A_52, %get3A_53, %get3A_54] : memref<2x1000x64xf32, #tpu.memory_space<vmem>>, vector<1x1000x64xf32>
    %get3A_56 = vector.shape_cast %get3A_55 : vector<1x1000x64xf32> to vector<1000x64xf32>
    %mul3A_57 = vector.broadcast %slice3A : vector<1x64xf32> to vector<1000x64xf32>
    %mul3A_58 = arith.mulf %mul3A_57, %get3A_56 : vector<1000x64xf32>
    %get3A_59 = arith.constant 1 : index
    %get3A_60 = arith.constant 0 : index
    %get3A_61 = arith.constant 0 : index
    %get3A_62 = vector.load %arg1[%get3A_59, %get3A_60, %get3A_61] : memref<2x1000x64xf32, #tpu.memory_space<vmem>>, vector<1x1000x64xf32>
    %get3A_63 = vector.shape_cast %get3A_62 : vector<1x1000x64xf32> to vector<1000x64xf32>
    %mul3A_64 = vector.broadcast %slice3A_12 : vector<1x64xf32> to vector<1000x64xf32>
    %mul3A_65 = arith.mulf %mul3A_64, %get3A_63 : vector<1000x64xf32>
    %add3A_66 = arith.addf %mul3A_58, %mul3A_65 : vector<1000x64xf32>
    %sub3A_67 = vector.broadcast %mul3A_23 : vector<1x64xf32> to vector<1000x64xf32>
    %sub3A_68 = arith.subf %add3A_66, %sub3A_67 : vector<1000x64xf32>
    %mul3A_69 = vector.broadcast %rsqrt3A : vector<1x64xf32> to vector<1000x64xf32>
    %mul3A_70 = arith.mulf %sub3A_68, %mul3A_69 : vector<1000x64xf32>
    %get3A_71 = arith.constant 0 : index
    %get3A_72 = arith.constant 0 : index
    %get3A_73 = vector.load %arg5[%get3A_71, %get3A_72] : memref<2x64xf32, #tpu.memory_space<vmem>>, vector<1x64xf32>
    %mul3A_74 = vector.broadcast %get3A_73 : vector<1x64xf32> to vector<1000x64xf32>
    %mul3A_75 = arith.mulf %mul3A_70, %mul3A_74 : vector<1000x64xf32>
    %get3A_76 = arith.constant 1 : index
    %get3A_77 = arith.constant 0 : index
    %get3A_78 = vector.load %arg5[%get3A_76, %get3A_77] : memref<2x64xf32, #tpu.memory_space<vmem>>, vector<1x64xf32>
    %add3A_79 = vector.broadcast %get3A_78 : vector<1x64xf32> to vector<1000x64xf32>
    %add3A_80 = arith.addf %mul3A_75, %add3A_79 : vector<1000x64xf32>
    %ge3A = arith.constant 0.000000e+00 : f32
    %ge3A_81 = vector.broadcast %ge3A : f32 to vector<1000x64xf32>
    %ge3A_82 = arith.cmpf oge, %add3A_80, %ge3A_81 : vector<1000x64xf32>
    %mul3A_83 = arith.constant 0.00999999977 : f32
    %mul3A_84 = vector.broadcast %mul3A_83 : f32 to vector<1000x64xf32>
    %mul3A_85 = arith.mulf %mul3A_84, %add3A_80 : vector<1000x64xf32>
    %select_n3A = arith.select %ge3A_82, %add3A_80, %mul3A_85 : vector<1000x64xi1>, vector<1000x64xf32>
    %get3A_86 = arith.constant 0 : index
    %get3A_87 = arith.constant 0 : index
    %get3A_88 = vector.load %arg6[%get3A_86, %get3A_87] : memref<128x64xf32, #tpu.memory_space<vmem>>, vector<128x64xf32>
    %dot_general3A_89 = arith.constant dense<0.000000e+00> : vector<1000x128xf32>
    %dot_general3A_90 = tpu.matmul %select_n3A, %get3A_88, %dot_general3A_89 {dimension_numbers = #tpu.dot_dimension_numbers<[1], [1], [0], [0], [0, 0, 1, 0], [], []>, precision = #tpu.contract_precision<fp32>, transpose_lhs_hint = false} : vector<1000x64xf32>, vector<128x64xf32>, vector<1000x128xf32> -> vector<1000x128xf32>
    %slice3A_91 = vector.extract_strided_slice %dot_general3A_90 {offsets = [0, 0], sizes = [1000, 1], strides = [1, 1]} : vector<1000x128xf32> to vector<1000x1xf32>
    %get3A_92 = arith.constant 0 : index
    %get3A_93 = arith.constant 0 : index
    %get3A_94 = memref.load %arg7[%get3A_92, %get3A_93] : memref<1x1xf32, #tpu.memory_space<smem>>
    %add3A_95 = vector.broadcast %get3A_94 : f32 to vector<1000x1xf32>
    %add3A_96 = arith.addf %slice3A_91, %add3A_95 : vector<1000x1xf32>
    %swap3A = arith.constant 0 : index
    %swap3A_97 = arith.constant 0 : index
    %swap3A_98 = vector.load %arg8[%swap3A, %swap3A_97] : memref<1000x1xf32, #tpu.memory_space<vmem>>, vector<1000x1xf32>
    tpu.vector_store %arg8[%swap3A, %swap3A_97], %add3A_96 {strides = array<i32>} : memref<1000x1xf32, #tpu.memory_space<vmem>>, vector<1000x1xf32>,
    return
  }
  func.func @transform_0(%arg0: i32) -> (i32, i32, i32) {
    %c0_i32 = arith.constant 0 : i32
    %c0_i32_0 = arith.constant 0 : i32
    %c0_i32_1 = arith.constant 0 : i32
    return %c0_i32, %arg0, %c0_i32_0 : i32, i32, i32
  }
  func.func @transform_1(%arg0: i32) -> (i32, i32) {
    %c0_i32 = arith.constant 0 : i32
    %c0_i32_0 = arith.constant 0 : i32
    %c0_i32_1 = arith.constant 0 : i32
    return %c0_i32, %c0_i32_0 : i32, i32
  }
  func.func @transform_2(%arg0: i32) -> (i32, i32) {
    %c0_i32 = arith.constant 0 : i32
    %c0_i32_0 = arith.constant 0 : i32
    %c0_i32_1 = arith.constant 0 : i32
    return %c0_i32, %c0_i32_0 : i32, i32
  }
  func.func @transform_3(%arg0: i32) -> (i32, i32) {
    %c0_i32 = arith.constant 0 : i32
    %c0_i32_0 = arith.constant 0 : i32
    %c0_i32_1 = arith.constant 0 : i32
    return %c0_i32, %c0_i32_0 : i32, i32
  }
  func.func @transform_4(%arg0: i32) -> (i32, i32) {
    %c0_i32 = arith.constant 0 : i32
    %c0_i32_0 = arith.constant 0 : i32
    %c0_i32_1 = arith.constant 0 : i32
    return %c0_i32, %c0_i32_0 : i32, i32
  }
  func.func @transform_5(%arg0: i32) -> (i32, i32) {
    %c0_i32 = arith.constant 0 : i32
    %c0_i32_0 = arith.constant 0 : i32
    %c0_i32_1 = arith.constant 0 : i32
    return %c0_i32, %c0_i32_0 : i32, i32
  }
  func.func @transform_6(%arg0: i32) -> (i32, i32) {
    %c0_i32 = arith.constant 0 : i32
    %c0_i32_0 = arith.constant 0 : i32
    %c0_i32_1 = arith.constant 0 : i32
    return %c0_i32, %c0_i32_0 : i32, i32
  }
  func.func @transform_7(%arg0: i32) -> (i32, i32) {
    %c0_i32 = arith.constant 0 : i32
    %c0_i32_0 = arith.constant 0 : i32
    return %arg0, %c0_i32 : i32, i32
  }
}

</mosaic_0001>

<sc_bundles>
// kernel: kernel.17.cloned.1.call-start
scs
__scs_entry_jumppad:
0x0: {  	(pc) =	sbr.rel $0x88, $3  }
0x1: {  	(tag) =	ssettag $0x0;
	lr =	simm.s32 $0x1  }
0x2: {  	[smem:$0x3F58] =	sst lr;
	_ =	strace $0xD0000000  }
0x3: {  	_ = 	snop  }
0x4: {  	_ = 	snop  }
0x5: {  	_ = 	snop  }
0x6: {  	_ = 	snop  }
0x7: {  	_ = 	snop  }
__scs_overlays_trampoline_lowered:
0x8: {  	[smem:$0x3F67] =	sst s0  }
0x9: {  	[smem:$0x3F68] =	sst s1  }
0xa: {  	[smem:$0x3F69] =	sst s2  }
0xb: {  	[smem:$0x3F6A] =	sst s3  }
0xc: {  	[smem:$0x3F6B] =	sst s4  }
0xd: {  	[smem:$0x3F6C] =	sst s5  }
0xe: {  	[smem:$0x3F6D] =	sst s6  }
0xf: {  	[smem:$0x3F6E] =	sst s7  }
0x10: {  	[smem:$0x3F6F] =	sst s8  }
0x11: {  	[smem:$0x3F70] =	sst s9;
	s0 =	simm.s32 @!p0 $0x0  }
0x12: {  	s1 =	sld [smem:$0x3F56];
	s0 =	simm.s32 @p0 $0x1  }
0x13: {  	[smem:$0x3F71] =	sst s0;
	s0 =	simm.s32 @!p1 $0x0  }
0x14: {  	s2 =	sld [smem:$0x3F55];
	s0 =	simm.s32 @p1 $0x1  }
0x15: {  	[smem:$0x3F72] =	sst s0;
	s0 =	simm.s32 @!p2 $0x0  }
0x16: {  	s3 =	sld [smem:$0x3FDB];
	s0 =	simm.s32 @p2 $0x1  }
0x17: {  	s4 =	simm.s32 $0x1BF5;
	[smem:$0x3F74] =	sst s0  }
0x18: {  	s0 =	sld [smem:$0x3F57];
	_ =	swait.ge [sflag:s4], $0x0  }
0x19: {  	s7 =	sld [smem:$0x3F58]  }
0x1a: {  	s8 =	sadd.s32 $0xFFFFE003, lr  }
0x1b: {  	s9 =	sadd.s32 $0xFFFFFEF7, lr;
	s5 =	simm.s32 $0xFFFFFFFF;
	p2 =	slt.u32 s8, $0xFFFFF086  }
0x1c: {  	p1 =	slt.u32 s9, $0xF7A;
	s5 =	simm.s32 @!p2 $0x0  }
0x1d: {  	s5 =	simm.s32 @p1 $0x1;
	p0 =	seq.s32 s7, s2  }
0x1e: {  	s7 =	smul.u32 @!p0 $0xF7A, s2;
	p2 =	seq.s32 @!p0 s5, $0x0  }
0x1f: {  	s9 =	smul.u32 $0xF7A, s1;
	s8 =	simm.s32 @!p0 $0x1BF5;
	p2 =	por !p2, p0  }
0x20: {  	[sflag:s8] =	ssyncset.s32 @!p0 $0xFFFFF086;
	s6 =	sadd.s32 @!p0 s3, s7;
	s7 =	simm.s32 @!p0 $0x108  }
0x21: {  	s3 =	sadd.s32 s3, s9;
	s6 =	sadd.s32 @!p0 $0x88, s6;
	s7 =	simm.s32 @p2 $0x1082  }
0x22: {  	[simem:s7], [sflag:s8] =	dma.local @!p0 [hbm:s6], $0xF7A  }
0x23: {  	s9 =	sor.u32 $0xD0000000, s2;
	s6 =	simm.s32 $0x108;
	_ =	swait.ge @!p0 [sflag:s8], $0x0  }
0x24: {  	s3 =	sadd.s32 $0x88, s3;
	s6 =	simm.s32 @!p1 $0x1082;
	[sflag:s4] =	ssyncset.s32 $0xFFFFF086  }
0x25: {  	[simem:s6], [sflag:s4] =	dma.local [hbm:s3], $0xF7A  }
0x26: {  	[smem:$0x3F58] =	sst s1;
	(tag) =	ssettag s2;
	_ =	strace s9  }
0x27: {  	s1 =	sld [smem:$0x3F68]  }
0x28: {  	s2 =	sld [smem:$0x3F69]  }
0x29: {  	s4 =	sld [smem:$0x3F6B]  }
0x2a: {  	p0 =	seq.s32 s5, $0x0;
	s5 =	sld [smem:$0x3F6C]  }
0x2b: {  	s6 =	sld [smem:$0x3F6D]  }
0x2c: {  	s7 =	sld [smem:$0x3F6E]  }
0x2d: {  	s3 =	simm.s32 $0x108;
	s8 =	sld [smem:$0x3F6F]  }
0x2e: {  	s3 =	simm.s32 @!p0 $0x1082;
	s9 =	sld [smem:$0x3F70]  }
0x2f: {  	lr =	sadd.s32 s0, s3;
	s0 =	sld [smem:$0x3F67]  }
0x30: {  	s3 =	sld [smem:$0x3F6A]  }
0x31: {  	[smem:$0x3F73] =	sst s10  }
0x32: {  	s10 =	sld [smem:$0x3F71];
	_ =	sdelay $0x3  }
0x33: {  	p0 =	seq.s32 s10, $0x1;
	s10 =	sld [smem:$0x3F73];
	_ =	sdelay $0x3  }
0x34: {  	[smem:$0x3F73] =	sst s10  }
0x35: {  	s10 =	sld [smem:$0x3F72];
	_ =	sdelay $0x3  }
0x36: {  	p1 =	seq.s32 s10, $0x1;
	s10 =	sld [smem:$0x3F73];
	_ =	sdelay $0x3  }
0x37: {  	[smem:$0x3F73] =	sst s10  }
0x38: {  	s10 =	sld [smem:$0x3F74]  }
0x39: {  	_ = 	snop;
	(pc) =	sbr.ind lr, $3  }
0x3a: {  	_ = 	snop  }
0x3b: {  	_ = 	snop  }
0x3c: {  	p2 =	seq.s32 s10, $0x1;
	s10 =	sld [smem:$0x3F73]  }
0x3d: {  	_ =	shalt  }
0x3e: {  	_ =	shalt  }
0x3f: {  	_ =	shalt  }
0x40: {  	_ =	shalt  }
0x41: {  	_ =	shalt  }
0x42: {  	_ =	shalt  }
0x43: {  	_ =	shalt  }
0x44: {  	_ =	shalt  }
0x45: {  	_ =	shalt  }
0x46: {  	_ =	shalt  }
0x47: {  	_ =	shalt  }
0x48: {  	_ =	shalt  }
0x49: {  	_ =	shalt  }
0x4a: {  	_ =	shalt  }
0x4b: {  	_ =	shalt  }
0x4c: {  	_ =	shalt  }
0x4d: {  	_ =	shalt  }
0x4e: {  	_ =	shalt  }
0x4f: {  	_ =	shalt  }
0x50: {  	_ =	shalt  }
0x51: {  	_ =	shalt  }
0x52: {  	_ =	shalt  }
0x53: {  	_ =	shalt  }
0x54: {  	_ =	shalt  }
0x55: {  	_ =	shalt  }
0x56: {  	_ =	shalt  }
0x57: {  	_ =	shalt  }
0x58: {  	_ =	shalt  }
0x59: {  	_ =	shalt  }
0x5a: {  	_ =	shalt  }
0x5b: {  	_ =	shalt  }
0x5c: {  	_ =	shalt  }
0x5d: {  	_ =	shalt  }
0x5e: {  	_ =	shalt  }
0x5f: {  	_ =	shalt  }
0x60: {  	_ =	shalt  }
0x61: {  	_ =	shalt  }
0x62: {  	_ =	shalt  }
0x63: {  	_ =	shalt  }
0x64: {  	_ =	shalt  }
0x65: {  	_ =	shalt  }
0x66: {  	_ =	shalt  }
0x67: {  	_ =	shalt  }
0x68: {  	_ =	shalt  }
0x69: {  	_ =	shalt  }
0x6a: {  	_ =	shalt  }
0x6b: {  	_ =	shalt  }
0x6c: {  	_ =	shalt  }
0x6d: {  	_ =	shalt  }
0x6e: {  	_ =	shalt  }
0x6f: {  	_ =	shalt  }
0x70: {  	_ =	shalt  }
0x71: {  	_ =	shalt  }
0x72: {  	_ =	shalt  }
0x73: {  	_ =	shalt  }
0x74: {  	_ =	shalt  }
0x75: {  	_ =	shalt  }
0x76: {  	_ =	shalt  }
0x77: {  	_ =	shalt  }
0x78: {  	_ =	shalt  }
0x79: {  	_ =	shalt  }
0x7a: {  	_ =	shalt  }
0x7b: {  	_ =	shalt  }
0x7c: {  	_ =	shalt  }
0x7d: {  	_ =	shalt  }
0x7e: {  	_ =	shalt  }
0x7f: {  	_ =	shalt  }
0x80: {  	_ =	shalt  }
0x81: {  	_ =	shalt  }
0x82: {  	_ =	shalt  }
0x83: {  	_ =	shalt  }
0x84: {  	_ =	shalt  }
0x85: {  	_ =	shalt  }
0x86: {  	_ =	shalt  }
0x87: {  	_ =	shalt  }
.Lfunc_end0:
.L_simem_size_0:
called_computation_lowered:
.L_overlay_start_0:
0x88: {  	s2 =	sld [smem:$0x3FD9]  }
0x89: {  	s3 =	sld [smem:$0x3FFE];
	_ =	sdelay $0x1  }
0x8a: {  	s1 =	srdreg.scid  }
0x8b: {  	s0 =	sand.u32 $0x1, s1  }
0x8c: {  	s17 =	sshll.u32 s0, $0xA;
	s2 =	sadd.s32 s3, s2  }
0x8d: {  	s2 =	sadd.s32 s2, s17  }
0x8e: {  	[smem:$0x3F7F] =	sst s2  }
0x8f: {  	_ = 	snop  }
0x90: {  	s18 =	sld [smem:$0x3FD0];
	(tm) =	ssettm $0x1  }
0x91: {  	s19 =	sld [smem:$0x3FFB];
	_ =	sdelay $0x3  }
0x92: {  	_ =	strace s19  }
0x93: {  	s2 =	sld [smem:$0x3FFC];
	_ =	sdelay $0x3  }
0x94: {  	_ =	strace s2  }
0x95: {  	s2 =	sld [smem:$0x3FFD];
	_ =	sdelay $0x3  }
0x96: {  	_ =	strace s2  }
0x97: {  	_ =	strace $0x8FFFFFFF  }
0x98: {  	s20 =	sld [smem:$0x3FDB];
	_ =	sdelay $0x1  }
0x99: {  	s4 =	simm.s32 $_scs_section_size  }
0x9a: {  	s5 =	simm.s32 $_size__tile_overlayer_lowered;
	s6 =	simm.s32 $_tile_overlayer_lowered  }
0x9b: {  	s7 =	simm.s32 $0x1BFF;
	s21 =	sshll.u32 s6, $0x1;
	s4 =	sadd.s32 s4, s20  }
0x9c: {  	s22 =	simm.s32 $0x0;
	s5 =	sshll.u32 s5, $0x1;
	s6 =	sadd.s32 s21, s4  }
0x9d: {  	[timem:s22], [sflag:s7] =	dma.local [hbm:s6], s5  }
0x9e: {  	_ =	swait.ge [sflag:s7], s5  }
0x9f: {  	s5 =	ssub.s32 $0x0, s5;
	[sflag:s7] =	ssyncset.done $0x0  }
0xa0: {  	[sflag:s7] =	ssyncadd.s32 s5;
	_ =	sdelay $0x1  }
0xa1: {  	s23 =	simm.s32 $0x1B8B  }
0xa2: {  	_ =	swait.ge [sflag:s23], $0x1  }
0xa3: {  	[sflag:s23] =	ssyncset.done $0x0  }
0xa4: {  	[sflag:s23] =	ssyncadd.s32 $0xFFFFFFFF  }
0xa5: {  	s5 =	sld [smem:$0x0]  }
0xa6: {  	s6 =	sand.u32 $0xFFFFFFFE, s1  }
0xa7: {  	p0 =	sne.s32 s1, s6  }
0xa8: {  	s6 =	sshll.u32 @p0 s6, $0xE  }
0xa9: {  	s6 =	sadd.s32 @p0 $0x11B8D, s6;
	s7 =	sshll.u32 @p0 s5, $0x11  }
0xaa: {  	s6 =	sor.u32 @p0 s7, s6  }
0xab: {  	[sflag:s6] =	ssyncadd.remote.s32 @p0 $0x1;
	_ =	sdelay $0x1  }
0xac: {  	s6 =	simm.s32 @p0 $0x1B8D  }
0xad: {  	_ =	swait.eq @p0 [sflag:s6], $0x1  }
0xae: {  	[sflag:s6] =	ssyncadd.s32 @p0 $0xFFFFFFFF  }
0xaf: {  	s7 =	sshll.u32 @!p0 s1, $0xE  }
0xb0: {  	s7 =	sor.u32 @!p0 $0x4000, s7;
	s6 =	simm.s32 @!p0 $0x1B8D  }
0xb1: {  	s5 =	sshll.u32 @!p0 s5, $0x11;
	s7 =	sadd.s32 @!p0 $0x11B8D, s7;
	_ =	swait.eq @!p0 [sflag:s6], $0x1  }
0xb2: {  	s5 =	sor.u32 @!p0 s5, s7;
	[sflag:s6] =	ssyncadd.s32 @!p0 $0xFFFFFFFF  }
0xb3: {  	s25 =	simm.s32 $0x1B8E;
	s24 =	sld [smem:$0x3FFE];
	[sflag:s5] =	ssyncadd.remote.s32 @!p0 $0x1  }
0xb4: {  	s26 =	simm.s32 $execute0_lowered;
	[smem:$0x3FD2] =	sst s25  }
0xb5: {  	s6 =	sshll.u32 s26, $0x1;
	_ =	strace $0x80000049;
	[dreg:$0x1] =	wrdreg $0xFFFFFFFF  }
0xb6: {  	s28 =	simm.s32 $_size_execute0_lowered;
	s4 =	sadd.s32 s4, s6;
	[dreg:$0x0] =	wrdreg $0x0  }
0xb7: {  	s6 =	sshll.u32 s28, $0x1;
	[dreg:$0x2] =	wrdreg s4  }
0xb8: {  	[dreg:$0x3] =	wrdreg s6  }
0xb9: {  	[dreg:$0x4] =	wrdreg $0xC0  }
0xba: {  	_ =	task [dreg:s22], $0x5FFFF  }
0xbb: {  	[dreg:$0x1] =	wrdreg $0xFFFFFFFF  }
0xbc: {  	[dreg:$0x0] =	wrdreg $0x60  }
0xbd: {  	[dreg:$0x2] =	wrdreg s24  }
0xbe: {  	[dreg:$0x3] =	wrdreg s18  }
0xbf: {  	[dreg:$0x4] =	wrdreg $0x30000  }
0xc0: {  	[dreg:$0x5] =	wrdreg $0x9  }
0xc1: {  	_ =	task.clear_ibuf [dreg:s22], $0x6FFFF;
	_ =	strace $0x90000049  }
0xc2: {  	s29 =	simm.s32 $0x9;
	_ =	strace $0x8000004B  }
0xc3: {  	_ =	swait.ge [sflag:s29], $0x1  }
0xc4: {  	[sflag:s29] =	ssyncadd.s32 $0xFFFFFFFF  }
0xc5: {  	_ =	strace $0x9000004B  }
0xc6: {  	_ =	sfence  }
0xc7: {  	s30 =	sld [smem:$0x0];
	_ =	sdelay $0x2  }
0xc8: {  	s31 =	sshll.u32 s1, $0xD;
	s1 =	sshrl.u32 s1, $0x2  }
0xc9: {  	s4 =	sand.u32 $0x4000, s31;
	s1 =	sadd.s32 s1, s30  }
0xca: {  	s0 =	sor.u32 s4, s0;
	s1 =	sshll.u32 s1, $0x11  }
0xcb: {  	s0 =	sor.u32 s1, s0  }
0xcc: {  	s0 =	sadd.s32 $0x8F2B, s0  }
0xcd: {  	[sflag:s0] =	ssyncadd.remote.s32 $0x1  }
0xce: {  	_ =	sfence.sel $0xFFFF  }
0xcf: {  	[dreg:$0x0] =	wrdreg $0xFFFFFFFF;
	(pc) =	sbr.abs _section_cstart, $3  }
0xd0: {  	[dreg:$0x1] =	wrdreg $0xFFFFFFFF  }
0xd1: {  	_ =	task.clear_ibuf [dreg:s22], $0x2FFFF;
	_ =	strace $0x9FFFFFFF  }
0xd2: {  	(tm) =	ssettm $0x7FFFFFFF  }
0xd3: {  	_ =	shalt  }
tec
execute0_lowered:
.L_overlay_start_1:
0x0: {  	(tag) =	ssettag $0x1  }
0x1: {  	s5 =	rddreg [dreg:$0x0]  }
0x2: {  	s2 =	rddreg [dreg:$0x1];
	s0 =	stileid.u32  }
0x3: {  	s1 =	srdreg.scid;
	s3 =	rddreg [dreg:$0x2]  }
0x4: {  	s4 =	simm.s32 $0x0;
	s12 =	simm.s32 $0x2800;
	s13 =	simm.s32 $0x80  }
0x5: {  	s6 =	smul.u32 $0x2800, s0;
	s7 =	sand.u32 $0x1, s1;
	s1 =	rddreg [dreg:$0x3]  }
0x6: {  	s14 =	simm.s32 $0x0;
	[smem:$0x7FF] =	sst s4;
	s8 =	smul.u32 $0x28000, s7  }
0x7: {  	s31 =	sshll.u32 s0, $0x6;
	_ =	strace $0x8000004A;
	s7 =	ssub.s32 $0x2, s7  }
0x8: {  	s9 =	sshrl.u32 s6, $0x3;
	s10 =	sshrl.u32 s7, $0x1;
	s8 =	sadd.s32 s6, s8  }
0x9: {  	s11 =	sadd.s32 s6, s3;
	s9 =	sadd.s32 s9, s5;
	s8 =	sshrl.u32 s8, $0x3  }
0xa: {  	s10 =	ssub.s32 s7, s10;
	s6 =	sor.u32 $0x1C01, s31;
	s8 =	sadd.s32 s8, s5  }
0xb: {  	s5 =	sadd.s32 $0x7C400, s9;
	s9 =	smax.u32 s10, $0x1;
	s10 =	sshrl.u32 s11, $0x3  }
0xc: {  	s11 =	simm.s32 $0x1;
	s7 =	sadd.s32 $0x2C400, s8;
	s8 =	sadd.s32 $0x81400, s8  }
.LBB2_1:
0xd: {  	[spmem:s10], [sflag:s6] =	dma.local [hbm:s5], $0x500  }
0xe: {  	_ =	swait.ge [sflag:s11], $0x500  }
0xf: {  	[sflag:s11] =	ssyncset.done $0x0  }
0x10: {  	[sflag:s11] =	ssyncadd.s32 $0xFFFFFB00  }
0x11: {  	[tilespmem:s4], [sflag:$0x1] =	stream.linear.gather [hbm4b:s7+s4], $0x2800, $0x38;
	[tilespmem:$0x5800] =	vst v63  }
0x12: {  	_ =	swait.ge [sflag:s11], $0x2800  }
0x13: {  	[sflag:s11] =	ssyncset.done $0x0  }
0x14: {  	[sflag:s11] =	ssyncadd.s32 $0xFFFFD800  }
0x15: {  	[tilespmem:s12], [sflag:$0x1] =	stream.linear.gather [hbm4b:s2+s4], $0x800, $0x38;
	[tilespmem:$0x5800] =	vst v63  }
0x16: {  	_ =	swait.ge [sflag:s11], $0x800  }
0x17: {  	[sflag:s11] =	ssyncset.done $0x0  }
0x18: {  	[sflag:s11] =	ssyncadd.s32 $0xFFFFF800  }
0x19: {  	s15 =	simm.s32 $0x0;
	[bflag:$0x0] =	sbarrier.arrive $0xFFFF  }
0x1a: {  	[spmem:s3] =	stream.indirect.scatter.add.f32 [tilespmem:s12], [sflag:$0x1], $0x10, s15, s13, $0xb8;
	[tilespmem:$0x5800] =	vst v63  }
0x1b: {  	_ =	swait.ge [sflag:s11], $0x800  }
0x1c: {  	s15 =	simm.s32 $0x200;
	[sflag:s11] =	ssyncset.done $0x0  }
.LBB2_2:
0x1d: {  	s16 =	sshra.s32 s15, $0x2;
	[sflag:s11] =	ssyncadd.s32 $0xFFFFF800;
	p0 =	sne.s32 s15, $0x9E00  }
0x1e: {  	[spmem:s3] =	stream.indirect.scatter.add.f32 [tilespmem:s12], [sflag:$0x1], $0x10, s16, s13, $0xb8;
	[tilespmem:$0x5800] =	vst v63  }
.Ltmp0:
0x1f: {  	_ = 	snop;
	(pc) =	sbr.rel @p0 .LBB2_2-.Ltmp0, $4  }
0x20: {  	_ = 	snop  }
0x21: {  	s15 =	sadd.s32 $0x200, s15  }
0x22: {  	_ =	swait.ge [sflag:s11], $0x800  }
0x23: {  	[sflag:s11] =	ssyncset.done $0x0  }
0x24: {  	s14 =	sadd.s32 $0x1, s14  }
0x25: {  	[sflag:s11] =	ssyncadd.s32 $0xFFFFF800;
	p0 =	sne.s32 s14, s9  }
.Ltmp1:
0x26: {  	[bflag:$0x0] =	sbarrier.arrive $0xFFFF;
	(pc) =	sbr.rel @p0 .LBB2_1-.Ltmp1, $4  }
0x27: {  	[hbm:s8], [sflag:s6] =	dma.local [spmem:s10], $0x500  }
0x28: {  	_ =	swait.ge [sflag:s11], $0x500  }
0x29: {  	[sflag:s11] =	ssyncset.done $0x0  }
0x2a: {  	[sflag:s11] =	ssyncadd.s32 $0xFFFFFB00  }
0x2b: {  	_ =	sfence.sel $0x180000  }
0x2c: {  	[bflag:$0x0] =	sbarrier.arrive $0xFFFF  }
0x2d: {  	p0 =	sne.s32 s0, $0x0;
	_ =	strace $0x9000004A  }
0x2e: {  	s0 =	sadd.s32 @!p0 $0x100000, s1;
	[bflag:$0x2] =	sbarrier.arrive $0xFFFF  }
0x2f: {  	[sflag:s0] =	ssyncadd.tile.s32 @!p0 $0x1;
	_ =	shalt  }
.Lfunc_end2:
_tile_overlayer_lowered:
.L_overlay_start_2:
0x30: {  	(tag) =	ssettag $0x2  }
0x31: {  	s0 =	rddreg [dreg:$0x0];
	s2 =	stileid.u32  }
0x32: {  	s1 =	rddreg [dreg:$0x1];
	p0 =	sne.s32 s2, $0x0  }
0x33: {  	s3 =	rddreg [dreg:$0x2];
	[bflag:$0x3] =	sbarrier.arrive $0xFFFF;
	s2 =	simm.s32 @!p0 $0x1C01  }
0x34: {  	[timem:s3], [sflag:s2] =	dma.local @!p0 [hbm:s0], s1  }
0x35: {  	s0 =	simm.s32 @!p0 $0x1  }
0x36: {  	_ =	swait.ge @!p0 [sflag:s0], s1  }
0x37: {  	s1 =	ssub.s32 @!p0 $0x0, s1;
	[sflag:s0] =	ssyncset.done @!p0 $0x0  }
0x38: {  	[sflag:s0] =	ssyncadd.s32 @!p0 s1  }
0x39: {  	[bflag:$0x3] =	sbarrier.arrive $0xFFFF  }
0x3a: {  	_ =	shalt  }

// kernel: kernel.20.cloned.1.call-start
scs
__scs_entry_jumppad:
0x0: {  	(pc) =	sbr.rel $0x88, $3  }
0x1: {  	(tag) =	ssettag $0x0;
	lr =	simm.s32 $0x1  }
0x2: {  	[smem:$0x3F58] =	sst lr;
	_ =	strace $0xD0000000  }
0x3: {  	_ = 	snop  }
0x4: {  	_ = 	snop  }
0x5: {  	_ = 	snop  }
0x6: {  	_ = 	snop  }
0x7: {  	_ = 	snop  }
__scs_overlays_trampoline_lowered:
0x8: {  	[smem:$0x3F67] =	sst s0  }
0x9: {  	[smem:$0x3F68] =	sst s1  }
0xa: {  	[smem:$0x3F69] =	sst s2  }
0xb: {  	[smem:$0x3F6A] =	sst s3  }
0xc: {  	[smem:$0x3F6B] =	sst s4  }
0xd: {  	[smem:$0x3F6C] =	sst s5  }
0xe: {  	[smem:$0x3F6D] =	sst s6  }
0xf: {  	[smem:$0x3F6E] =	sst s7  }
0x10: {  	[smem:$0x3F6F] =	sst s8  }
0x11: {  	[smem:$0x3F70] =	sst s9;
	s0 =	simm.s32 @!p0 $0x0  }
0x12: {  	s1 =	sld [smem:$0x3F56];
	s0 =	simm.s32 @p0 $0x1  }
0x13: {  	[smem:$0x3F71] =	sst s0;
	s0 =	simm.s32 @!p1 $0x0  }
0x14: {  	s2 =	sld [smem:$0x3F55];
	s0 =	simm.s32 @p1 $0x1  }
0x15: {  	[smem:$0x3F72] =	sst s0;
	s0 =	simm.s32 @!p2 $0x0  }
0x16: {  	s3 =	sld [smem:$0x3FDB];
	s0 =	simm.s32 @p2 $0x1  }
0x17: {  	s4 =	simm.s32 $0x1BF5;
	[smem:$0x3F74] =	sst s0  }
0x18: {  	s0 =	sld [smem:$0x3F57];
	_ =	swait.ge [sflag:s4], $0x0  }
0x19: {  	s7 =	sld [smem:$0x3F58]  }
0x1a: {  	s8 =	sadd.s32 $0xFFFFE003, lr  }
0x1b: {  	s9 =	sadd.s32 $0xFFFFFEF7, lr;
	s5 =	simm.s32 $0xFFFFFFFF;
	p2 =	slt.u32 s8, $0xFFFFF086  }
0x1c: {  	p1 =	slt.u32 s9, $0xF7A;
	s5 =	simm.s32 @!p2 $0x0  }
0x1d: {  	s5 =	simm.s32 @p1 $0x1;
	p0 =	seq.s32 s7, s2  }
0x1e: {  	s7 =	smul.u32 @!p0 $0xF7A, s2;
	p2 =	seq.s32 @!p0 s5, $0x0  }
0x1f: {  	s9 =	smul.u32 $0xF7A, s1;
	s8 =	simm.s32 @!p0 $0x1BF5;
	p2 =	por !p2, p0  }
0x20: {  	[sflag:s8] =	ssyncset.s32 @!p0 $0xFFFFF086;
	s6 =	sadd.s32 @!p0 s3, s7;
	s7 =	simm.s32 @!p0 $0x108  }
0x21: {  	s3 =	sadd.s32 s3, s9;
	s6 =	sadd.s32 @!p0 $0x88, s6;
	s7 =	simm.s32 @p2 $0x1082  }
0x22: {  	[simem:s7], [sflag:s8] =	dma.local @!p0 [hbm:s6], $0xF7A  }
0x23: {  	s9 =	sor.u32 $0xD0000000, s2;
	s6 =	simm.s32 $0x108;
	_ =	swait.ge @!p0 [sflag:s8], $0x0  }
0x24: {  	s3 =	sadd.s32 $0x88, s3;
	s6 =	simm.s32 @!p1 $0x1082;
	[sflag:s4] =	ssyncset.s32 $0xFFFFF086  }
0x25: {  	[simem:s6], [sflag:s4] =	dma.local [hbm:s3], $0xF7A  }
0x26: {  	[smem:$0x3F58] =	sst s1;
	(tag) =	ssettag s2;
	_ =	strace s9  }
0x27: {  	s1 =	sld [smem:$0x3F68]  }
0x28: {  	s2 =	sld [smem:$0x3F69]  }
0x29: {  	s4 =	sld [smem:$0x3F6B]  }
0x2a: {  	p0 =	seq.s32 s5, $0x0;
	s5 =	sld [smem:$0x3F6C]  }
0x2b: {  	s6 =	sld [smem:$0x3F6D]  }
0x2c: {  	s7 =	sld [smem:$0x3F6E]  }
0x2d: {  	s3 =	simm.s32 $0x108;
	s8 =	sld [smem:$0x3F6F]  }
0x2e: {  	s3 =	simm.s32 @!p0 $0x1082;
	s9 =	sld [smem:$0x3F70]  }
0x2f: {  	lr =	sadd.s32 s0, s3;
	s0 =	sld [smem:$0x3F67]  }
0x30: {  	s3 =	sld [smem:$0x3F6A]  }
0x31: {  	[smem:$0x3F73] =	sst s10  }
0x32: {  	s10 =	sld [smem:$0x3F71];
	_ =	sdelay $0x3  }
0x33: {  	p0 =	seq.s32 s10, $0x1;
	s10 =	sld [smem:$0x3F73];
	_ =	sdelay $0x3  }
0x34: {  	[smem:$0x3F73] =	sst s10  }
0x35: {  	s10 =	sld [smem:$0x3F72];
	_ =	sdelay $0x3  }
0x36: {  	p1 =	seq.s32 s10, $0x1;
	s10 =	sld [smem:$0x3F73];
	_ =	sdelay $0x3  }
0x37: {  	[smem:$0x3F73] =	sst s10  }
0x38: {  	s10 =	sld [smem:$0x3F74]  }
0x39: {  	_ = 	snop;
	(pc) =	sbr.ind lr, $3  }
0x3a: {  	_ = 	snop  }
0x3b: {  	_ = 	snop  }
0x3c: {  	p2 =	seq.s32 s10, $0x1;
	s10 =	sld [smem:$0x3F73]  }
0x3d: {  	_ =	shalt  }
0x3e: {  	_ =	shalt  }
0x3f: {  	_ =	shalt  }
0x40: {  	_ =	shalt  }
0x41: {  	_ =	shalt  }
0x42: {  	_ =	shalt  }
0x43: {  	_ =	shalt  }
0x44: {  	_ =	shalt  }
0x45: {  	_ =	shalt  }
0x46: {  	_ =	shalt  }
0x47: {  	_ =	shalt  }
0x48: {  	_ =	shalt  }
0x49: {  	_ =	shalt  }
0x4a: {  	_ =	shalt  }
0x4b: {  	_ =	shalt  }
0x4c: {  	_ =	shalt  }
0x4d: {  	_ =	shalt  }
0x4e: {  	_ =	shalt  }
0x4f: {  	_ =	shalt  }
0x50: {  	_ =	shalt  }
0x51: {  	_ =	shalt  }
0x52: {  	_ =	shalt  }
0x53: {  	_ =	shalt  }
0x54: {  	_ =	shalt  }
0x55: {  	_ =	shalt  }
0x56: {  	_ =	shalt  }
0x57: {  	_ =	shalt  }
0x58: {  	_ =	shalt  }
0x59: {  	_ =	shalt  }
0x5a: {  	_ =	shalt  }
0x5b: {  	_ =	shalt  }
0x5c: {  	_ =	shalt  }
0x5d: {  	_ =	shalt  }
0x5e: {  	_ =	shalt  }
0x5f: {  	_ =	shalt  }
0x60: {  	_ =	shalt  }
0x61: {  	_ =	shalt  }
0x62: {  	_ =	shalt  }
0x63: {  	_ =	shalt  }
0x64: {  	_ =	shalt  }
0x65: {  	_ =	shalt  }
0x66: {  	_ =	shalt  }
0x67: {  	_ =	shalt  }
0x68: {  	_ =	shalt  }
0x69: {  	_ =	shalt  }
0x6a: {  	_ =	shalt  }
0x6b: {  	_ =	shalt  }
0x6c: {  	_ =	shalt  }
0x6d: {  	_ =	shalt  }
0x6e: {  	_ =	shalt  }
0x6f: {  	_ =	shalt  }
0x70: {  	_ =	shalt  }
0x71: {  	_ =	shalt  }
0x72: {  	_ =	shalt  }
0x73: {  	_ =	shalt  }
0x74: {  	_ =	shalt  }
0x75: {  	_ =	shalt  }
0x76: {  	_ =	shalt  }
0x77: {  	_ =	shalt  }
0x78: {  	_ =	shalt  }
0x79: {  	_ =	shalt  }
0x7a: {  	_ =	shalt  }
0x7b: {  	_ =	shalt  }
0x7c: {  	_ =	shalt  }
0x7d: {  	_ =	shalt  }
0x7e: {  	_ =	shalt  }
0x7f: {  	_ =	shalt  }
0x80: {  	_ =	shalt  }
0x81: {  	_ =	shalt  }
0x82: {  	_ =	shalt  }
0x83: {  	_ =	shalt  }
0x84: {  	_ =	shalt  }
0x85: {  	_ =	shalt  }
0x86: {  	_ =	shalt  }
0x87: {  	_ =	shalt  }
.Lfunc_end0:
.L_simem_size_0:
called_computation.1_lowered:
.L_overlay_start_0:
0x88: {  	s2 =	sld [smem:$0x3FD9]  }
0x89: {  	s3 =	sld [smem:$0x3FFE];
	_ =	sdelay $0x1  }
0x8a: {  	s1 =	srdreg.scid  }
0x8b: {  	s0 =	sand.u32 $0x1, s1  }
0x8c: {  	s16 =	sshll.u32 s0, $0xA;
	s2 =	sadd.s32 s3, s2  }
0x8d: {  	s2 =	sadd.s32 s2, s16  }
0x8e: {  	[smem:$0x3F7F] =	sst s2  }
0x8f: {  	_ = 	snop  }
0x90: {  	(tm) =	ssettm $0x1  }
0x91: {  	s17 =	sld [smem:$0x3FFB];
	_ =	sdelay $0x3  }
0x92: {  	_ =	strace s17  }
0x93: {  	s2 =	sld [smem:$0x3FFC];
	_ =	sdelay $0x3  }
0x94: {  	_ =	strace s2  }
0x95: {  	s2 =	sld [smem:$0x3FFD];
	_ =	sdelay $0x3  }
0x96: {  	_ =	strace s2  }
0x97: {  	_ =	strace $0x8FFFFFFF  }
0x98: {  	s18 =	sld [smem:$0x3FDB];
	_ =	sdelay $0x1  }
0x99: {  	s19 =	simm.s32 $_scs_section_size  }
0x9a: {  	s4 =	simm.s32 $_size__tile_overlayer_lowered;
	s5 =	simm.s32 $_tile_overlayer_lowered  }
0x9b: {  	s22 =	simm.s32 $0x1BFF;
	s21 =	sshll.u32 s5, $0x1;
	s2 =	sadd.s32 s19, s18  }
0x9c: {  	s6 =	simm.s32 $0x0;
	s20 =	sshll.u32 s4, $0x1;
	s4 =	sadd.s32 s21, s2  }
0x9d: {  	[timem:s6], [sflag:s22] =	dma.local [hbm:s4], s20  }
0x9e: {  	_ =	swait.ge [sflag:s22], s20  }
0x9f: {  	s3 =	ssub.s32 $0x0, s20;
	[sflag:s22] =	ssyncset.done $0x0  }
0xa0: {  	[sflag:s22] =	ssyncadd.s32 s3;
	_ =	sdelay $0x1  }
0xa1: {  	s23 =	simm.s32 $0x1B8B  }
0xa2: {  	_ =	swait.ge [sflag:s23], $0x1  }
0xa3: {  	[sflag:s23] =	ssyncset.done $0x0  }
0xa4: {  	s25 =	simm.s32 $0x1B8E;
	s24 =	sld [smem:$0x3FFE];
	[sflag:s23] =	ssyncadd.s32 $0xFFFFFFFF  }
0xa5: {  	s26 =	simm.s32 $execute0_lowered;
	[smem:$0x3FD2] =	sst s25  }
0xa6: {  	s4 =	sshll.u32 s26, $0x1;
	_ =	strace $0x80000046;
	[dreg:$0x1] =	wrdreg $0xFFFFFFFF  }
0xa7: {  	s28 =	simm.s32 $_size_execute0_lowered;
	s2 =	sadd.s32 s2, s4;
	[dreg:$0x0] =	wrdreg $0x0  }
0xa8: {  	s4 =	sshll.u32 s28, $0x1;
	[dreg:$0x2] =	wrdreg s2  }
0xa9: {  	[dreg:$0x3] =	wrdreg s4  }
0xaa: {  	[dreg:$0x4] =	wrdreg $0xC0  }
0xab: {  	_ =	task [dreg:s6], $0x5FFFF  }
0xac: {  	[dreg:$0x1] =	wrdreg $0xFFFFFFFF  }
0xad: {  	[dreg:$0x0] =	wrdreg $0x60  }
0xae: {  	[dreg:$0x2] =	wrdreg s24  }
0xaf: {  	[dreg:$0x3] =	wrdreg $0x90000  }
0xb0: {  	[dreg:$0x4] =	wrdreg $0xA  }
0xb1: {  	_ =	task.clear_ibuf [dreg:s6], $0x5FFFF;
	_ =	strace $0x90000046  }
0xb2: {  	s29 =	simm.s32 $0xA;
	_ =	strace $0x80000048  }
0xb3: {  	_ =	swait.ge [sflag:s29], $0x1  }
0xb4: {  	[sflag:s29] =	ssyncadd.s32 $0xFFFFFFFF  }
0xb5: {  	_ =	strace $0x90000048  }
0xb6: {  	_ =	sfence  }
0xb7: {  	s30 =	sld [smem:$0x0];
	_ =	sdelay $0x2  }
0xb8: {  	s31 =	sshll.u32 s1, $0xD;
	s1 =	sshrl.u32 s1, $0x2  }
0xb9: {  	s3 =	sand.u32 $0x4000, s31;
	s1 =	sadd.s32 s1, s30  }
0xba: {  	s0 =	sor.u32 s3, s0;
	s1 =	sshll.u32 s1, $0x11  }
0xbb: {  	s0 =	sor.u32 s1, s0  }
0xbc: {  	s0 =	sadd.s32 $0x8F2B, s0  }
0xbd: {  	[sflag:s0] =	ssyncadd.remote.s32 $0x1  }
0xbe: {  	_ =	sfence.sel $0xFFFF  }
0xbf: {  	[dreg:$0x0] =	wrdreg $0xFFFFFFFF;
	(pc) =	sbr.abs _section_cstart, $3  }
0xc0: {  	[dreg:$0x1] =	wrdreg $0xFFFFFFFF  }
0xc1: {  	_ =	task.clear_ibuf [dreg:s6], $0x2FFFF;
	_ =	strace $0x9FFFFFFF  }
0xc2: {  	(tm) =	ssettm $0x7FFFFFFF  }
0xc3: {  	_ =	shalt  }
tec
execute0_lowered:
.L_overlay_start_1:
0x0: {  	(tag) =	ssettag $0x1  }
0x1: {  	s5 =	rddreg [dreg:$0x0]  }
0x2: {  	s0 =	srdreg.scid;
	s2 =	rddreg [dreg:$0x1]  }
0x3: {  	s1 =	rddreg [dreg:$0x2];
	s3 =	simm.s32 $0x0;
	s14 =	simm.s32 $0x80  }
0x4: {  	s15 =	simm.s32 $0x5000;
	s16 =	simm.s32 $0x7000;
	s6 =	sand.u32 $0x1, s0  }
0x5: {  	s17 =	simm.s32 $0x1;
	s0 =	stileid.u32;
	s4 =	smul.u32 $0x28000, s6  }
0x6: {  	s18 =	simm.s32 $0x2;
	s19 =	simm.s32 $0x2780;
	s7 =	smul.u32 $0x2800, s0  }
0x7: {  	s20 =	simm.s32 $0x4F00;
	s21 =	simm.s32 $0x4F80;
	s8 =	smul.u32 $0xA000, s0  }
0x8: {  	s22 =	simm.s32 $0x0;
	[smem:$0x7FF] =	sst s3;
	s29 =	smul.u32 $0xA0000, s6  }
0x9: {  	_ =	strace $0x80000047;
	s6 =	ssub.s32 $0x2, s6;
	s31 =	sshll.u32 s0, $0x6  }
0xa: {  	s30 =	sshrl.u32 s6, $0x1;
	s4 =	sadd.s32 s7, s4;
	s7 =	sadd.s32 s8, s29  }
0xb: {  	s10 =	sshrl.u32 s8, $0x3;
	s12 =	ssub.s32 s6, s30;
	s13 =	sadd.s32 s8, s2  }
0xc: {  	s6 =	sor.u32 $0x1C03, s31;
	s9 =	sshrl.u32 s4, $0x3;
	s4 =	sadd.s32 $0x5200, s5  }
0xd: {  	s7 =	sshrl.u32 s7, $0x3;
	s10 =	sadd.s32 s10, s5;
	s9 =	sadd.s32 s9, s5  }
0xe: {  	s11 =	sadd.s32 s7, s5;
	s5 =	sadd.s32 $0x40400, s10;
	s10 =	smax.u32 s12, $0x1  }
0xf: {  	s12 =	simm.s32 $0x3;
	s7 =	sadd.s32 $0x36400, s9;
	s8 =	sadd.s32 $0x2C400, s9  }
0x10: {  	s9 =	sadd.s32 $0x54400, s11;
	s11 =	sshrl.u32 s13, $0x3;
	s13 =	simm.s32 $0x2800  }
.LBB2_1:
0x11: {  	[spmem:s11], [sflag:s6] =	dma.local [hbm:s5], $0x1400  }
0x12: {  	_ =	swait.ge [sflag:s12], $0x1400  }
0x13: {  	[sflag:s12] =	ssyncset.done $0x0  }
0x14: {  	[sflag:s12] =	ssyncadd.s32 $0xFFFFEC00  }
0x15: {  	[tilespmem:s3], [sflag:$0x3] =	stream.linear.gather [hbm4b:s7+s3], $0x2800, $0x38;
	[tilespmem:$0x13000] =	vst v63  }
0x16: {  	_ =	swait.ge [sflag:s12], $0x2800  }
0x17: {  	[sflag:s12] =	ssyncset.done $0x0  }
0x18: {  	[sflag:s12] =	ssyncadd.s32 $0xFFFFD800  }
0x19: {  	[tilespmem:s13], [sflag:$0x3] =	stream.linear.gather [hbm4b:s8+s3], $0x2800, $0x38;
	[tilespmem:$0x13000] =	vst v63  }
0x1a: {  	_ =	swait.ge [sflag:s12], $0x2800  }
0x1b: {  	[sflag:s12] =	ssyncset.done $0x0  }
0x1c: {  	[sflag:s12] =	ssyncadd.s32 $0xFFFFD800  }
0x1d: {  	[bflag:$0x0] =	sbarrier.arrive $0xFFFF  }
0x1e: {  	[tilespmem:s15], [sflag:$0x1] =	stream.indirect.gather [hbm4b:s4+s14], $0x40, s3, s14, $0xb8;
	[tilespmem:$0x13000] =	vst v63  }
0x1f: {  	s23 =	simm.s32 $0x80  }
0x20: {  	[tilespmem:s16], [sflag:$0x2] =	stream.indirect.gather [hbm4b:s4+s14], $0x40, s23, s14, $0xb8;
	[tilespmem:$0x13000] =	vst v63  }
0x21: {  	_ =	swait.ge [sflag:s17], $0x2000  }
0x22: {  	[sflag:s17] =	ssyncset.done $0x0  }
0x23: {  	s29 =	simm.s32 $0x2800;
	[sflag:s17] =	ssyncadd.s32 $0xFFFFE000  }
0x24: {  	[spmem:s2] =	stream.indirect.scatter.add.f32 [tilespmem:s15], [sflag:$0x3], $0x40, s29, s14, $0xb8;
	[tilespmem:$0x13000] =	vst v63  }
0x25: {  	_ =	swait.ge [sflag:s12], $0x2000  }
0x26: {  	[sflag:s12] =	ssyncset.done $0x0  }
0x27: {  	s30 =	simm.s32 $0x100;
	[sflag:s12] =	ssyncadd.s32 $0xFFFFE000  }
0x28: {  	[tilespmem:s15], [sflag:$0x1] =	stream.indirect.gather [hbm4b:s4+s14], $0x40, s30, s14, $0xb8;
	[tilespmem:$0x13000] =	vst v63  }
0x29: {  	_ =	swait.ge [sflag:s18], $0x2000  }
0x2a: {  	[sflag:s18] =	ssyncset.done $0x0  }
0x2b: {  	s31 =	simm.s32 $0x2880;
	[sflag:s18] =	ssyncadd.s32 $0xFFFFE000  }
0x2c: {  	[spmem:s2] =	stream.indirect.scatter.add.f32 [tilespmem:s16], [sflag:$0x3], $0x40, s31, s14, $0xb8;
	[tilespmem:$0x13000] =	vst v63  }
0x2d: {  	_ =	swait.ge [sflag:s12], $0x2000  }
0x2e: {  	s24 =	simm.s32 $0x800;
	s23 =	simm.s32 $0x100;
	[sflag:s12] =	ssyncset.done $0x0  }
.LBB2_2:
0x2f: {  	s25 =	sadd.s32 $0x80, s23  }
0x30: {  	[sflag:s12] =	ssyncadd.s32 $0xFFFFE000;
	s26 =	smov.u32 s24;
	s28 =	sadd.s32 $0x400, s24  }
0x31: {  	[tilespmem:s16], [sflag:$0x2] =	stream.indirect.gather [hbm4b:s4+s14], $0x40, s25, s14, $0xb8;
	[tilespmem:$0x13000] =	vst v63  }
0x32: {  	p0 =	sne.s32 s24, $0x9800;
	_ =	swait.ge [sflag:s17], $0x2000  }
0x33: {  	[sflag:s17] =	ssyncset.done $0x0  }
0x34: {  	s24 =	sadd.s32 $0x2800, s23;
	[sflag:s17] =	ssyncadd.s32 $0xFFFFE000  }
0x35: {  	[spmem:s2] =	stream.indirect.scatter.add.f32 [tilespmem:s15], [sflag:$0x3], $0x40, s24, s14, $0xb8;
	[tilespmem:$0x13000] =	vst v63  }
0x36: {  	_ =	swait.ge [sflag:s12], $0x2000  }
0x37: {  	[sflag:s12] =	ssyncset.done $0x0  }
0x38: {  	s24 =	sadd.s32 $0x100, s23;
	[sflag:s12] =	ssyncadd.s32 $0xFFFFE000  }
0x39: {  	[tilespmem:s15], [sflag:$0x1] =	stream.indirect.gather [hbm4b:s4+s14], $0x40, s24, s14, $0xb8;
	[tilespmem:$0x13000] =	vst v63  }
0x3a: {  	_ =	swait.ge [sflag:s18], $0x2000  }
.Ltmp0:
0x3b: {  	[sflag:s18] =	ssyncset.done $0x0;
	(pc) =	sbr.rel @p0 .LBB2_2-.Ltmp0, $4  }
0x3c: {  	s23 =	sadd.s32 $0x2880, s23;
	[sflag:s18] =	ssyncadd.s32 $0xFFFFE000  }
0x3d: {  	[spmem:s2] =	stream.indirect.scatter.add.f32 [tilespmem:s16], [sflag:$0x3], $0x40, s23, s14, $0xb8;
	[tilespmem:$0x13000] =	vst v63  }
0x3e: {  	_ =	swait.ge [sflag:s12], $0x2000  }
0x3f: {  	s24 =	smov.u32 s28;
	s23 =	sshra.s32 s26, $0x2;
	[sflag:s12] =	ssyncset.done $0x0  }
0x40: {  	s24 =	sadd.s32 $0x80, s23;
	[sflag:s12] =	ssyncadd.s32 $0xFFFFE000  }
0x41: {  	[tilespmem:s16], [sflag:$0x2] =	stream.indirect.gather [hbm4b:s4+s14], $0x40, s24, s14, $0xb8;
	[tilespmem:$0x13000] =	vst v63  }
0x42: {  	_ =	swait.ge [sflag:s17], $0x2000  }
0x43: {  	[sflag:s17] =	ssyncset.done $0x0  }
0x44: {  	s29 =	sadd.s32 $0x2800, s23;
	[sflag:s17] =	ssyncadd.s32 $0xFFFFE000  }
0x45: {  	[spmem:s2] =	stream.indirect.scatter.add.f32 [tilespmem:s15], [sflag:$0x3], $0x40, s29, s14, $0xb8;
	[tilespmem:$0x13000] =	vst v63  }
0x46: {  	_ =	swait.ge [sflag:s12], $0x2000  }
0x47: {  	[sflag:s12] =	ssyncset.done $0x0  }
0x48: {  	s30 =	sadd.s32 $0x100, s23;
	[sflag:s12] =	ssyncadd.s32 $0xFFFFE000  }
0x49: {  	[tilespmem:s15], [sflag:$0x1] =	stream.indirect.gather [hbm4b:s4+s14], $0x40, s30, s14, $0xb8;
	[tilespmem:$0x13000] =	vst v63  }
0x4a: {  	_ =	swait.ge [sflag:s18], $0x2000  }
0x4b: {  	[sflag:s18] =	ssyncset.done $0x0  }
0x4c: {  	s31 =	sadd.s32 $0x2880, s23;
	[sflag:s18] =	ssyncadd.s32 $0xFFFFE000  }
0x4d: {  	[spmem:s2] =	stream.indirect.scatter.add.f32 [tilespmem:s16], [sflag:$0x3], $0x40, s31, s14, $0xb8;
	[tilespmem:$0x13000] =	vst v63  }
0x4e: {  	_ =	swait.ge [sflag:s12], $0x2000  }
0x4f: {  	[sflag:s12] =	ssyncset.done $0x0  }
0x50: {  	[sflag:s12] =	ssyncadd.s32 $0xFFFFE000  }
0x51: {  	[tilespmem:s16], [sflag:$0x2] =	stream.indirect.gather [hbm4b:s4+s14], $0x40, s19, s14, $0xb8;
	[tilespmem:$0x13000] =	vst v63  }
0x52: {  	_ =	swait.ge [sflag:s17], $0x2000  }
0x53: {  	[sflag:s17] =	ssyncset.done $0x0  }
0x54: {  	[sflag:s17] =	ssyncadd.s32 $0xFFFFE000  }
0x55: {  	[spmem:s2] =	stream.indirect.scatter.add.f32 [tilespmem:s15], [sflag:$0x3], $0x40, s20, s14, $0xb8;
	[tilespmem:$0x13000] =	vst v63  }
0x56: {  	_ =	swait.ge [sflag:s12], $0x2000  }
0x57: {  	[sflag:s12] =	ssyncset.done $0x0  }
0x58: {  	[sflag:s12] =	ssyncadd.s32 $0xFFFFE000  }
0x59: {  	_ =	swait.ge [sflag:s18], $0x2000  }
0x5a: {  	[sflag:s18] =	ssyncset.done $0x0  }
0x5b: {  	[sflag:s18] =	ssyncadd.s32 $0xFFFFE000  }
0x5c: {  	[spmem:s2] =	stream.indirect.scatter.add.f32 [tilespmem:s16], [sflag:$0x3], $0x40, s21, s14, $0xb8;
	[tilespmem:$0x13000] =	vst v63  }
0x5d: {  	_ =	swait.ge [sflag:s12], $0x2000  }
0x5e: {  	s22 =	sadd.s32 $0x1, s22;
	[sflag:s12] =	ssyncset.done $0x0  }
0x5f: {  	p0 =	sne.s32 s22, s10;
	[sflag:s12] =	ssyncadd.s32 $0xFFFFE000  }
.Ltmp1:
0x60: {  	[bflag:$0x0] =	sbarrier.arrive $0xFFFF;
	(pc) =	sbr.rel @p0 .LBB2_1-.Ltmp1, $4  }
0x61: {  	[hbm:s9], [sflag:s6] =	dma.local [spmem:s11], $0x1400  }
0x62: {  	_ =	swait.ge [sflag:s12], $0x1400  }
0x63: {  	[sflag:s12] =	ssyncset.done $0x0  }
0x64: {  	[sflag:s12] =	ssyncadd.s32 $0xFFFFEC00  }
0x65: {  	_ =	sfence.sel $0x180000  }
0x66: {  	[bflag:$0x0] =	sbarrier.arrive $0xFFFF  }
0x67: {  	p0 =	sne.s32 s0, $0x0;
	_ =	strace $0x90000047  }
0x68: {  	s0 =	sadd.s32 @!p0 $0x100000, s1;
	[bflag:$0x2] =	sbarrier.arrive $0xFFFF  }
0x69: {  	[sflag:s0] =	ssyncadd.tile.s32 @!p0 $0x1;
	_ =	shalt  }
.Lfunc_end2:
_tile_overlayer_lowered:
.L_overlay_start_2:
0x6a: {  	(tag) =	ssettag $0x2  }
0x6b: {  	s0 =	rddreg [dreg:$0x0];
	s2 =	stileid.u32  }
0x6c: {  	s1 =	rddreg [dreg:$0x1];
	p0 =	sne.s32 s2, $0x0  }
0x6d: {  	s3 =	rddreg [dreg:$0x2];
	[bflag:$0x3] =	sbarrier.arrive $0xFFFF;
	s2 =	simm.s32 @!p0 $0x1C03  }
0x6e: {  	[timem:s3], [sflag:s2] =	dma.local @!p0 [hbm:s0], s1  }
0x6f: {  	s0 =	simm.s32 @!p0 $0x3  }
0x70: {  	_ =	swait.ge @!p0 [sflag:s0], s1  }
0x71: {  	s1 =	ssub.s32 @!p0 $0x0, s1;
	[sflag:s0] =	ssyncset.done @!p0 $0x0  }
0x72: {  	[sflag:s0] =	ssyncadd.s32 @!p0 s1  }
0x73: {  	[bflag:$0x3] =	sbarrier.arrive $0xFFFF  }
0x74: {  	_ =	shalt  }

// kernel: kernel.23.cloned.1.call-start
scs
__scs_entry_jumppad:
0x0: {  	(pc) =	sbr.rel $0x88, $3  }
0x1: {  	(tag) =	ssettag $0x0;
	lr =	simm.s32 $0x1  }
0x2: {  	[smem:$0x3F58] =	sst lr;
	_ =	strace $0xD0000000  }
0x3: {  	_ = 	snop  }
0x4: {  	_ = 	snop  }
0x5: {  	_ = 	snop  }
0x6: {  	_ = 	snop  }
0x7: {  	_ = 	snop  }
__scs_overlays_trampoline_lowered:
0x8: {  	[smem:$0x3F67] =	sst s0  }
0x9: {  	[smem:$0x3F68] =	sst s1  }
0xa: {  	[smem:$0x3F69] =	sst s2  }
0xb: {  	[smem:$0x3F6A] =	sst s3  }
0xc: {  	[smem:$0x3F6B] =	sst s4  }
0xd: {  	[smem:$0x3F6C] =	sst s5  }
0xe: {  	[smem:$0x3F6D] =	sst s6  }
0xf: {  	[smem:$0x3F6E] =	sst s7  }
0x10: {  	[smem:$0x3F6F] =	sst s8  }
0x11: {  	[smem:$0x3F70] =	sst s9;
	s0 =	simm.s32 @!p0 $0x0  }
0x12: {  	s1 =	sld [smem:$0x3F56];
	s0 =	simm.s32 @p0 $0x1  }
0x13: {  	[smem:$0x3F71] =	sst s0;
	s0 =	simm.s32 @!p1 $0x0  }
0x14: {  	s2 =	sld [smem:$0x3F55];
	s0 =	simm.s32 @p1 $0x1  }
0x15: {  	[smem:$0x3F72] =	sst s0;
	s0 =	simm.s32 @!p2 $0x0  }
0x16: {  	s3 =	sld [smem:$0x3FDB];
	s0 =	simm.s32 @p2 $0x1  }
0x17: {  	s4 =	simm.s32 $0x1BF5;
	[smem:$0x3F74] =	sst s0  }
0x18: {  	s0 =	sld [smem:$0x3F57];
	_ =	swait.ge [sflag:s4], $0x0  }
0x19: {  	s7 =	sld [smem:$0x3F58]  }
0x1a: {  	s8 =	sadd.s32 $0xFFFFE003, lr  }
0x1b: {  	s9 =	sadd.s32 $0xFFFFFEF7, lr;
	s5 =	simm.s32 $0xFFFFFFFF;
	p2 =	slt.u32 s8, $0xFFFFF086  }
0x1c: {  	p1 =	slt.u32 s9, $0xF7A;
	s5 =	simm.s32 @!p2 $0x0  }
0x1d: {  	s5 =	simm.s32 @p1 $0x1;
	p0 =	seq.s32 s7, s2  }
0x1e: {  	s7 =	smul.u32 @!p0 $0xF7A, s2;
	p2 =	seq.s32 @!p0 s5, $0x0  }
0x1f: {  	s9 =	smul.u32 $0xF7A, s1;
	s8 =	simm.s32 @!p0 $0x1BF5;
	p2 =	por !p2, p0  }
0x20: {  	[sflag:s8] =	ssyncset.s32 @!p0 $0xFFFFF086;
	s6 =	sadd.s32 @!p0 s3, s7;
	s7 =	simm.s32 @!p0 $0x108  }
0x21: {  	s3 =	sadd.s32 s3, s9;
	s6 =	sadd.s32 @!p0 $0x88, s6;
	s7 =	simm.s32 @p2 $0x1082  }
0x22: {  	[simem:s7], [sflag:s8] =	dma.local @!p0 [hbm:s6], $0xF7A  }
0x23: {  	s9 =	sor.u32 $0xD0000000, s2;
	s6 =	simm.s32 $0x108;
	_ =	swait.ge @!p0 [sflag:s8], $0x0  }
0x24: {  	s3 =	sadd.s32 $0x88, s3;
	s6 =	simm.s32 @!p1 $0x1082;
	[sflag:s4] =	ssyncset.s32 $0xFFFFF086  }
0x25: {  	[simem:s6], [sflag:s4] =	dma.local [hbm:s3], $0xF7A  }
0x26: {  	[smem:$0x3F58] =	sst s1;
	(tag) =	ssettag s2;
	_ =	strace s9  }
0x27: {  	s1 =	sld [smem:$0x3F68]  }
0x28: {  	s2 =	sld [smem:$0x3F69]  }
0x29: {  	s4 =	sld [smem:$0x3F6B]  }
0x2a: {  	p0 =	seq.s32 s5, $0x0;
	s5 =	sld [smem:$0x3F6C]  }
0x2b: {  	s6 =	sld [smem:$0x3F6D]  }
0x2c: {  	s7 =	sld [smem:$0x3F6E]  }
0x2d: {  	s3 =	simm.s32 $0x108;
	s8 =	sld [smem:$0x3F6F]  }
0x2e: {  	s3 =	simm.s32 @!p0 $0x1082;
	s9 =	sld [smem:$0x3F70]  }
0x2f: {  	lr =	sadd.s32 s0, s3;
	s0 =	sld [smem:$0x3F67]  }
0x30: {  	s3 =	sld [smem:$0x3F6A]  }
0x31: {  	[smem:$0x3F73] =	sst s10  }
0x32: {  	s10 =	sld [smem:$0x3F71];
	_ =	sdelay $0x3  }
0x33: {  	p0 =	seq.s32 s10, $0x1;
	s10 =	sld [smem:$0x3F73];
	_ =	sdelay $0x3  }
0x34: {  	[smem:$0x3F73] =	sst s10  }
0x35: {  	s10 =	sld [smem:$0x3F72];
	_ =	sdelay $0x3  }
0x36: {  	p1 =	seq.s32 s10, $0x1;
	s10 =	sld [smem:$0x3F73];
	_ =	sdelay $0x3  }
0x37: {  	[smem:$0x3F73] =	sst s10  }
0x38: {  	s10 =	sld [smem:$0x3F74]  }
0x39: {  	_ = 	snop;
	(pc) =	sbr.ind lr, $3  }
0x3a: {  	_ = 	snop  }
0x3b: {  	_ = 	snop  }
0x3c: {  	p2 =	seq.s32 s10, $0x1;
	s10 =	sld [smem:$0x3F73]  }
0x3d: {  	_ =	shalt  }
0x3e: {  	_ =	shalt  }
0x3f: {  	_ =	shalt  }
0x40: {  	_ =	shalt  }
0x41: {  	_ =	shalt  }
0x42: {  	_ =	shalt  }
0x43: {  	_ =	shalt  }
0x44: {  	_ =	shalt  }
0x45: {  	_ =	shalt  }
0x46: {  	_ =	shalt  }
0x47: {  	_ =	shalt  }
0x48: {  	_ =	shalt  }
0x49: {  	_ =	shalt  }
0x4a: {  	_ =	shalt  }
0x4b: {  	_ =	shalt  }
0x4c: {  	_ =	shalt  }
0x4d: {  	_ =	shalt  }
0x4e: {  	_ =	shalt  }
0x4f: {  	_ =	shalt  }
0x50: {  	_ =	shalt  }
0x51: {  	_ =	shalt  }
0x52: {  	_ =	shalt  }
0x53: {  	_ =	shalt  }
0x54: {  	_ =	shalt  }
0x55: {  	_ =	shalt  }
0x56: {  	_ =	shalt  }
0x57: {  	_ =	shalt  }
0x58: {  	_ =	shalt  }
0x59: {  	_ =	shalt  }
0x5a: {  	_ =	shalt  }
0x5b: {  	_ =	shalt  }
0x5c: {  	_ =	shalt  }
0x5d: {  	_ =	shalt  }
0x5e: {  	_ =	shalt  }
0x5f: {  	_ =	shalt  }
0x60: {  	_ =	shalt  }
0x61: {  	_ =	shalt  }
0x62: {  	_ =	shalt  }
0x63: {  	_ =	shalt  }
0x64: {  	_ =	shalt  }
0x65: {  	_ =	shalt  }
0x66: {  	_ =	shalt  }
0x67: {  	_ =	shalt  }
0x68: {  	_ =	shalt  }
0x69: {  	_ =	shalt  }
0x6a: {  	_ =	shalt  }
0x6b: {  	_ =	shalt  }
0x6c: {  	_ =	shalt  }
0x6d: {  	_ =	shalt  }
0x6e: {  	_ =	shalt  }
0x6f: {  	_ =	shalt  }
0x70: {  	_ =	shalt  }
0x71: {  	_ =	shalt  }
0x72: {  	_ =	shalt  }
0x73: {  	_ =	shalt  }
0x74: {  	_ =	shalt  }
0x75: {  	_ =	shalt  }
0x76: {  	_ =	shalt  }
0x77: {  	_ =	shalt  }
0x78: {  	_ =	shalt  }
0x79: {  	_ =	shalt  }
0x7a: {  	_ =	shalt  }
0x7b: {  	_ =	shalt  }
0x7c: {  	_ =	shalt  }
0x7d: {  	_ =	shalt  }
0x7e: {  	_ =	shalt  }
0x7f: {  	_ =	shalt  }
0x80: {  	_ =	shalt  }
0x81: {  	_ =	shalt  }
0x82: {  	_ =	shalt  }
0x83: {  	_ =	shalt  }
0x84: {  	_ =	shalt  }
0x85: {  	_ =	shalt  }
0x86: {  	_ =	shalt  }
0x87: {  	_ =	shalt  }
.Lfunc_end0:
.L_simem_size_0:
called_computation.2_lowered:
.L_overlay_start_0:
0x88: {  	s2 =	sld [smem:$0x3FD9]  }
0x89: {  	s3 =	sld [smem:$0x3FFE];
	_ =	sdelay $0x1  }
0x8a: {  	s1 =	srdreg.scid  }
0x8b: {  	s0 =	sand.u32 $0x1, s1  }
0x8c: {  	s16 =	sshll.u32 s0, $0xA;
	s2 =	sadd.s32 s3, s2  }
0x8d: {  	s2 =	sadd.s32 s2, s16  }
0x8e: {  	[smem:$0x3F7F] =	sst s2  }
0x8f: {  	_ = 	snop  }
0x90: {  	(tm) =	ssettm $0x1  }
0x91: {  	s17 =	sld [smem:$0x3FFB];
	_ =	sdelay $0x3  }
0x92: {  	_ =	strace s17  }
0x93: {  	s2 =	sld [smem:$0x3FFC];
	_ =	sdelay $0x3  }
0x94: {  	_ =	strace s2  }
0x95: {  	s2 =	sld [smem:$0x3FFD];
	_ =	sdelay $0x3  }
0x96: {  	_ =	strace s2  }
0x97: {  	_ =	strace $0x8FFFFFFF  }
0x98: {  	s18 =	sld [smem:$0x3FDB];
	_ =	sdelay $0x1  }
0x99: {  	s19 =	simm.s32 $_scs_section_size  }
0x9a: {  	s4 =	simm.s32 $_size__tile_overlayer_lowered;
	s5 =	simm.s32 $_tile_overlayer_lowered  }
0x9b: {  	s22 =	simm.s32 $0x1BFF;
	s21 =	sshll.u32 s5, $0x1;
	s2 =	sadd.s32 s19, s18  }
0x9c: {  	s6 =	simm.s32 $0x0;
	s20 =	sshll.u32 s4, $0x1;
	s4 =	sadd.s32 s21, s2  }
0x9d: {  	[timem:s6], [sflag:s22] =	dma.local [hbm:s4], s20  }
0x9e: {  	_ =	swait.ge [sflag:s22], s20  }
0x9f: {  	s3 =	ssub.s32 $0x0, s20;
	[sflag:s22] =	ssyncset.done $0x0  }
0xa0: {  	[sflag:s22] =	ssyncadd.s32 s3;
	_ =	sdelay $0x1  }
0xa1: {  	s23 =	simm.s32 $0x1B8B  }
0xa2: {  	_ =	swait.ge [sflag:s23], $0x1  }
0xa3: {  	[sflag:s23] =	ssyncset.done $0x0  }
0xa4: {  	s25 =	simm.s32 $0x1B8E;
	s24 =	sld [smem:$0x3FFE];
	[sflag:s23] =	ssyncadd.s32 $0xFFFFFFFF  }
0xa5: {  	s26 =	simm.s32 $execute0_lowered;
	[smem:$0x3FD2] =	sst s25  }
0xa6: {  	s4 =	sshll.u32 s26, $0x1;
	_ =	strace $0x8000004C;
	[dreg:$0x1] =	wrdreg $0xFFFFFFFF  }
0xa7: {  	s28 =	simm.s32 $_size_execute0_lowered;
	s2 =	sadd.s32 s2, s4;
	[dreg:$0x0] =	wrdreg $0x0  }
0xa8: {  	s4 =	sshll.u32 s28, $0x1;
	[dreg:$0x2] =	wrdreg s2  }
0xa9: {  	[dreg:$0x3] =	wrdreg s4  }
0xaa: {  	[dreg:$0x4] =	wrdreg $0xC0  }
0xab: {  	_ =	task [dreg:s6], $0x5FFFF  }
0xac: {  	[dreg:$0x1] =	wrdreg $0xFFFFFFFF  }
0xad: {  	[dreg:$0x0] =	wrdreg $0x60  }
0xae: {  	[dreg:$0x2] =	wrdreg s24  }
0xaf: {  	[dreg:$0x3] =	wrdreg $0x90000  }
0xb0: {  	[dreg:$0x4] =	wrdreg $0x9  }
0xb1: {  	_ =	task.clear_ibuf [dreg:s6], $0x5FFFF;
	_ =	strace $0x9000004C  }
0xb2: {  	s29 =	simm.s32 $0x9;
	_ =	strace $0x8000004E  }
0xb3: {  	_ =	swait.ge [sflag:s29], $0x1  }
0xb4: {  	[sflag:s29] =	ssyncadd.s32 $0xFFFFFFFF  }
0xb5: {  	_ =	strace $0x9000004E  }
0xb6: {  	_ =	sfence  }
0xb7: {  	s30 =	sld [smem:$0x0];
	_ =	sdelay $0x2  }
0xb8: {  	s31 =	sshll.u32 s1, $0xD;
	s1 =	sshrl.u32 s1, $0x2  }
0xb9: {  	s3 =	sand.u32 $0x4000, s31;
	s1 =	sadd.s32 s1, s30  }
0xba: {  	s0 =	sor.u32 s3, s0;
	s1 =	sshll.u32 s1, $0x11  }
0xbb: {  	s0 =	sor.u32 s1, s0  }
0xbc: {  	s0 =	sadd.s32 $0x8F2B, s0  }
0xbd: {  	[sflag:s0] =	ssyncadd.remote.s32 $0x1  }
0xbe: {  	_ =	sfence.sel $0xFFFF  }
0xbf: {  	[dreg:$0x0] =	wrdreg $0xFFFFFFFF;
	(pc) =	sbr.abs _section_cstart, $3  }
0xc0: {  	[dreg:$0x1] =	wrdreg $0xFFFFFFFF  }
0xc1: {  	_ =	task.clear_ibuf [dreg:s6], $0x2FFFF;
	_ =	strace $0x9FFFFFFF  }
0xc2: {  	(tm) =	ssettm $0x7FFFFFFF  }
0xc3: {  	_ =	shalt  }
tec
execute0_lowered:
.L_overlay_start_1:
0x0: {  	(tag) =	ssettag $0x1  }
0x1: {  	s5 =	rddreg [dreg:$0x0]  }
0x2: {  	s0 =	srdreg.scid;
	s2 =	rddreg [dreg:$0x1]  }
0x3: {  	s1 =	rddreg [dreg:$0x2];
	s3 =	simm.s32 $0x0;
	s14 =	simm.s32 $0x80  }
0x4: {  	s15 =	simm.s32 $0x5000;
	s16 =	simm.s32 $0x7000;
	s6 =	sand.u32 $0x1, s0  }
0x5: {  	s17 =	simm.s32 $0x1;
	s0 =	stileid.u32;
	s4 =	smul.u32 $0x28000, s6  }
0x6: {  	s18 =	simm.s32 $0x2;
	s19 =	simm.s32 $0x2780;
	s7 =	smul.u32 $0x2800, s0  }
0x7: {  	s20 =	simm.s32 $0x4F00;
	s21 =	simm.s32 $0x4F80;
	s8 =	smul.u32 $0xA000, s0  }
0x8: {  	s22 =	simm.s32 $0x0;
	[smem:$0x7FF] =	sst s3;
	s29 =	smul.u32 $0xA0000, s6  }
0x9: {  	_ =	strace $0x8000004D;
	s6 =	ssub.s32 $0x2, s6;
	s31 =	sshll.u32 s0, $0x6  }
0xa: {  	s30 =	sshrl.u32 s6, $0x1;
	s4 =	sadd.s32 s7, s4;
	s7 =	sadd.s32 s8, s29  }
0xb: {  	s10 =	sshrl.u32 s8, $0x3;
	s12 =	ssub.s32 s6, s30;
	s13 =	sadd.s32 s8, s2  }
0xc: {  	s6 =	sor.u32 $0x1C03, s31;
	s9 =	sshrl.u32 s4, $0x3;
	s4 =	sadd.s32 $0x5200, s5  }
0xd: {  	s7 =	sshrl.u32 s7, $0x3;
	s10 =	sadd.s32 s10, s5;
	s9 =	sadd.s32 s9, s5  }
0xe: {  	s11 =	sadd.s32 s7, s5;
	s5 =	sadd.s32 $0x40400, s10;
	s10 =	smax.u32 s12, $0x1  }
0xf: {  	s12 =	simm.s32 $0x3;
	s7 =	sadd.s32 $0x36400, s9;
	s8 =	sadd.s32 $0x2C400, s9  }
0x10: {  	s9 =	sadd.s32 $0x54400, s11;
	s11 =	sshrl.u32 s13, $0x3;
	s13 =	simm.s32 $0x2800  }
.LBB2_1:
0x11: {  	[spmem:s11], [sflag:s6] =	dma.local [hbm:s5], $0x1400  }
0x12: {  	_ =	swait.ge [sflag:s12], $0x1400  }
0x13: {  	[sflag:s12] =	ssyncset.done $0x0  }
0x14: {  	[sflag:s12] =	ssyncadd.s32 $0xFFFFEC00  }
0x15: {  	[tilespmem:s3], [sflag:$0x3] =	stream.linear.gather [hbm4b:s7+s3], $0x2800, $0x38;
	[tilespmem:$0x13000] =	vst v63  }
0x16: {  	_ =	swait.ge [sflag:s12], $0x2800  }
0x17: {  	[sflag:s12] =	ssyncset.done $0x0  }
0x18: {  	[sflag:s12] =	ssyncadd.s32 $0xFFFFD800  }
0x19: {  	[tilespmem:s13], [sflag:$0x3] =	stream.linear.gather [hbm4b:s8+s3], $0x2800, $0x38;
	[tilespmem:$0x13000] =	vst v63  }
0x1a: {  	_ =	swait.ge [sflag:s12], $0x2800  }
0x1b: {  	[sflag:s12] =	ssyncset.done $0x0  }
0x1c: {  	[sflag:s12] =	ssyncadd.s32 $0xFFFFD800  }
0x1d: {  	[bflag:$0x0] =	sbarrier.arrive $0xFFFF  }
0x1e: {  	[tilespmem:s15], [sflag:$0x1] =	stream.indirect.gather [hbm4b:s4+s14], $0x40, s3, s14, $0xb8;
	[tilespmem:$0x13000] =	vst v63  }
0x1f: {  	s23 =	simm.s32 $0x80  }
0x20: {  	[tilespmem:s16], [sflag:$0x2] =	stream.indirect.gather [hbm4b:s4+s14], $0x40, s23, s14, $0xb8;
	[tilespmem:$0x13000] =	vst v63  }
0x21: {  	_ =	swait.ge [sflag:s17], $0x2000  }
0x22: {  	[sflag:s17] =	ssyncset.done $0x0  }
0x23: {  	s29 =	simm.s32 $0x2800;
	[sflag:s17] =	ssyncadd.s32 $0xFFFFE000  }
0x24: {  	[spmem:s2] =	stream.indirect.scatter.add.f32 [tilespmem:s15], [sflag:$0x3], $0x40, s29, s14, $0xb8;
	[tilespmem:$0x13000] =	vst v63  }
0x25: {  	_ =	swait.ge [sflag:s12], $0x2000  }
0x26: {  	[sflag:s12] =	ssyncset.done $0x0  }
0x27: {  	s30 =	simm.s32 $0x100;
	[sflag:s12] =	ssyncadd.s32 $0xFFFFE000  }
0x28: {  	[tilespmem:s15], [sflag:$0x1] =	stream.indirect.gather [hbm4b:s4+s14], $0x40, s30, s14, $0xb8;
	[tilespmem:$0x13000] =	vst v63  }
0x29: {  	_ =	swait.ge [sflag:s18], $0x2000  }
0x2a: {  	[sflag:s18] =	ssyncset.done $0x0  }
0x2b: {  	s31 =	simm.s32 $0x2880;
	[sflag:s18] =	ssyncadd.s32 $0xFFFFE000  }
0x2c: {  	[spmem:s2] =	stream.indirect.scatter.add.f32 [tilespmem:s16], [sflag:$0x3], $0x40, s31, s14, $0xb8;
	[tilespmem:$0x13000] =	vst v63  }
0x2d: {  	_ =	swait.ge [sflag:s12], $0x2000  }
0x2e: {  	s24 =	simm.s32 $0x800;
	s23 =	simm.s32 $0x100;
	[sflag:s12] =	ssyncset.done $0x0  }
.LBB2_2:
0x2f: {  	s25 =	sadd.s32 $0x80, s23  }
0x30: {  	[sflag:s12] =	ssyncadd.s32 $0xFFFFE000;
	s26 =	smov.u32 s24;
	s28 =	sadd.s32 $0x400, s24  }
0x31: {  	[tilespmem:s16], [sflag:$0x2] =	stream.indirect.gather [hbm4b:s4+s14], $0x40, s25, s14, $0xb8;
	[tilespmem:$0x13000] =	vst v63  }
0x32: {  	p0 =	sne.s32 s24, $0x9800;
	_ =	swait.ge [sflag:s17], $0x2000  }
0x33: {  	[sflag:s17] =	ssyncset.done $0x0  }
0x34: {  	s24 =	sadd.s32 $0x2800, s23;
	[sflag:s17] =	ssyncadd.s32 $0xFFFFE000  }
0x35: {  	[spmem:s2] =	stream.indirect.scatter.add.f32 [tilespmem:s15], [sflag:$0x3], $0x40, s24, s14, $0xb8;
	[tilespmem:$0x13000] =	vst v63  }
0x36: {  	_ =	swait.ge [sflag:s12], $0x2000  }
0x37: {  	[sflag:s12] =	ssyncset.done $0x0  }
0x38: {  	s24 =	sadd.s32 $0x100, s23;
	[sflag:s12] =	ssyncadd.s32 $0xFFFFE000  }
0x39: {  	[tilespmem:s15], [sflag:$0x1] =	stream.indirect.gather [hbm4b:s4+s14], $0x40, s24, s14, $0xb8;
	[tilespmem:$0x13000] =	vst v63  }
0x3a: {  	_ =	swait.ge [sflag:s18], $0x2000  }
.Ltmp0:
0x3b: {  	[sflag:s18] =	ssyncset.done $0x0;
	(pc) =	sbr.rel @p0 .LBB2_2-.Ltmp0, $4  }
0x3c: {  	s23 =	sadd.s32 $0x2880, s23;
	[sflag:s18] =	ssyncadd.s32 $0xFFFFE000  }
0x3d: {  	[spmem:s2] =	stream.indirect.scatter.add.f32 [tilespmem:s16], [sflag:$0x3], $0x40, s23, s14, $0xb8;
	[tilespmem:$0x13000] =	vst v63  }
0x3e: {  	_ =	swait.ge [sflag:s12], $0x2000  }
0x3f: {  	s24 =	smov.u32 s28;
	s23 =	sshra.s32 s26, $0x2;
	[sflag:s12] =	ssyncset.done $0x0  }
0x40: {  	s24 =	sadd.s32 $0x80, s23;
	[sflag:s12] =	ssyncadd.s32 $0xFFFFE000  }
0x41: {  	[tilespmem:s16], [sflag:$0x2] =	stream.indirect.gather [hbm4b:s4+s14], $0x40, s24, s14, $0xb8;
	[tilespmem:$0x13000] =	vst v63  }
0x42: {  	_ =	swait.ge [sflag:s17], $0x2000  }
0x43: {  	[sflag:s17] =	ssyncset.done $0x0  }
0x44: {  	s29 =	sadd.s32 $0x2800, s23;
	[sflag:s17] =	ssyncadd.s32 $0xFFFFE000  }
0x45: {  	[spmem:s2] =	stream.indirect.scatter.add.f32 [tilespmem:s15], [sflag:$0x3], $0x40, s29, s14, $0xb8;
	[tilespmem:$0x13000] =	vst v63  }
0x46: {  	_ =	swait.ge [sflag:s12], $0x2000  }
0x47: {  	[sflag:s12] =	ssyncset.done $0x0  }
0x48: {  	s30 =	sadd.s32 $0x100, s23;
	[sflag:s12] =	ssyncadd.s32 $0xFFFFE000  }
0x49: {  	[tilespmem:s15], [sflag:$0x1] =	stream.indirect.gather [hbm4b:s4+s14], $0x40, s30, s14, $0xb8;
	[tilespmem:$0x13000] =	vst v63  }
0x4a: {  	_ =	swait.ge [sflag:s18], $0x2000  }
0x4b: {  	[sflag:s18] =	ssyncset.done $0x0  }
0x4c: {  	s31 =	sadd.s32 $0x2880, s23;
	[sflag:s18] =	ssyncadd.s32 $0xFFFFE000  }
0x4d: {  	[spmem:s2] =	stream.indirect.scatter.add.f32 [tilespmem:s16], [sflag:$0x3], $0x40, s31, s14, $0xb8;
	[tilespmem:$0x13000] =	vst v63  }
0x4e: {  	_ =	swait.ge [sflag:s12], $0x2000  }
0x4f: {  	[sflag:s12] =	ssyncset.done $0x0  }
0x50: {  	[sflag:s12] =	ssyncadd.s32 $0xFFFFE000  }
0x51: {  	[tilespmem:s16], [sflag:$0x2] =	stream.indirect.gather [hbm4b:s4+s14], $0x40, s19, s14, $0xb8;
	[tilespmem:$0x13000] =	vst v63  }
0x52: {  	_ =	swait.ge [sflag:s17], $0x2000  }
0x53: {  	[sflag:s17] =	ssyncset.done $0x0  }
0x54: {  	[sflag:s17] =	ssyncadd.s32 $0xFFFFE000  }
0x55: {  	[spmem:s2] =	stream.indirect.scatter.add.f32 [tilespmem:s15], [sflag:$0x3], $0x40, s20, s14, $0xb8;
	[tilespmem:$0x13000] =	vst v63  }
0x56: {  	_ =	swait.ge [sflag:s12], $0x2000  }
0x57: {  	[sflag:s12] =	ssyncset.done $0x0  }
0x58: {  	[sflag:s12] =	ssyncadd.s32 $0xFFFFE000  }
0x59: {  	_ =	swait.ge [sflag:s18], $0x2000  }
0x5a: {  	[sflag:s18] =	ssyncset.done $0x0  }
0x5b: {  	[sflag:s18] =	ssyncadd.s32 $0xFFFFE000  }
0x5c: {  	[spmem:s2] =	stream.indirect.scatter.add.f32 [tilespmem:s16], [sflag:$0x3], $0x40, s21, s14, $0xb8;
	[tilespmem:$0x13000] =	vst v63  }
0x5d: {  	_ =	swait.ge [sflag:s12], $0x2000  }
0x5e: {  	s22 =	sadd.s32 $0x1, s22;
	[sflag:s12] =	ssyncset.done $0x0  }
0x5f: {  	p0 =	sne.s32 s22, s10;
	[sflag:s12] =	ssyncadd.s32 $0xFFFFE000  }
.Ltmp1:
0x60: {  	[bflag:$0x0] =	sbarrier.arrive $0xFFFF;
	(pc) =	sbr.rel @p0 .LBB2_1-.Ltmp1, $4  }
0x61: {  	[hbm:s9], [sflag:s6] =	dma.local [spmem:s11], $0x1400  }
0x62: {  	_ =	swait.ge [sflag:s12], $0x1400  }
0x63: {  	[sflag:s12] =	ssyncset.done $0x0  }
0x64: {  	[sflag:s12] =	ssyncadd.s32 $0xFFFFEC00  }
0x65: {  	_ =	sfence.sel $0x180000  }
0x66: {  	[bflag:$0x0] =	sbarrier.arrive $0xFFFF  }
0x67: {  	p0 =	sne.s32 s0, $0x0;
	_ =	strace $0x9000004D  }
0x68: {  	s0 =	sadd.s32 @!p0 $0x100000, s1;
	[bflag:$0x2] =	sbarrier.arrive $0xFFFF  }
0x69: {  	[sflag:s0] =	ssyncadd.tile.s32 @!p0 $0x1;
	_ =	shalt  }
.Lfunc_end2:
_tile_overlayer_lowered:
.L_overlay_start_2:
0x6a: {  	(tag) =	ssettag $0x2  }
0x6b: {  	s0 =	rddreg [dreg:$0x0];
	s2 =	stileid.u32  }
0x6c: {  	s1 =	rddreg [dreg:$0x1];
	p0 =	sne.s32 s2, $0x0  }
0x6d: {  	s3 =	rddreg [dreg:$0x2];
	[bflag:$0x3] =	sbarrier.arrive $0xFFFF;
	s2 =	simm.s32 @!p0 $0x1C03  }
0x6e: {  	[timem:s3], [sflag:s2] =	dma.local @!p0 [hbm:s0], s1  }
0x6f: {  	s0 =	simm.s32 @!p0 $0x3  }
0x70: {  	_ =	swait.ge @!p0 [sflag:s0], s1  }
0x71: {  	s1 =	ssub.s32 @!p0 $0x0, s1;
	[sflag:s0] =	ssyncset.done @!p0 $0x0  }
0x72: {  	[sflag:s0] =	ssyncadd.s32 @!p0 s1  }
0x73: {  	[bflag:$0x3] =	sbarrier.arrive $0xFFFF  }
0x74: {  	_ =	shalt  }

// kernel: kernel.26.cloned.1.call-start
scs
__scs_entry_jumppad:
0x0: {  	(pc) =	sbr.rel $0x88, $3  }
0x1: {  	(tag) =	ssettag $0x0;
	lr =	simm.s32 $0x1  }
0x2: {  	[smem:$0x3F58] =	sst lr;
	_ =	strace $0xD0000000  }
0x3: {  	_ = 	snop  }
0x4: {  	_ = 	snop  }
0x5: {  	_ = 	snop  }
0x6: {  	_ = 	snop  }
0x7: {  	_ = 	snop  }
__scs_overlays_trampoline_lowered:
0x8: {  	[smem:$0x3F67] =	sst s0  }
0x9: {  	[smem:$0x3F68] =	sst s1  }
0xa: {  	[smem:$0x3F69] =	sst s2  }
0xb: {  	[smem:$0x3F6A] =	sst s3  }
0xc: {  	[smem:$0x3F6B] =	sst s4  }
0xd: {  	[smem:$0x3F6C] =	sst s5  }
0xe: {  	[smem:$0x3F6D] =	sst s6  }
0xf: {  	[smem:$0x3F6E] =	sst s7  }
0x10: {  	[smem:$0x3F6F] =	sst s8  }
0x11: {  	[smem:$0x3F70] =	sst s9;
	s0 =	simm.s32 @!p0 $0x0  }
0x12: {  	s1 =	sld [smem:$0x3F56];
	s0 =	simm.s32 @p0 $0x1  }
0x13: {  	[smem:$0x3F71] =	sst s0;
	s0 =	simm.s32 @!p1 $0x0  }
0x14: {  	s2 =	sld [smem:$0x3F55];
	s0 =	simm.s32 @p1 $0x1  }
0x15: {  	[smem:$0x3F72] =	sst s0;
	s0 =	simm.s32 @!p2 $0x0  }
0x16: {  	s3 =	sld [smem:$0x3FDB];
	s0 =	simm.s32 @p2 $0x1  }
0x17: {  	s4 =	simm.s32 $0x1BF5;
	[smem:$0x3F74] =	sst s0  }
0x18: {  	s0 =	sld [smem:$0x3F57];
	_ =	swait.ge [sflag:s4], $0x0  }
0x19: {  	s7 =	sld [smem:$0x3F58]  }
0x1a: {  	s8 =	sadd.s32 $0xFFFFE003, lr  }
0x1b: {  	s9 =	sadd.s32 $0xFFFFFEF7, lr;
	s5 =	simm.s32 $0xFFFFFFFF;
	p2 =	slt.u32 s8, $0xFFFFF086  }
0x1c: {  	p1 =	slt.u32 s9, $0xF7A;
	s5 =	simm.s32 @!p2 $0x0  }
0x1d: {  	s5 =	simm.s32 @p1 $0x1;
	p0 =	seq.s32 s7, s2  }
0x1e: {  	s7 =	smul.u32 @!p0 $0xF7A, s2;
	p2 =	seq.s32 @!p0 s5, $0x0  }
0x1f: {  	s9 =	smul.u32 $0xF7A, s1;
	s8 =	simm.s32 @!p0 $0x1BF5;
	p2 =	por !p2, p0  }
0x20: {  	[sflag:s8] =	ssyncset.s32 @!p0 $0xFFFFF086;
	s6 =	sadd.s32 @!p0 s3, s7;
	s7 =	simm.s32 @!p0 $0x108  }
0x21: {  	s3 =	sadd.s32 s3, s9;
	s6 =	sadd.s32 @!p0 $0x88, s6;
	s7 =	simm.s32 @p2 $0x1082  }
0x22: {  	[simem:s7], [sflag:s8] =	dma.local @!p0 [hbm:s6], $0xF7A  }
0x23: {  	s9 =	sor.u32 $0xD0000000, s2;
	s6 =	simm.s32 $0x108;
	_ =	swait.ge @!p0 [sflag:s8], $0x0  }
0x24: {  	s3 =	sadd.s32 $0x88, s3;
	s6 =	simm.s32 @!p1 $0x1082;
	[sflag:s4] =	ssyncset.s32 $0xFFFFF086  }
0x25: {  	[simem:s6], [sflag:s4] =	dma.local [hbm:s3], $0xF7A  }
0x26: {  	[smem:$0x3F58] =	sst s1;
	(tag) =	ssettag s2;
	_ =	strace s9  }
0x27: {  	s1 =	sld [smem:$0x3F68]  }
0x28: {  	s2 =	sld [smem:$0x3F69]  }
0x29: {  	s4 =	sld [smem:$0x3F6B]  }
0x2a: {  	p0 =	seq.s32 s5, $0x0;
	s5 =	sld [smem:$0x3F6C]  }
0x2b: {  	s6 =	sld [smem:$0x3F6D]  }
0x2c: {  	s7 =	sld [smem:$0x3F6E]  }
0x2d: {  	s3 =	simm.s32 $0x108;
	s8 =	sld [smem:$0x3F6F]  }
0x2e: {  	s3 =	simm.s32 @!p0 $0x1082;
	s9 =	sld [smem:$0x3F70]  }
0x2f: {  	lr =	sadd.s32 s0, s3;
	s0 =	sld [smem:$0x3F67]  }
0x30: {  	s3 =	sld [smem:$0x3F6A]  }
0x31: {  	[smem:$0x3F73] =	sst s10  }
0x32: {  	s10 =	sld [smem:$0x3F71];
	_ =	sdelay $0x3  }
0x33: {  	p0 =	seq.s32 s10, $0x1;
	s10 =	sld [smem:$0x3F73];
	_ =	sdelay $0x3  }
0x34: {  	[smem:$0x3F73] =	sst s10  }
0x35: {  	s10 =	sld [smem:$0x3F72];
	_ =	sdelay $0x3  }
0x36: {  	p1 =	seq.s32 s10, $0x1;
	s10 =	sld [smem:$0x3F73];
	_ =	sdelay $0x3  }
0x37: {  	[smem:$0x3F73] =	sst s10  }
0x38: {  	s10 =	sld [smem:$0x3F74]  }
0x39: {  	_ = 	snop;
	(pc) =	sbr.ind lr, $3  }
0x3a: {  	_ = 	snop  }
0x3b: {  	_ = 	snop  }
0x3c: {  	p2 =	seq.s32 s10, $0x1;
	s10 =	sld [smem:$0x3F73]  }
0x3d: {  	_ =	shalt  }
0x3e: {  	_ =	shalt  }
0x3f: {  	_ =	shalt  }
0x40: {  	_ =	shalt  }
0x41: {  	_ =	shalt  }
0x42: {  	_ =	shalt  }
0x43: {  	_ =	shalt  }
0x44: {  	_ =	shalt  }
0x45: {  	_ =	shalt  }
0x46: {  	_ =	shalt  }
0x47: {  	_ =	shalt  }
0x48: {  	_ =	shalt  }
0x49: {  	_ =	shalt  }
0x4a: {  	_ =	shalt  }
0x4b: {  	_ =	shalt  }
0x4c: {  	_ =	shalt  }
0x4d: {  	_ =	shalt  }
0x4e: {  	_ =	shalt  }
0x4f: {  	_ =	shalt  }
0x50: {  	_ =	shalt  }
0x51: {  	_ =	shalt  }
0x52: {  	_ =	shalt  }
0x53: {  	_ =	shalt  }
0x54: {  	_ =	shalt  }
0x55: {  	_ =	shalt  }
0x56: {  	_ =	shalt  }
0x57: {  	_ =	shalt  }
0x58: {  	_ =	shalt  }
0x59: {  	_ =	shalt  }
0x5a: {  	_ =	shalt  }
0x5b: {  	_ =	shalt  }
0x5c: {  	_ =	shalt  }
0x5d: {  	_ =	shalt  }
0x5e: {  	_ =	shalt  }
0x5f: {  	_ =	shalt  }
0x60: {  	_ =	shalt  }
0x61: {  	_ =	shalt  }
0x62: {  	_ =	shalt  }
0x63: {  	_ =	shalt  }
0x64: {  	_ =	shalt  }
0x65: {  	_ =	shalt  }
0x66: {  	_ =	shalt  }
0x67: {  	_ =	shalt  }
0x68: {  	_ =	shalt  }
0x69: {  	_ =	shalt  }
0x6a: {  	_ =	shalt  }
0x6b: {  	_ =	shalt  }
0x6c: {  	_ =	shalt  }
0x6d: {  	_ =	shalt  }
0x6e: {  	_ =	shalt  }
0x6f: {  	_ =	shalt  }
0x70: {  	_ =	shalt  }
0x71: {  	_ =	shalt  }
0x72: {  	_ =	shalt  }
0x73: {  	_ =	shalt  }
0x74: {  	_ =	shalt  }
0x75: {  	_ =	shalt  }
0x76: {  	_ =	shalt  }
0x77: {  	_ =	shalt  }
0x78: {  	_ =	shalt  }
0x79: {  	_ =	shalt  }
0x7a: {  	_ =	shalt  }
0x7b: {  	_ =	shalt  }
0x7c: {  	_ =	shalt  }
0x7d: {  	_ =	shalt  }
0x7e: {  	_ =	shalt  }
0x7f: {  	_ =	shalt  }
0x80: {  	_ =	shalt  }
0x81: {  	_ =	shalt  }
0x82: {  	_ =	shalt  }
0x83: {  	_ =	shalt  }
0x84: {  	_ =	shalt  }
0x85: {  	_ =	shalt  }
0x86: {  	_ =	shalt  }
0x87: {  	_ =	shalt  }
.Lfunc_end0:
.L_simem_size_0:
called_computation.3_lowered:
.L_overlay_start_0:
0x88: {  	s2 =	sld [smem:$0x3FD9]  }
0x89: {  	s3 =	sld [smem:$0x3FFE];
	_ =	sdelay $0x1  }
0x8a: {  	s1 =	srdreg.scid  }
0x8b: {  	s0 =	sand.u32 $0x1, s1  }
0x8c: {  	s16 =	sshll.u32 s0, $0xA;
	s2 =	sadd.s32 s3, s2  }
0x8d: {  	s2 =	sadd.s32 s2, s16  }
0x8e: {  	[smem:$0x3F7F] =	sst s2  }
0x8f: {  	_ = 	snop  }
0x90: {  	(tm) =	ssettm $0x1  }
0x91: {  	s17 =	sld [smem:$0x3FFB];
	_ =	sdelay $0x3  }
0x92: {  	_ =	strace s17  }
0x93: {  	s2 =	sld [smem:$0x3FFC];
	_ =	sdelay $0x3  }
0x94: {  	_ =	strace s2  }
0x95: {  	s2 =	sld [smem:$0x3FFD];
	_ =	sdelay $0x3  }
0x96: {  	_ =	strace s2  }
0x97: {  	_ =	strace $0x8FFFFFFF  }
0x98: {  	s18 =	sld [smem:$0x3FDB];
	_ =	sdelay $0x1  }
0x99: {  	s19 =	simm.s32 $_scs_section_size  }
0x9a: {  	s4 =	simm.s32 $_size__tile_overlayer_lowered;
	s5 =	simm.s32 $_tile_overlayer_lowered  }
0x9b: {  	s22 =	simm.s32 $0x1BFF;
	s21 =	sshll.u32 s5, $0x1;
	s2 =	sadd.s32 s19, s18  }
0x9c: {  	s6 =	simm.s32 $0x0;
	s20 =	sshll.u32 s4, $0x1;
	s4 =	sadd.s32 s21, s2  }
0x9d: {  	[timem:s6], [sflag:s22] =	dma.local [hbm:s4], s20  }
0x9e: {  	_ =	swait.ge [sflag:s22], s20  }
0x9f: {  	s3 =	ssub.s32 $0x0, s20;
	[sflag:s22] =	ssyncset.done $0x0  }
0xa0: {  	[sflag:s22] =	ssyncadd.s32 s3;
	_ =	sdelay $0x1  }
0xa1: {  	s23 =	simm.s32 $0x1B8B  }
0xa2: {  	_ =	swait.ge [sflag:s23], $0x1  }
0xa3: {  	[sflag:s23] =	ssyncset.done $0x0  }
0xa4: {  	s25 =	simm.s32 $0x1B8E;
	s24 =	sld [smem:$0x3FFE];
	[sflag:s23] =	ssyncadd.s32 $0xFFFFFFFF  }
0xa5: {  	s26 =	simm.s32 $execute0_lowered;
	[smem:$0x3FD2] =	sst s25  }
0xa6: {  	s4 =	sshll.u32 s26, $0x1;
	_ =	strace $0x8000004F;
	[dreg:$0x1] =	wrdreg $0xFFFFFFFF  }
0xa7: {  	s28 =	simm.s32 $_size_execute0_lowered;
	s2 =	sadd.s32 s2, s4;
	[dreg:$0x0] =	wrdreg $0x0  }
0xa8: {  	s4 =	sshll.u32 s28, $0x1;
	[dreg:$0x2] =	wrdreg s2  }
0xa9: {  	[dreg:$0x3] =	wrdreg s4  }
0xaa: {  	[dreg:$0x4] =	wrdreg $0xC0  }
0xab: {  	_ =	task [dreg:s6], $0x5FFFF  }
0xac: {  	[dreg:$0x1] =	wrdreg $0xFFFFFFFF  }
0xad: {  	[dreg:$0x0] =	wrdreg $0x60  }
0xae: {  	[dreg:$0x2] =	wrdreg s24  }
0xaf: {  	[dreg:$0x3] =	wrdreg $0x90000  }
0xb0: {  	[dreg:$0x4] =	wrdreg $0x9  }
0xb1: {  	_ =	task.clear_ibuf [dreg:s6], $0x5FFFF;
	_ =	strace $0x9000004F  }
0xb2: {  	s29 =	simm.s32 $0x9;
	_ =	strace $0x80000051  }
0xb3: {  	_ =	swait.ge [sflag:s29], $0x1  }
0xb4: {  	[sflag:s29] =	ssyncadd.s32 $0xFFFFFFFF  }
0xb5: {  	_ =	strace $0x90000051  }
0xb6: {  	_ =	sfence  }
0xb7: {  	s30 =	sld [smem:$0x0];
	_ =	sdelay $0x2  }
0xb8: {  	s31 =	sshll.u32 s1, $0xD;
	s1 =	sshrl.u32 s1, $0x2  }
0xb9: {  	s3 =	sand.u32 $0x4000, s31;
	s1 =	sadd.s32 s1, s30  }
0xba: {  	s0 =	sor.u32 s3, s0;
	s1 =	sshll.u32 s1, $0x11  }
0xbb: {  	s0 =	sor.u32 s1, s0  }
0xbc: {  	s0 =	sadd.s32 $0x8F2B, s0  }
0xbd: {  	[sflag:s0] =	ssyncadd.remote.s32 $0x1  }
0xbe: {  	_ =	sfence.sel $0xFFFF  }
0xbf: {  	[dreg:$0x0] =	wrdreg $0xFFFFFFFF;
	(pc) =	sbr.abs _section_cstart, $3  }
0xc0: {  	[dreg:$0x1] =	wrdreg $0xFFFFFFFF  }
0xc1: {  	_ =	task.clear_ibuf [dreg:s6], $0x2FFFF;
	_ =	strace $0x9FFFFFFF  }
0xc2: {  	(tm) =	ssettm $0x7FFFFFFF  }
0xc3: {  	_ =	shalt  }
tec
execute0_lowered:
.L_overlay_start_1:
0x0: {  	(tag) =	ssettag $0x1  }
0x1: {  	s5 =	rddreg [dreg:$0x0]  }
0x2: {  	s0 =	srdreg.scid;
	s2 =	rddreg [dreg:$0x1]  }
0x3: {  	s1 =	rddreg [dreg:$0x2];
	s3 =	simm.s32 $0x0;
	s14 =	simm.s32 $0x80  }
0x4: {  	s15 =	simm.s32 $0x5000;
	s16 =	simm.s32 $0x7000;
	s6 =	sand.u32 $0x1, s0  }
0x5: {  	s17 =	simm.s32 $0x1;
	s0 =	stileid.u32;
	s4 =	smul.u32 $0x28000, s6  }
0x6: {  	s18 =	simm.s32 $0x2;
	s19 =	simm.s32 $0x2780;
	s7 =	smul.u32 $0x2800, s0  }
0x7: {  	s20 =	simm.s32 $0x4F00;
	s21 =	simm.s32 $0x4F80;
	s8 =	smul.u32 $0xA000, s0  }
0x8: {  	s22 =	simm.s32 $0x0;
	[smem:$0x7FF] =	sst s3;
	s29 =	smul.u32 $0xA0000, s6  }
0x9: {  	_ =	strace $0x80000050;
	s6 =	ssub.s32 $0x2, s6;
	s31 =	sshll.u32 s0, $0x6  }
0xa: {  	s30 =	sshrl.u32 s6, $0x1;
	s4 =	sadd.s32 s7, s4;
	s7 =	sadd.s32 s8, s29  }
0xb: {  	s10 =	sshrl.u32 s8, $0x3;
	s12 =	ssub.s32 s6, s30;
	s13 =	sadd.s32 s8, s2  }
0xc: {  	s6 =	sor.u32 $0x1C03, s31;
	s9 =	sshrl.u32 s4, $0x3;
	s4 =	sadd.s32 $0x5200, s5  }
0xd: {  	s7 =	sshrl.u32 s7, $0x3;
	s10 =	sadd.s32 s10, s5;
	s9 =	sadd.s32 s9, s5  }
0xe: {  	s11 =	sadd.s32 s7, s5;
	s5 =	sadd.s32 $0x40400, s10;
	s10 =	smax.u32 s12, $0x1  }
0xf: {  	s12 =	simm.s32 $0x3;
	s7 =	sadd.s32 $0x36400, s9;
	s8 =	sadd.s32 $0x2C400, s9  }
0x10: {  	s9 =	sadd.s32 $0x54400, s11;
	s11 =	sshrl.u32 s13, $0x3;
	s13 =	simm.s32 $0x2800  }
.LBB2_1:
0x11: {  	[spmem:s11], [sflag:s6] =	dma.local [hbm:s5], $0x1400  }
0x12: {  	_ =	swait.ge [sflag:s12], $0x1400  }
0x13: {  	[sflag:s12] =	ssyncset.done $0x0  }
0x14: {  	[sflag:s12] =	ssyncadd.s32 $0xFFFFEC00  }
0x15: {  	[tilespmem:s3], [sflag:$0x3] =	stream.linear.gather [hbm4b:s7+s3], $0x2800, $0x38;
	[tilespmem:$0x13000] =	vst v63  }
0x16: {  	_ =	swait.ge [sflag:s12], $0x2800  }
0x17: {  	[sflag:s12] =	ssyncset.done $0x0  }
0x18: {  	[sflag:s12] =	ssyncadd.s32 $0xFFFFD800  }
0x19: {  	[tilespmem:s13], [sflag:$0x3] =	stream.linear.gather [hbm4b:s8+s3], $0x2800, $0x38;
	[tilespmem:$0x13000] =	vst v63  }
0x1a: {  	_ =	swait.ge [sflag:s12], $0x2800  }
0x1b: {  	[sflag:s12] =	ssyncset.done $0x0  }
0x1c: {  	[sflag:s12] =	ssyncadd.s32 $0xFFFFD800  }
0x1d: {  	[bflag:$0x0] =	sbarrier.arrive $0xFFFF  }
0x1e: {  	[tilespmem:s15], [sflag:$0x1] =	stream.indirect.gather [hbm4b:s4+s14], $0x40, s3, s14, $0xb8;
	[tilespmem:$0x13000] =	vst v63  }
0x1f: {  	s23 =	simm.s32 $0x80  }
0x20: {  	[tilespmem:s16], [sflag:$0x2] =	stream.indirect.gather [hbm4b:s4+s14], $0x40, s23, s14, $0xb8;
	[tilespmem:$0x13000] =	vst v63  }
0x21: {  	_ =	swait.ge [sflag:s17], $0x2000  }
0x22: {  	[sflag:s17] =	ssyncset.done $0x0  }
0x23: {  	s29 =	simm.s32 $0x2800;
	[sflag:s17] =	ssyncadd.s32 $0xFFFFE000  }
0x24: {  	[spmem:s2] =	stream.indirect.scatter.add.f32 [tilespmem:s15], [sflag:$0x3], $0x40, s29, s14, $0xb8;
	[tilespmem:$0x13000] =	vst v63  }
0x25: {  	_ =	swait.ge [sflag:s12], $0x2000  }
0x26: {  	[sflag:s12] =	ssyncset.done $0x0  }
0x27: {  	s30 =	simm.s32 $0x100;
	[sflag:s12] =	ssyncadd.s32 $0xFFFFE000  }
0x28: {  	[tilespmem:s15], [sflag:$0x1] =	stream.indirect.gather [hbm4b:s4+s14], $0x40, s30, s14, $0xb8;
	[tilespmem:$0x13000] =	vst v63  }
0x29: {  	_ =	swait.ge [sflag:s18], $0x2000  }
0x2a: {  	[sflag:s18] =	ssyncset.done $0x0  }
0x2b: {  	s31 =	simm.s32 $0x2880;
	[sflag:s18] =	ssyncadd.s32 $0xFFFFE000  }
0x2c: {  	[spmem:s2] =	stream.indirect.scatter.add.f32 [tilespmem:s16], [sflag:$0x3], $0x40, s31, s14, $0xb8;
	[tilespmem:$0x13000] =	vst v63  }
0x2d: {  	_ =	swait.ge [sflag:s12], $0x2000  }
0x2e: {  	s24 =	simm.s32 $0x800;
	s23 =	simm.s32 $0x100;
	[sflag:s12] =	ssyncset.done $0x0  }
.LBB2_2:
0x2f: {  	s25 =	sadd.s32 $0x80, s23  }
0x30: {  	[sflag:s12] =	ssyncadd.s32 $0xFFFFE000;
	s26 =	smov.u32 s24;
	s28 =	sadd.s32 $0x400, s24  }
0x31: {  	[tilespmem:s16], [sflag:$0x2] =	stream.indirect.gather [hbm4b:s4+s14], $0x40, s25, s14, $0xb8;
	[tilespmem:$0x13000] =	vst v63  }
0x32: {  	p0 =	sne.s32 s24, $0x9800;
	_ =	swait.ge [sflag:s17], $0x2000  }
0x33: {  	[sflag:s17] =	ssyncset.done $0x0  }
0x34: {  	s24 =	sadd.s32 $0x2800, s23;
	[sflag:s17] =	ssyncadd.s32 $0xFFFFE000  }
0x35: {  	[spmem:s2] =	stream.indirect.scatter.add.f32 [tilespmem:s15], [sflag:$0x3], $0x40, s24, s14, $0xb8;
	[tilespmem:$0x13000] =	vst v63  }
0x36: {  	_ =	swait.ge [sflag:s12], $0x2000  }
0x37: {  	[sflag:s12] =	ssyncset.done $0x0  }
0x38: {  	s24 =	sadd.s32 $0x100, s23;
	[sflag:s12] =	ssyncadd.s32 $0xFFFFE000  }
0x39: {  	[tilespmem:s15], [sflag:$0x1] =	stream.indirect.gather [hbm4b:s4+s14], $0x40, s24, s14, $0xb8;
	[tilespmem:$0x13000] =	vst v63  }
0x3a: {  	_ =	swait.ge [sflag:s18], $0x2000  }
.Ltmp0:
0x3b: {  	[sflag:s18] =	ssyncset.done $0x0;
	(pc) =	sbr.rel @p0 .LBB2_2-.Ltmp0, $4  }
0x3c: {  	s23 =	sadd.s32 $0x2880, s23;
	[sflag:s18] =	ssyncadd.s32 $0xFFFFE000  }
0x3d: {  	[spmem:s2] =	stream.indirect.scatter.add.f32 [tilespmem:s16], [sflag:$0x3], $0x40, s23, s14, $0xb8;
	[tilespmem:$0x13000] =	vst v63  }
0x3e: {  	_ =	swait.ge [sflag:s12], $0x2000  }
0x3f: {  	s24 =	smov.u32 s28;
	s23 =	sshra.s32 s26, $0x2;
	[sflag:s12] =	ssyncset.done $0x0  }
0x40: {  	s24 =	sadd.s32 $0x80, s23;
	[sflag:s12] =	ssyncadd.s32 $0xFFFFE000  }
0x41: {  	[tilespmem:s16], [sflag:$0x2] =	stream.indirect.gather [hbm4b:s4+s14], $0x40, s24, s14, $0xb8;
	[tilespmem:$0x13000] =	vst v63  }
0x42: {  	_ =	swait.ge [sflag:s17], $0x2000  }
0x43: {  	[sflag:s17] =	ssyncset.done $0x0  }
0x44: {  	s29 =	sadd.s32 $0x2800, s23;
	[sflag:s17] =	ssyncadd.s32 $0xFFFFE000  }
0x45: {  	[spmem:s2] =	stream.indirect.scatter.add.f32 [tilespmem:s15], [sflag:$0x3], $0x40, s29, s14, $0xb8;
	[tilespmem:$0x13000] =	vst v63  }
0x46: {  	_ =	swait.ge [sflag:s12], $0x2000  }
0x47: {  	[sflag:s12] =	ssyncset.done $0x0  }
0x48: {  	s30 =	sadd.s32 $0x100, s23;
	[sflag:s12] =	ssyncadd.s32 $0xFFFFE000  }
0x49: {  	[tilespmem:s15], [sflag:$0x1] =	stream.indirect.gather [hbm4b:s4+s14], $0x40, s30, s14, $0xb8;
	[tilespmem:$0x13000] =	vst v63  }
0x4a: {  	_ =	swait.ge [sflag:s18], $0x2000  }
0x4b: {  	[sflag:s18] =	ssyncset.done $0x0  }
0x4c: {  	s31 =	sadd.s32 $0x2880, s23;
	[sflag:s18] =	ssyncadd.s32 $0xFFFFE000  }
0x4d: {  	[spmem:s2] =	stream.indirect.scatter.add.f32 [tilespmem:s16], [sflag:$0x3], $0x40, s31, s14, $0xb8;
	[tilespmem:$0x13000] =	vst v63  }
0x4e: {  	_ =	swait.ge [sflag:s12], $0x2000  }
0x4f: {  	[sflag:s12] =	ssyncset.done $0x0  }
0x50: {  	[sflag:s12] =	ssyncadd.s32 $0xFFFFE000  }
0x51: {  	[tilespmem:s16], [sflag:$0x2] =	stream.indirect.gather [hbm4b:s4+s14], $0x40, s19, s14, $0xb8;
	[tilespmem:$0x13000] =	vst v63  }
0x52: {  	_ =	swait.ge [sflag:s17], $0x2000  }
0x53: {  	[sflag:s17] =	ssyncset.done $0x0  }
0x54: {  	[sflag:s17] =	ssyncadd.s32 $0xFFFFE000  }
0x55: {  	[spmem:s2] =	stream.indirect.scatter.add.f32 [tilespmem:s15], [sflag:$0x3], $0x40, s20, s14, $0xb8;
	[tilespmem:$0x13000] =	vst v63  }
0x56: {  	_ =	swait.ge [sflag:s12], $0x2000  }
0x57: {  	[sflag:s12] =	ssyncset.done $0x0  }
0x58: {  	[sflag:s12] =	ssyncadd.s32 $0xFFFFE000  }
0x59: {  	_ =	swait.ge [sflag:s18], $0x2000  }
0x5a: {  	[sflag:s18] =	ssyncset.done $0x0  }
0x5b: {  	[sflag:s18] =	ssyncadd.s32 $0xFFFFE000  }
0x5c: {  	[spmem:s2] =	stream.indirect.scatter.add.f32 [tilespmem:s16], [sflag:$0x3], $0x40, s21, s14, $0xb8;
	[tilespmem:$0x13000] =	vst v63  }
0x5d: {  	_ =	swait.ge [sflag:s12], $0x2000  }
0x5e: {  	s22 =	sadd.s32 $0x1, s22;
	[sflag:s12] =	ssyncset.done $0x0  }
0x5f: {  	p0 =	sne.s32 s22, s10;
	[sflag:s12] =	ssyncadd.s32 $0xFFFFE000  }
.Ltmp1:
0x60: {  	[bflag:$0x0] =	sbarrier.arrive $0xFFFF;
	(pc) =	sbr.rel @p0 .LBB2_1-.Ltmp1, $4  }
0x61: {  	[hbm:s9], [sflag:s6] =	dma.local [spmem:s11], $0x1400  }
0x62: {  	_ =	swait.ge [sflag:s12], $0x1400  }
0x63: {  	[sflag:s12] =	ssyncset.done $0x0  }
0x64: {  	[sflag:s12] =	ssyncadd.s32 $0xFFFFEC00  }
0x65: {  	_ =	sfence.sel $0x180000  }
0x66: {  	[bflag:$0x0] =	sbarrier.arrive $0xFFFF  }
0x67: {  	p0 =	sne.s32 s0, $0x0;
	_ =	strace $0x90000050  }
0x68: {  	s0 =	sadd.s32 @!p0 $0x100000, s1;
	[bflag:$0x2] =	sbarrier.arrive $0xFFFF  }
0x69: {  	[sflag:s0] =	ssyncadd.tile.s32 @!p0 $0x1;
	_ =	shalt  }
.Lfunc_end2:
_tile_overlayer_lowered:
.L_overlay_start_2:
0x6a: {  	(tag) =	ssettag $0x2  }
0x6b: {  	s0 =	rddreg [dreg:$0x0];
	s2 =	stileid.u32  }
0x6c: {  	s1 =	rddreg [dreg:$0x1];
	p0 =	sne.s32 s2, $0x0  }
0x6d: {  	s3 =	rddreg [dreg:$0x2];
	[bflag:$0x3] =	sbarrier.arrive $0xFFFF;
	s2 =	simm.s32 @!p0 $0x1C03  }
0x6e: {  	[timem:s3], [sflag:s2] =	dma.local @!p0 [hbm:s0], s1  }
0x6f: {  	s0 =	simm.s32 @!p0 $0x3  }
0x70: {  	_ =	swait.ge @!p0 [sflag:s0], s1  }
0x71: {  	s1 =	ssub.s32 @!p0 $0x0, s1;
	[sflag:s0] =	ssyncset.done @!p0 $0x0  }
0x72: {  	[sflag:s0] =	ssyncadd.s32 @!p0 s1  }
0x73: {  	[bflag:$0x3] =	sbarrier.arrive $0xFFFF  }
0x74: {  	_ =	shalt  }

// kernel: kernel.29.cloned.1.call-start
scs
__scs_entry_jumppad:
0x0: {  	(pc) =	sbr.rel $0x88, $3  }
0x1: {  	(tag) =	ssettag $0x0;
	lr =	simm.s32 $0x1  }
0x2: {  	[smem:$0x3F58] =	sst lr;
	_ =	strace $0xD0000000  }
0x3: {  	_ = 	snop  }
0x4: {  	_ = 	snop  }
0x5: {  	_ = 	snop  }
0x6: {  	_ = 	snop  }
0x7: {  	_ = 	snop  }
__scs_overlays_trampoline_lowered:
0x8: {  	[smem:$0x3F67] =	sst s0  }
0x9: {  	[smem:$0x3F68] =	sst s1  }
0xa: {  	[smem:$0x3F69] =	sst s2  }
0xb: {  	[smem:$0x3F6A] =	sst s3  }
0xc: {  	[smem:$0x3F6B] =	sst s4  }
0xd: {  	[smem:$0x3F6C] =	sst s5  }
0xe: {  	[smem:$0x3F6D] =	sst s6  }
0xf: {  	[smem:$0x3F6E] =	sst s7  }
0x10: {  	[smem:$0x3F6F] =	sst s8  }
0x11: {  	[smem:$0x3F70] =	sst s9;
	s0 =	simm.s32 @!p0 $0x0  }
0x12: {  	s1 =	sld [smem:$0x3F56];
	s0 =	simm.s32 @p0 $0x1  }
0x13: {  	[smem:$0x3F71] =	sst s0;
	s0 =	simm.s32 @!p1 $0x0  }
0x14: {  	s2 =	sld [smem:$0x3F55];
	s0 =	simm.s32 @p1 $0x1  }
0x15: {  	[smem:$0x3F72] =	sst s0;
	s0 =	simm.s32 @!p2 $0x0  }
0x16: {  	s3 =	sld [smem:$0x3FDB];
	s0 =	simm.s32 @p2 $0x1  }
0x17: {  	s4 =	simm.s32 $0x1BF5;
	[smem:$0x3F74] =	sst s0  }
0x18: {  	s0 =	sld [smem:$0x3F57];
	_ =	swait.ge [sflag:s4], $0x0  }
0x19: {  	s7 =	sld [smem:$0x3F58]  }
0x1a: {  	s8 =	sadd.s32 $0xFFFFE003, lr  }
0x1b: {  	s9 =	sadd.s32 $0xFFFFFEF7, lr;
	s5 =	simm.s32 $0xFFFFFFFF;
	p2 =	slt.u32 s8, $0xFFFFF086  }
0x1c: {  	p1 =	slt.u32 s9, $0xF7A;
	s5 =	simm.s32 @!p2 $0x0  }
0x1d: {  	s5 =	simm.s32 @p1 $0x1;
	p0 =	seq.s32 s7, s2  }
0x1e: {  	s7 =	smul.u32 @!p0 $0xF7A, s2;
	p2 =	seq.s32 @!p0 s5, $0x0  }
0x1f: {  	s9 =	smul.u32 $0xF7A, s1;
	s8 =	simm.s32 @!p0 $0x1BF5;
	p2 =	por !p2, p0  }
0x20: {  	[sflag:s8] =	ssyncset.s32 @!p0 $0xFFFFF086;
	s6 =	sadd.s32 @!p0 s3, s7;
	s7 =	simm.s32 @!p0 $0x108  }
0x21: {  	s3 =	sadd.s32 s3, s9;
	s6 =	sadd.s32 @!p0 $0x88, s6;
	s7 =	simm.s32 @p2 $0x1082  }
0x22: {  	[simem:s7], [sflag:s8] =	dma.local @!p0 [hbm:s6], $0xF7A  }
0x23: {  	s9 =	sor.u32 $0xD0000000, s2;
	s6 =	simm.s32 $0x108;
	_ =	swait.ge @!p0 [sflag:s8], $0x0  }
0x24: {  	s3 =	sadd.s32 $0x88, s3;
	s6 =	simm.s32 @!p1 $0x1082;
	[sflag:s4] =	ssyncset.s32 $0xFFFFF086  }
0x25: {  	[simem:s6], [sflag:s4] =	dma.local [hbm:s3], $0xF7A  }
0x26: {  	[smem:$0x3F58] =	sst s1;
	(tag) =	ssettag s2;
	_ =	strace s9  }
0x27: {  	s1 =	sld [smem:$0x3F68]  }
0x28: {  	s2 =	sld [smem:$0x3F69]  }
0x29: {  	s4 =	sld [smem:$0x3F6B]  }
0x2a: {  	p0 =	seq.s32 s5, $0x0;
	s5 =	sld [smem:$0x3F6C]  }
0x2b: {  	s6 =	sld [smem:$0x3F6D]  }
0x2c: {  	s7 =	sld [smem:$0x3F6E]  }
0x2d: {  	s3 =	simm.s32 $0x108;
	s8 =	sld [smem:$0x3F6F]  }
0x2e: {  	s3 =	simm.s32 @!p0 $0x1082;
	s9 =	sld [smem:$0x3F70]  }
0x2f: {  	lr =	sadd.s32 s0, s3;
	s0 =	sld [smem:$0x3F67]  }
0x30: {  	s3 =	sld [smem:$0x3F6A]  }
0x31: {  	[smem:$0x3F73] =	sst s10  }
0x32: {  	s10 =	sld [smem:$0x3F71];
	_ =	sdelay $0x3  }
0x33: {  	p0 =	seq.s32 s10, $0x1;
	s10 =	sld [smem:$0x3F73];
	_ =	sdelay $0x3  }
0x34: {  	[smem:$0x3F73] =	sst s10  }
0x35: {  	s10 =	sld [smem:$0x3F72];
	_ =	sdelay $0x3  }
0x36: {  	p1 =	seq.s32 s10, $0x1;
	s10 =	sld [smem:$0x3F73];
	_ =	sdelay $0x3  }
0x37: {  	[smem:$0x3F73] =	sst s10  }
0x38: {  	s10 =	sld [smem:$0x3F74]  }
0x39: {  	_ = 	snop;
	(pc) =	sbr.ind lr, $3  }
0x3a: {  	_ = 	snop  }
0x3b: {  	_ = 	snop  }
0x3c: {  	p2 =	seq.s32 s10, $0x1;
	s10 =	sld [smem:$0x3F73]  }
0x3d: {  	_ =	shalt  }
0x3e: {  	_ =	shalt  }
0x3f: {  	_ =	shalt  }
0x40: {  	_ =	shalt  }
0x41: {  	_ =	shalt  }
0x42: {  	_ =	shalt  }
0x43: {  	_ =	shalt  }
0x44: {  	_ =	shalt  }
0x45: {  	_ =	shalt  }
0x46: {  	_ =	shalt  }
0x47: {  	_ =	shalt  }
0x48: {  	_ =	shalt  }
0x49: {  	_ =	shalt  }
0x4a: {  	_ =	shalt  }
0x4b: {  	_ =	shalt  }
0x4c: {  	_ =	shalt  }
0x4d: {  	_ =	shalt  }
0x4e: {  	_ =	shalt  }
0x4f: {  	_ =	shalt  }
0x50: {  	_ =	shalt  }
0x51: {  	_ =	shalt  }
0x52: {  	_ =	shalt  }
0x53: {  	_ =	shalt  }
0x54: {  	_ =	shalt  }
0x55: {  	_ =	shalt  }
0x56: {  	_ =	shalt  }
0x57: {  	_ =	shalt  }
0x58: {  	_ =	shalt  }
0x59: {  	_ =	shalt  }
0x5a: {  	_ =	shalt  }
0x5b: {  	_ =	shalt  }
0x5c: {  	_ =	shalt  }
0x5d: {  	_ =	shalt  }
0x5e: {  	_ =	shalt  }
0x5f: {  	_ =	shalt  }
0x60: {  	_ =	shalt  }
0x61: {  	_ =	shalt  }
0x62: {  	_ =	shalt  }
0x63: {  	_ =	shalt  }
0x64: {  	_ =	shalt  }
0x65: {  	_ =	shalt  }
0x66: {  	_ =	shalt  }
0x67: {  	_ =	shalt  }
0x68: {  	_ =	shalt  }
0x69: {  	_ =	shalt  }
0x6a: {  	_ =	shalt  }
0x6b: {  	_ =	shalt  }
0x6c: {  	_ =	shalt  }
0x6d: {  	_ =	shalt  }
0x6e: {  	_ =	shalt  }
0x6f: {  	_ =	shalt  }
0x70: {  	_ =	shalt  }
0x71: {  	_ =	shalt  }
0x72: {  	_ =	shalt  }
0x73: {  	_ =	shalt  }
0x74: {  	_ =	shalt  }
0x75: {  	_ =	shalt  }
0x76: {  	_ =	shalt  }
0x77: {  	_ =	shalt  }
0x78: {  	_ =	shalt  }
0x79: {  	_ =	shalt  }
0x7a: {  	_ =	shalt  }
0x7b: {  	_ =	shalt  }
0x7c: {  	_ =	shalt  }
0x7d: {  	_ =	shalt  }
0x7e: {  	_ =	shalt  }
0x7f: {  	_ =	shalt  }
0x80: {  	_ =	shalt  }
0x81: {  	_ =	shalt  }
0x82: {  	_ =	shalt  }
0x83: {  	_ =	shalt  }
0x84: {  	_ =	shalt  }
0x85: {  	_ =	shalt  }
0x86: {  	_ =	shalt  }
0x87: {  	_ =	shalt  }
.Lfunc_end0:
.L_simem_size_0:
called_computation.4_lowered:
.L_overlay_start_0:
0x88: {  	s2 =	sld [smem:$0x3FD9]  }
0x89: {  	s3 =	sld [smem:$0x3FFE];
	_ =	sdelay $0x1  }
0x8a: {  	s1 =	srdreg.scid  }
0x8b: {  	s0 =	sand.u32 $0x1, s1  }
0x8c: {  	s16 =	sshll.u32 s0, $0xA;
	s2 =	sadd.s32 s3, s2  }
0x8d: {  	s2 =	sadd.s32 s2, s16  }
0x8e: {  	[smem:$0x3F7F] =	sst s2  }
0x8f: {  	_ = 	snop  }
0x90: {  	(tm) =	ssettm $0x1  }
0x91: {  	s17 =	sld [smem:$0x3FFB];
	_ =	sdelay $0x3  }
0x92: {  	_ =	strace s17  }
0x93: {  	s2 =	sld [smem:$0x3FFC];
	_ =	sdelay $0x3  }
0x94: {  	_ =	strace s2  }
0x95: {  	s2 =	sld [smem:$0x3FFD];
	_ =	sdelay $0x3  }
0x96: {  	_ =	strace s2  }
0x97: {  	_ =	strace $0x8FFFFFFF  }
0x98: {  	s18 =	sld [smem:$0x3FDB];
	_ =	sdelay $0x1  }
0x99: {  	s19 =	simm.s32 $_scs_section_size  }
0x9a: {  	s4 =	simm.s32 $_size__tile_overlayer_lowered;
	s5 =	simm.s32 $_tile_overlayer_lowered  }
0x9b: {  	s22 =	simm.s32 $0x1BFF;
	s21 =	sshll.u32 s5, $0x1;
	s2 =	sadd.s32 s19, s18  }
0x9c: {  	s6 =	simm.s32 $0x0;
	s20 =	sshll.u32 s4, $0x1;
	s4 =	sadd.s32 s21, s2  }
0x9d: {  	[timem:s6], [sflag:s22] =	dma.local [hbm:s4], s20  }
0x9e: {  	_ =	swait.ge [sflag:s22], s20  }
0x9f: {  	s3 =	ssub.s32 $0x0, s20;
	[sflag:s22] =	ssyncset.done $0x0  }
0xa0: {  	[sflag:s22] =	ssyncadd.s32 s3;
	_ =	sdelay $0x1  }
0xa1: {  	s23 =	simm.s32 $0x1B8B  }
0xa2: {  	_ =	swait.ge [sflag:s23], $0x1  }
0xa3: {  	[sflag:s23] =	ssyncset.done $0x0  }
0xa4: {  	s25 =	simm.s32 $0x1B8E;
	s24 =	sld [smem:$0x3FFE];
	[sflag:s23] =	ssyncadd.s32 $0xFFFFFFFF  }
0xa5: {  	s26 =	simm.s32 $execute0_lowered;
	[smem:$0x3FD2] =	sst s25  }
0xa6: {  	s4 =	sshll.u32 s26, $0x1;
	_ =	strace $0x80000052;
	[dreg:$0x1] =	wrdreg $0xFFFFFFFF  }
0xa7: {  	s28 =	simm.s32 $_size_execute0_lowered;
	s2 =	sadd.s32 s2, s4;
	[dreg:$0x0] =	wrdreg $0x0  }
0xa8: {  	s4 =	sshll.u32 s28, $0x1;
	[dreg:$0x2] =	wrdreg s2  }
0xa9: {  	[dreg:$0x3] =	wrdreg s4  }
0xaa: {  	[dreg:$0x4] =	wrdreg $0xC0  }
0xab: {  	_ =	task [dreg:s6], $0x5FFFF  }
0xac: {  	[dreg:$0x1] =	wrdreg $0xFFFFFFFF  }
0xad: {  	[dreg:$0x0] =	wrdreg $0x60  }
0xae: {  	[dreg:$0x2] =	wrdreg s24  }
0xaf: {  	[dreg:$0x3] =	wrdreg $0x90000  }
0xb0: {  	[dreg:$0x4] =	wrdreg $0x9  }
0xb1: {  	_ =	task.clear_ibuf [dreg:s6], $0x5FFFF;
	_ =	strace $0x90000052  }
0xb2: {  	s29 =	simm.s32 $0x9;
	_ =	strace $0x80000054  }
0xb3: {  	_ =	swait.ge [sflag:s29], $0x1  }
0xb4: {  	[sflag:s29] =	ssyncadd.s32 $0xFFFFFFFF  }
0xb5: {  	_ =	strace $0x90000054  }
0xb6: {  	_ =	sfence  }
0xb7: {  	s30 =	sld [smem:$0x0];
	_ =	sdelay $0x2  }
0xb8: {  	s31 =	sshll.u32 s1, $0xD;
	s1 =	sshrl.u32 s1, $0x2  }
0xb9: {  	s3 =	sand.u32 $0x4000, s31;
	s1 =	sadd.s32 s1, s30  }
0xba: {  	s0 =	sor.u32 s3, s0;
	s1 =	sshll.u32 s1, $0x11  }
0xbb: {  	s0 =	sor.u32 s1, s0  }
0xbc: {  	s0 =	sadd.s32 $0x8F2B, s0  }
0xbd: {  	[sflag:s0] =	ssyncadd.remote.s32 $0x1  }
0xbe: {  	_ =	sfence.sel $0xFFFF  }
0xbf: {  	[dreg:$0x0] =	wrdreg $0xFFFFFFFF;
	(pc) =	sbr.abs _section_cstart, $3  }
0xc0: {  	[dreg:$0x1] =	wrdreg $0xFFFFFFFF  }
0xc1: {  	_ =	task.clear_ibuf [dreg:s6], $0x2FFFF;
	_ =	strace $0x9FFFFFFF  }
0xc2: {  	(tm) =	ssettm $0x7FFFFFFF  }
0xc3: {  	_ =	shalt  }
tec
execute0_lowered:
.L_overlay_start_1:
0x0: {  	(tag) =	ssettag $0x1  }
0x1: {  	s5 =	rddreg [dreg:$0x0]  }
0x2: {  	s0 =	srdreg.scid;
	s2 =	rddreg [dreg:$0x1]  }
0x3: {  	s1 =	rddreg [dreg:$0x2];
	s3 =	simm.s32 $0x0;
	s14 =	simm.s32 $0x80  }
0x4: {  	s15 =	simm.s32 $0x5000;
	s16 =	simm.s32 $0x7000;
	s6 =	sand.u32 $0x1, s0  }
0x5: {  	s17 =	simm.s32 $0x1;
	s0 =	stileid.u32;
	s4 =	smul.u32 $0x28000, s6  }
0x6: {  	s18 =	simm.s32 $0x2;
	s19 =	simm.s32 $0x2780;
	s7 =	smul.u32 $0x2800, s0  }
0x7: {  	s20 =	simm.s32 $0x4F00;
	s21 =	simm.s32 $0x4F80;
	s8 =	smul.u32 $0xA000, s0  }
0x8: {  	s22 =	simm.s32 $0x0;
	[smem:$0x7FF] =	sst s3;
	s29 =	smul.u32 $0xA0000, s6  }
0x9: {  	_ =	strace $0x80000053;
	s6 =	ssub.s32 $0x2, s6;
	s31 =	sshll.u32 s0, $0x6  }
0xa: {  	s30 =	sshrl.u32 s6, $0x1;
	s4 =	sadd.s32 s7, s4;
	s7 =	sadd.s32 s8, s29  }
0xb: {  	s10 =	sshrl.u32 s8, $0x3;
	s12 =	ssub.s32 s6, s30;
	s13 =	sadd.s32 s8, s2  }
0xc: {  	s6 =	sor.u32 $0x1C03, s31;
	s9 =	sshrl.u32 s4, $0x3;
	s4 =	sadd.s32 $0x5200, s5  }
0xd: {  	s7 =	sshrl.u32 s7, $0x3;
	s10 =	sadd.s32 s10, s5;
	s9 =	sadd.s32 s9, s5  }
0xe: {  	s11 =	sadd.s32 s7, s5;
	s5 =	sadd.s32 $0x40400, s10;
	s10 =	smax.u32 s12, $0x1  }
0xf: {  	s12 =	simm.s32 $0x3;
	s7 =	sadd.s32 $0x36400, s9;
	s8 =	sadd.s32 $0x2C400, s9  }
0x10: {  	s9 =	sadd.s32 $0x54400, s11;
	s11 =	sshrl.u32 s13, $0x3;
	s13 =	simm.s32 $0x2800  }
.LBB2_1:
0x11: {  	[spmem:s11], [sflag:s6] =	dma.local [hbm:s5], $0x1400  }
0x12: {  	_ =	swait.ge [sflag:s12], $0x1400  }
0x13: {  	[sflag:s12] =	ssyncset.done $0x0  }
0x14: {  	[sflag:s12] =	ssyncadd.s32 $0xFFFFEC00  }
0x15: {  	[tilespmem:s3], [sflag:$0x3] =	stream.linear.gather [hbm4b:s7+s3], $0x2800, $0x38;
	[tilespmem:$0x13000] =	vst v63  }
0x16: {  	_ =	swait.ge [sflag:s12], $0x2800  }
0x17: {  	[sflag:s12] =	ssyncset.done $0x0  }
0x18: {  	[sflag:s12] =	ssyncadd.s32 $0xFFFFD800  }
0x19: {  	[tilespmem:s13], [sflag:$0x3] =	stream.linear.gather [hbm4b:s8+s3], $0x2800, $0x38;
	[tilespmem:$0x13000] =	vst v63  }
0x1a: {  	_ =	swait.ge [sflag:s12], $0x2800  }
0x1b: {  	[sflag:s12] =	ssyncset.done $0x0  }
0x1c: {  	[sflag:s12] =	ssyncadd.s32 $0xFFFFD800  }
0x1d: {  	[bflag:$0x0] =	sbarrier.arrive $0xFFFF  }
0x1e: {  	[tilespmem:s15], [sflag:$0x1] =	stream.indirect.gather [hbm4b:s4+s14], $0x40, s3, s14, $0xb8;
	[tilespmem:$0x13000] =	vst v63  }
0x1f: {  	s23 =	simm.s32 $0x80  }
0x20: {  	[tilespmem:s16], [sflag:$0x2] =	stream.indirect.gather [hbm4b:s4+s14], $0x40, s23, s14, $0xb8;
	[tilespmem:$0x13000] =	vst v63  }
0x21: {  	_ =	swait.ge [sflag:s17], $0x2000  }
0x22: {  	[sflag:s17] =	ssyncset.done $0x0  }
0x23: {  	s29 =	simm.s32 $0x2800;
	[sflag:s17] =	ssyncadd.s32 $0xFFFFE000  }
0x24: {  	[spmem:s2] =	stream.indirect.scatter.add.f32 [tilespmem:s15], [sflag:$0x3], $0x40, s29, s14, $0xb8;
	[tilespmem:$0x13000] =	vst v63  }
0x25: {  	_ =	swait.ge [sflag:s12], $0x2000  }
0x26: {  	[sflag:s12] =	ssyncset.done $0x0  }
0x27: {  	s30 =	simm.s32 $0x100;
	[sflag:s12] =	ssyncadd.s32 $0xFFFFE000  }
0x28: {  	[tilespmem:s15], [sflag:$0x1] =	stream.indirect.gather [hbm4b:s4+s14], $0x40, s30, s14, $0xb8;
	[tilespmem:$0x13000] =	vst v63  }
0x29: {  	_ =	swait.ge [sflag:s18], $0x2000  }
0x2a: {  	[sflag:s18] =	ssyncset.done $0x0  }
0x2b: {  	s31 =	simm.s32 $0x2880;
	[sflag:s18] =	ssyncadd.s32 $0xFFFFE000  }
0x2c: {  	[spmem:s2] =	stream.indirect.scatter.add.f32 [tilespmem:s16], [sflag:$0x3], $0x40, s31, s14, $0xb8;
	[tilespmem:$0x13000] =	vst v63  }
0x2d: {  	_ =	swait.ge [sflag:s12], $0x2000  }
0x2e: {  	s24 =	simm.s32 $0x800;
	s23 =	simm.s32 $0x100;
	[sflag:s12] =	ssyncset.done $0x0  }
.LBB2_2:
0x2f: {  	s25 =	sadd.s32 $0x80, s23  }
0x30: {  	[sflag:s12] =	ssyncadd.s32 $0xFFFFE000;
	s26 =	smov.u32 s24;
	s28 =	sadd.s32 $0x400, s24  }
0x31: {  	[tilespmem:s16], [sflag:$0x2] =	stream.indirect.gather [hbm4b:s4+s14], $0x40, s25, s14, $0xb8;
	[tilespmem:$0x13000] =	vst v63  }
0x32: {  	p0 =	sne.s32 s24, $0x9800;
	_ =	swait.ge [sflag:s17], $0x2000  }
0x33: {  	[sflag:s17] =	ssyncset.done $0x0  }
0x34: {  	s24 =	sadd.s32 $0x2800, s23;
	[sflag:s17] =	ssyncadd.s32 $0xFFFFE000  }
0x35: {  	[spmem:s2] =	stream.indirect.scatter.add.f32 [tilespmem:s15], [sflag:$0x3], $0x40, s24, s14, $0xb8;
	[tilespmem:$0x13000] =	vst v63  }
0x36: {  	_ =	swait.ge [sflag:s12], $0x2000  }
0x37: {  	[sflag:s12] =	ssyncset.done $0x0  }
0x38: {  	s24 =	sadd.s32 $0x100, s23;
	[sflag:s12] =	ssyncadd.s32 $0xFFFFE000  }
0x39: {  	[tilespmem:s15], [sflag:$0x1] =	stream.indirect.gather [hbm4b:s4+s14], $0x40, s24, s14, $0xb8;
	[tilespmem:$0x13000] =	vst v63  }
0x3a: {  	_ =	swait.ge [sflag:s18], $0x2000  }
.Ltmp0:
0x3b: {  	[sflag:s18] =	ssyncset.done $0x0;
	(pc) =	sbr.rel @p0 .LBB2_2-.Ltmp0, $4  }
0x3c: {  	s23 =	sadd.s32 $0x2880, s23;
	[sflag:s18] =	ssyncadd.s32 $0xFFFFE000  }
0x3d: {  	[spmem:s2] =	stream.indirect.scatter.add.f32 [tilespmem:s16], [sflag:$0x3], $0x40, s23, s14, $0xb8;
	[tilespmem:$0x13000] =	vst v63  }
0x3e: {  	_ =	swait.ge [sflag:s12], $0x2000  }
0x3f: {  	s24 =	smov.u32 s28;
	s23 =	sshra.s32 s26, $0x2;
	[sflag:s12] =	ssyncset.done $0x0  }
0x40: {  	s24 =	sadd.s32 $0x80, s23;
	[sflag:s12] =	ssyncadd.s32 $0xFFFFE000  }
0x41: {  	[tilespmem:s16], [sflag:$0x2] =	stream.indirect.gather [hbm4b:s4+s14], $0x40, s24, s14, $0xb8;
	[tilespmem:$0x13000] =	vst v63  }
0x42: {  	_ =	swait.ge [sflag:s17], $0x2000  }
0x43: {  	[sflag:s17] =	ssyncset.done $0x0  }
0x44: {  	s29 =	sadd.s32 $0x2800, s23;
	[sflag:s17] =	ssyncadd.s32 $0xFFFFE000  }
0x45: {  	[spmem:s2] =	stream.indirect.scatter.add.f32 [tilespmem:s15], [sflag:$0x3], $0x40, s29, s14, $0xb8;
	[tilespmem:$0x13000] =	vst v63  }
0x46: {  	_ =	swait.ge [sflag:s12], $0x2000  }
0x47: {  	[sflag:s12] =	ssyncset.done $0x0  }
0x48: {  	s30 =	sadd.s32 $0x100, s23;
	[sflag:s12] =	ssyncadd.s32 $0xFFFFE000  }
0x49: {  	[tilespmem:s15], [sflag:$0x1] =	stream.indirect.gather [hbm4b:s4+s14], $0x40, s30, s14, $0xb8;
	[tilespmem:$0x13000] =	vst v63  }
0x4a: {  	_ =	swait.ge [sflag:s18], $0x2000  }
0x4b: {  	[sflag:s18] =	ssyncset.done $0x0  }
0x4c: {  	s31 =	sadd.s32 $0x2880, s23;
	[sflag:s18] =	ssyncadd.s32 $0xFFFFE000  }
0x4d: {  	[spmem:s2] =	stream.indirect.scatter.add.f32 [tilespmem:s16], [sflag:$0x3], $0x40, s31, s14, $0xb8;
	[tilespmem:$0x13000] =	vst v63  }
0x4e: {  	_ =	swait.ge [sflag:s12], $0x2000  }
0x4f: {  	[sflag:s12] =	ssyncset.done $0x0  }
0x50: {  	[sflag:s12] =	ssyncadd.s32 $0xFFFFE000  }
0x51: {  	[tilespmem:s16], [sflag:$0x2] =	stream.indirect.gather [hbm4b:s4+s14], $0x40, s19, s14, $0xb8;
	[tilespmem:$0x13000] =	vst v63  }
0x52: {  	_ =	swait.ge [sflag:s17], $0x2000  }
0x53: {  	[sflag:s17] =	ssyncset.done $0x0  }
0x54: {  	[sflag:s17] =	ssyncadd.s32 $0xFFFFE000  }
0x55: {  	[spmem:s2] =	stream.indirect.scatter.add.f32 [tilespmem:s15], [sflag:$0x3], $0x40, s20, s14, $0xb8;
	[tilespmem:$0x13000] =	vst v63  }
0x56: {  	_ =	swait.ge [sflag:s12], $0x2000  }
0x57: {  	[sflag:s12] =	ssyncset.done $0x0  }
0x58: {  	[sflag:s12] =	ssyncadd.s32 $0xFFFFE000  }
0x59: {  	_ =	swait.ge [sflag:s18], $0x2000  }
0x5a: {  	[sflag:s18] =	ssyncset.done $0x0  }
0x5b: {  	[sflag:s18] =	ssyncadd.s32 $0xFFFFE000  }
0x5c: {  	[spmem:s2] =	stream.indirect.scatter.add.f32 [tilespmem:s16], [sflag:$0x3], $0x40, s21, s14, $0xb8;
	[tilespmem:$0x13000] =	vst v63  }
0x5d: {  	_ =	swait.ge [sflag:s12], $0x2000  }
0x5e: {  	s22 =	sadd.s32 $0x1, s22;
	[sflag:s12] =	ssyncset.done $0x0  }
0x5f: {  	p0 =	sne.s32 s22, s10;
	[sflag:s12] =	ssyncadd.s32 $0xFFFFE000  }
.Ltmp1:
0x60: {  	[bflag:$0x0] =	sbarrier.arrive $0xFFFF;
	(pc) =	sbr.rel @p0 .LBB2_1-.Ltmp1, $4  }
0x61: {  	[hbm:s9], [sflag:s6] =	dma.local [spmem:s11], $0x1400  }
0x62: {  	_ =	swait.ge [sflag:s12], $0x1400  }
0x63: {  	[sflag:s12] =	ssyncset.done $0x0  }
0x64: {  	[sflag:s12] =	ssyncadd.s32 $0xFFFFEC00  }
0x65: {  	_ =	sfence.sel $0x180000  }
0x66: {  	[bflag:$0x0] =	sbarrier.arrive $0xFFFF  }
0x67: {  	p0 =	sne.s32 s0, $0x0;
	_ =	strace $0x90000053  }
0x68: {  	s0 =	sadd.s32 @!p0 $0x100000, s1;
	[bflag:$0x2] =	sbarrier.arrive $0xFFFF  }
0x69: {  	[sflag:s0] =	ssyncadd.tile.s32 @!p0 $0x1;
	_ =	shalt  }
.Lfunc_end2:
_tile_overlayer_lowered:
.L_overlay_start_2:
0x6a: {  	(tag) =	ssettag $0x2  }
0x6b: {  	s0 =	rddreg [dreg:$0x0];
	s2 =	stileid.u32  }
0x6c: {  	s1 =	rddreg [dreg:$0x1];
	p0 =	sne.s32 s2, $0x0  }
0x6d: {  	s3 =	rddreg [dreg:$0x2];
	[bflag:$0x3] =	sbarrier.arrive $0xFFFF;
	s2 =	simm.s32 @!p0 $0x1C03  }
0x6e: {  	[timem:s3], [sflag:s2] =	dma.local @!p0 [hbm:s0], s1  }
0x6f: {  	s0 =	simm.s32 @!p0 $0x3  }
0x70: {  	_ =	swait.ge @!p0 [sflag:s0], s1  }
0x71: {  	s1 =	ssub.s32 @!p0 $0x0, s1;
	[sflag:s0] =	ssyncset.done @!p0 $0x0  }
0x72: {  	[sflag:s0] =	ssyncadd.s32 @!p0 s1  }
0x73: {  	[bflag:$0x3] =	sbarrier.arrive $0xFFFF  }
0x74: {  	_ =	shalt  }

</sc_bundles>
